<compile_context>
chip_gen: v7x
topology: tpu7x:2x2x1
jax: 0.10.2.dev20260603
libtpu: 0.0.44.dev20260713+nightly
codegen_flags: <defaults>
</compile_context>

<pallas_src>
import functools

import numpy as np
import jax
import jax.numpy as jnp
from jax import lax
from jax.experimental import pallas as pl
from jax.experimental.pallas import tpu as pltpu
from jax.experimental.pallas import tpu_sc as plsc

R = 128
C = 32768
L = 16
NC = 2
NS = 16
NW = NC * NS
ROWS_PER_W = R // NW

_U32 = np.uint32


def _rotl(x, d):
    x = x.astype(np.uint32)
    return ((x << _U32(d)) | (x >> _U32(32 - d))).astype(np.uint32)


def _threefry2x32(k1, k2, x1, x2):
    k1 = _U32(k1)
    k2 = _U32(k2)
    ks = [k1, k2, _U32(k1 ^ k2 ^ _U32(0x1BD11BDA))]
    rot = [[13, 15, 26, 6], [17, 29, 16, 24]]
    x = np.asarray(x1, np.uint32) + ks[0]
    y = np.asarray(x2, np.uint32) + ks[1]

    def rounds(x, y, rs):
        for r in rs:
            x = (x + y).astype(np.uint32)
            y = _rotl(y, r)
            y = x ^ y
        return x, y

    for i, (rs, kx, kofs) in enumerate(
        [(rot[0], 1, 2), (rot[1], 2, 0), (rot[0], 0, 1),
         (rot[1], 1, 2), (rot[0], 2, 0)]
    ):
        x, y = rounds(x, y, rs)
        x = (x + ks[kx]).astype(np.uint32)
        y = (y + ks[kofs] + _U32(i + 1)).astype(np.uint32)
    return x, y


def _fixed_permutation(n=C, seed=42):
    a, b = _threefry2x32(_U32(0), _U32(seed), np.array([0], np.uint32),
                         np.array([0], np.uint32))
    key = (a[0], b[0])

    perm = np.arange(n, dtype=np.int32)
    num_rounds = int(np.ceil(3 * np.log(n) / np.log(2**32 - 1)))
    for _ in range(num_rounds):
        b1, b2 = _threefry2x32(key[0], key[1], np.zeros(2, np.uint32),
                               np.arange(2, dtype=np.uint32))
        key = (b1[0], b2[0])
        subkey = (b1[1], b2[1])
        c1, c2 = _threefry2x32(subkey[0], subkey[1], np.zeros(n, np.uint32),
                               np.arange(n, dtype=np.uint32))
        perm = perm[np.argsort((c1 ^ c2).astype(np.uint32), kind="stable")]
    return perm


_PERM_HOST = _fixed_permutation()

_PERM_PACKED_HOST = np.ascontiguousarray(
    _PERM_HOST.reshape(C // 32, 2, 16)[:, 0, :]
    | (_PERM_HOST.reshape(C // 32, 2, 16)[:, 1, :] << 16)
).reshape(C // 2).astype(np.int32)

OCH = 8192
NCHUNK = C // OCH


@functools.cache
def _build_shuffle():
    mesh = plsc.VectorSubcoreMesh(
        core_axis_name="c", subcore_axis_name="s", num_cores=NC, num_subcores=NS
    )

    @functools.partial(
        pl.kernel,
        out_type=jax.ShapeDtypeStruct((R, C), jnp.float32),
        mesh=mesh,
        compiler_params=pltpu.CompilerParams(
            needs_layout_passes=False,
            disable_bounds_checks=True,
            disable_semaphore_checks=True,
            skip_device_barrier=True,
        ),
        scratch_types=[
            pltpu.VMEM_SHARED((C // 2,), jnp.int32),
            pltpu.VMEM((C // 2,), jnp.int32),
            pltpu.VMEM((C,), jnp.float32),
            pltpu.VMEM((C,), jnp.float32),
            pltpu.VMEM((OCH,), jnp.float32),
            pltpu.VMEM((OCH,), jnp.float32),
            pltpu.SemaphoreType.DMA,
            pltpu.SemaphoreType.DMA,
            pltpu.SemaphoreType.DMA,
            pltpu.SemaphoreType.DMA,
            pltpu.SemaphoreType.DMA,
        ],
    )
    def _shuffle_rows(x_hbm, perm_hbm, out_hbm, perm_s, perm_v, rin0, rin1,
                      ob0, ob1, sem_p, si0, si1, so0, so1):
        sid = lax.axis_index("s")
        wid = sid * NC + lax.axis_index("c")
        r0 = wid * ROWS_PER_W
        rins = [rin0, rin1]
        in_sems = [si0, si1]
        obufs = [ob0, ob1]
        out_sems = [so0, so1]

        @pl.when(sid == 0)
        def _():
            pltpu.sync_copy(perm_hbm, perm_s)

        cp_in = [
            pltpu.async_copy(x_hbm.at[r0 + i], rins[i], in_sems[i])
            for i in range(2)
        ]

        plsc.subcore_barrier()
        cp_perm = pltpu.async_copy(perm_s, perm_v, sem_p)
        cp_perm.wait()

        out_pending = [None, None]
        g = 0
        for rr in range(ROWS_PER_W):
            cur = rr % 2
            cp_in[cur].wait()
            for k in range(NCHUNK):
                slot = g % 2
                if out_pending[slot] is not None:
                    out_pending[slot].wait()
                base = k * (OCH // 2)

                @plsc.parallel_loop(0, OCH // 2, step=L, unroll=4)
                def _(j, _base=base, _cur=cur, _slot=slot):
                    w = perm_v[pl.ds(_base + j, L)]
                    lo = lax.bitwise_and(w, jnp.int32(0xFFFF))
                    hi = lax.shift_right_logical(w, jnp.int32(16))
                    obufs[_slot][pl.ds(2 * j, L)] = plsc.load_gather(
                        rins[_cur], [lo])
                    obufs[_slot][pl.ds(2 * j + L, L)] = plsc.load_gather(
                        rins[_cur], [hi])

                out_pending[slot] = pltpu.async_copy(
                    obufs[slot], out_hbm.at[r0 + rr, pl.ds(k * OCH, OCH)],
                    out_sems[slot])
                g += 1
            if rr + 2 < ROWS_PER_W:
                cp_in[cur] = pltpu.async_copy(
                    x_hbm.at[r0 + rr + 2], rins[cur], in_sems[cur])
        for slot in (0, 1):
            if out_pending[slot] is not None:
                out_pending[slot].wait()

    return _shuffle_rows


def kernel(x):
    perm = jnp.asarray(_PERM_PACKED_HOST)
    return _build_shuffle()(x, perm)

# --- scband reference (transcript-rebuilt; emitter-appended) ---
"""Pipeline reference for scband-shuffled-28398323761744 (READ-ONLY COPY).

The authoritative reference and input builder live on the scoring server;
editing this copy changes nothing except your own understanding.
"""

import jax, jax.numpy as jnp
import numpy as np


def setup_inputs(seed: int = 0) -> dict:
    key = jax.random.key(seed)
    x = jax.random.normal(key, (128, 32768), dtype=jnp.float32)
    return {"x": x}


def reference(x):
    # Shuffled(dims=-1, generator=None): draw a random permutation of the size of
    # the last dimension and index_select along that dim (same permutation applied
    # across the batch), mirroring torchoutil.nn.functional.transform.shuffled.
    dims = [-1]
    out = x
    perm_key = jax.random.key(42)
    for i, dim in enumerate(dims):
        k = jax.random.fold_in(perm_key, i)
        perm = jax.random.permutation(k, out.shape[dim])
        out = jnp.take(out, perm, axis=dim)
    return out

if __name__ == "__main__":
    import jax
    _d = setup_inputs()
    print(jax.jit(kernel)(*tuple(_d.values())))

</pallas_src>

<mosaic_0001>
#map = affine_map<(d0, d1) -> (0, 0)>
#map1 = affine_map<(d0, d1) -> (0)>
module attributes {stable_mosaic.version = 14 : i64} {
  func.func @_shuffle_rows(%arg0: i32, %arg1: i32, %arg2: memref<128x32768xf32, #tpu.memory_space<hbm>>, %arg3: memref<16384xi32, #tpu.memory_space<hbm>>, %arg4: memref<128x32768xf32, #tpu.memory_space<hbm>>, %arg5: memref<16384xi32, #tpu.memory_space<vmem_shared>>, %arg6: memref<16384xi32, #tpu.memory_space<vmem>>, %arg7: memref<32768xf32, #tpu.memory_space<vmem>>, %arg8: memref<32768xf32, #tpu.memory_space<vmem>>, %arg9: memref<8192xf32, #tpu.memory_space<vmem>>, %arg10: memref<8192xf32, #tpu.memory_space<vmem>>, %arg11: memref<!tpu.dma_semaphore, #tpu.memory_space<semaphore_mem>>, %arg12: memref<!tpu.dma_semaphore, #tpu.memory_space<semaphore_mem>>, %arg13: memref<!tpu.dma_semaphore, #tpu.memory_space<semaphore_mem>>, %arg14: memref<!tpu.dma_semaphore, #tpu.memory_space<semaphore_mem>>, %arg15: memref<!tpu.dma_semaphore, #tpu.memory_space<semaphore_mem>>) attributes {dimension_semantics = [#tpu.dimension_semantics<core_parallel>, #tpu.dimension_semantics<subcore_parallel>], iteration_bounds = array<i64: 2, 16>, scalar_prefetch = 0 : i64, scratch_operands = 11 : i64, tpu.core_type = #tpu.core_type<sc_vector_subcore>, window_params = [{transform_indices = #map}, {transform_indices = #map1}, {transform_indices = #map}]} {
    %mul3A = arith.constant 2 : i32
    %mul3A_0 = arith.muli %arg1, %mul3A : i32
    %add3A = arith.addi %mul3A_0, %arg0 : i32
    %mul3A_1 = arith.constant 4 : i32
    %mul3A_2 = arith.muli %add3A, %mul3A_1 : i32
    %eq3A = arith.constant 0 : i32
    %eq3A_3 = arith.cmpi eq, %arg1, %eq3A : i32
    %convert_element_type3A = arith.extui %eq3A_3 : i1 to i32
    %cond3A = arith.constant 0 : i32
    %cond3A_4 = arith.cmpi ne, %convert_element_type3A, %cond3A : i32
    scf.if %cond3A_4 {
      "tpu.region"() ({
        %run_scoped3A = tpu.sem_alloc : memref<!tpu.dma_semaphore, #tpu.memory_space<semaphore_mem>>
        tpu.enqueue_dma source(%arg3 : memref<16384xi32, #tpu.memory_space<hbm>>) target(%arg5 : memref<16384xi32, #tpu.memory_space<vmem_shared>>) target_semaphore(%run_scoped3A : memref<!tpu.dma_semaphore, #tpu.memory_space<semaphore_mem>>)
        tpu.wait_dma2 semaphore(%run_scoped3A : memref<!tpu.dma_semaphore, #tpu.memory_space<semaphore_mem>>) src(%arg3 : memref<16384xi32, #tpu.memory_space<hbm>>) dst(%arg5 : memref<16384xi32, #tpu.memory_space<vmem_shared>>)
        tpu.yield
      }) : () -> ()
    } else {
    }
    %add3A_5 = arith.constant 0 : i32
    %add3A_6 = arith.addi %mul3A_2, %add3A_5 : i32
    %dma_start3A = arith.constant 0 : i32
    %dma_start3A_7 = tpu.memref_slice %arg2[%add3A_6, %dma_start3A] : memref<128x32768xf32, #tpu.memory_space<hbm>> -> memref<1x32768xf32, #tpu.memory_space<hbm>>
    %dma_start3A_8 = tpu.memref_squeeze %dma_start3A_7 : memref<1x32768xf32, #tpu.memory_space<hbm>> -> memref<32768xf32, #tpu.memory_space<hbm>>
    %dma_start3A_9 = arith.constant 0 : i32
    %dma_start3A_10 = tpu.memref_slice %arg2[%add3A_6, %dma_start3A_9] : memref<128x32768xf32, #tpu.memory_space<hbm>> -> memref<1x32768xf32, #tpu.memory_space<hbm>>
    %dma_start3A_11 = tpu.memref_squeeze %dma_start3A_10 : memref<1x32768xf32, #tpu.memory_space<hbm>> -> memref<32768xf32, #tpu.memory_space<hbm>>
    tpu.enqueue_dma source(%dma_start3A_11 : memref<32768xf32, #tpu.memory_space<hbm>>) target(%arg7 : memref<32768xf32, #tpu.memory_space<vmem>>) target_semaphore(%arg12 : memref<!tpu.dma_semaphore, #tpu.memory_space<semaphore_mem>>)
    %add3A_12 = arith.constant 1 : i32
    %add3A_13 = arith.addi %mul3A_2, %add3A_12 : i32
    %dma_start3A_14 = arith.constant 0 : i32
    %dma_start3A_15 = tpu.memref_slice %arg2[%add3A_13, %dma_start3A_14] : memref<128x32768xf32, #tpu.memory_space<hbm>> -> memref<1x32768xf32, #tpu.memory_space<hbm>>
    %dma_start3A_16 = tpu.memref_squeeze %dma_start3A_15 : memref<1x32768xf32, #tpu.memory_space<hbm>> -> memref<32768xf32, #tpu.memory_space<hbm>>
    %dma_start3A_17 = arith.constant 0 : i32
    %dma_start3A_18 = tpu.memref_slice %arg2[%add3A_13, %dma_start3A_17] : memref<128x32768xf32, #tpu.memory_space<hbm>> -> memref<1x32768xf32, #tpu.memory_space<hbm>>
    %dma_start3A_19 = tpu.memref_squeeze %dma_start3A_18 : memref<1x32768xf32, #tpu.memory_space<hbm>> -> memref<32768xf32, #tpu.memory_space<hbm>>
    tpu.enqueue_dma source(%dma_start3A_19 : memref<32768xf32, #tpu.memory_space<hbm>>) target(%arg8 : memref<32768xf32, #tpu.memory_space<vmem>>) target_semaphore(%arg13 : memref<!tpu.dma_semaphore, #tpu.memory_space<semaphore_mem>>)
    %barrier3A = arith.constant 0 : index
    tpu.barrier barrier_id(%barrier3A)
    tpu.enqueue_dma source(%arg5 : memref<16384xi32, #tpu.memory_space<vmem_shared>>) target(%arg6 : memref<16384xi32, #tpu.memory_space<vmem>>) target_semaphore(%arg11 : memref<!tpu.dma_semaphore, #tpu.memory_space<semaphore_mem>>)
    tpu.wait_dma2 semaphore(%arg11 : memref<!tpu.dma_semaphore, #tpu.memory_space<semaphore_mem>>) src(%arg5 : memref<16384xi32, #tpu.memory_space<vmem_shared>>) dst(%arg6 : memref<16384xi32, #tpu.memory_space<vmem>>)
    %dma_wait3A = arith.constant 0 : i32
    %dma_wait3A_20 = tpu.memref_slice %arg2[%add3A_6, %dma_wait3A] : memref<128x32768xf32, #tpu.memory_space<hbm>> -> memref<1x32768xf32, #tpu.memory_space<hbm>>
    %dma_wait3A_21 = tpu.memref_squeeze %dma_wait3A_20 : memref<1x32768xf32, #tpu.memory_space<hbm>> -> memref<32768xf32, #tpu.memory_space<hbm>>
    %dma_wait3A_22 = arith.constant 0 : i32
    %dma_wait3A_23 = tpu.memref_slice %arg2[%add3A_6, %dma_wait3A_22] : memref<128x32768xf32, #tpu.memory_space<hbm>> -> memref<1x32768xf32, #tpu.memory_space<hbm>>
    %dma_wait3A_24 = tpu.memref_squeeze %dma_wait3A_23 : memref<1x32768xf32, #tpu.memory_space<hbm>> -> memref<32768xf32, #tpu.memory_space<hbm>>
    tpu.wait_dma2 semaphore(%arg12 : memref<!tpu.dma_semaphore, #tpu.memory_space<semaphore_mem>>) src(%dma_wait3A_24 : memref<32768xf32, #tpu.memory_space<hbm>>) dst(%arg7 : memref<32768xf32, #tpu.memory_space<vmem>>)
    %parallel_loop3A = arith.constant 0 : i32
    %parallel_loop3A_25 = arith.constant 4096 : i32
    %parallel_loop3A_26 = arith.constant 16 : i32
    scf.for %parallel_loop3A_334 = %parallel_loop3A to %parallel_loop3A_25 step %parallel_loop3A_26  : i32 {
      %parallel_loop3A_335 = arith.constant 0 : i32
      %parallel_loop3A_336 = arith.addi %parallel_loop3A_335, %parallel_loop3A_334 : i32
      %parallel_loop3A_337 = arith.index_cast %parallel_loop3A_336 : i32 to index
      %parallel_loop3A_338 = tpu.vector_load %arg6[%parallel_loop3A_337] {strides = array<i32>} : memref<16384xi32, #tpu.memory_space<vmem>>, vector<16xi32>,
      %parallel_loop3A_339 = arith.constant 65535 : i32
      %parallel_loop3A_340 = vector.broadcast %parallel_loop3A_339 : i32 to vector<16xi32>
      %parallel_loop3A_341 = arith.andi %parallel_loop3A_338, %parallel_loop3A_340 : vector<16xi32>
      %parallel_loop3A_342 = arith.constant 16 : i32
      %parallel_loop3A_343 = vector.broadcast %parallel_loop3A_342 : i32 to vector<16xi32>
      %parallel_loop3A_344 = arith.shrui %parallel_loop3A_338, %parallel_loop3A_343 : vector<16xi32>
      %parallel_loop3A_345 = tpu.vector_load_idx %arg7[%parallel_loop3A_341] : memref<32768xf32, #tpu.memory_space<vmem>>[vector<16xi32>], vector<16xf32>,
      %parallel_loop3A_346 = arith.constant 2 : i32
      %parallel_loop3A_347 = arith.muli %parallel_loop3A_346, %parallel_loop3A_334 : i32
      %parallel_loop3A_348 = arith.index_cast %parallel_loop3A_347 : i32 to index
      %parallel_loop3A_349 = tpu.vector_load %arg9[%parallel_loop3A_348] {strides = array<i32>} : memref<8192xf32, #tpu.memory_space<vmem>>, vector<16xf32>,
      tpu.vector_store %arg9[%parallel_loop3A_348], %parallel_loop3A_345 {strides = array<i32>} : memref<8192xf32, #tpu.memory_space<vmem>>, vector<16xf32>,
      %parallel_loop3A_350 = tpu.vector_load_idx %arg7[%parallel_loop3A_344] : memref<32768xf32, #tpu.memory_space<vmem>>[vector<16xi32>], vector<16xf32>,
      %parallel_loop3A_351 = arith.constant 2 : i32
      %parallel_loop3A_352 = arith.muli %parallel_loop3A_351, %parallel_loop3A_334 : i32
      %parallel_loop3A_353 = arith.constant 16 : i32
      %parallel_loop3A_354 = arith.addi %parallel_loop3A_352, %parallel_loop3A_353 : i32
      %parallel_loop3A_355 = arith.index_cast %parallel_loop3A_354 : i32 to index
      %parallel_loop3A_356 = tpu.vector_load %arg9[%parallel_loop3A_355] {strides = array<i32>} : memref<8192xf32, #tpu.memory_space<vmem>>, vector<16xf32>,
      tpu.vector_store %arg9[%parallel_loop3A_355], %parallel_loop3A_350 {strides = array<i32>} : memref<8192xf32, #tpu.memory_space<vmem>>, vector<16xf32>,
    } {sc.loop_unroll_factor = 4 : i64, sc.parallel_access}
    %add3A_27 = arith.constant 0 : i32
    %add3A_28 = arith.addi %mul3A_2, %add3A_27 : i32
    %dma_start3A_29 = arith.constant 0 : i32
    %dma_start3A_30 = tpu.memref_slice %arg4[%add3A_28, %dma_start3A_29] : memref<128x32768xf32, #tpu.memory_space<hbm>> -> memref<1x8192xf32, #tpu.memory_space<hbm>>
    %dma_start3A_31 = tpu.memref_squeeze %dma_start3A_30 : memref<1x8192xf32, #tpu.memory_space<hbm>> -> memref<8192xf32, #tpu.memory_space<hbm>>
    %dma_start3A_32 = arith.constant 0 : i32
    %dma_start3A_33 = tpu.memref_slice %arg4[%add3A_28, %dma_start3A_32] : memref<128x32768xf32, #tpu.memory_space<hbm>> -> memref<1x8192xf32, #tpu.memory_space<hbm>>
    %dma_start3A_34 = tpu.memref_squeeze %dma_start3A_33 : memref<1x8192xf32, #tpu.memory_space<hbm>> -> memref<8192xf32, #tpu.memory_space<hbm>>
    tpu.enqueue_dma source(%arg9 : memref<8192xf32, #tpu.memory_space<vmem>>) target(%dma_start3A_34 : memref<8192xf32, #tpu.memory_space<hbm>>) target_semaphore(%arg14 : memref<!tpu.dma_semaphore, #tpu.memory_space<semaphore_mem>>)
    %parallel_loop3A_35 = arith.constant 0 : i32
    %parallel_loop3A_36 = arith.constant 4096 : i32
    %parallel_loop3A_37 = arith.constant 16 : i32
    scf.for %parallel_loop3A_334 = %parallel_loop3A_35 to %parallel_loop3A_36 step %parallel_loop3A_37  : i32 {
      %parallel_loop3A_335 = arith.constant 4096 : i32
      %parallel_loop3A_336 = arith.addi %parallel_loop3A_335, %parallel_loop3A_334 : i32
      %parallel_loop3A_337 = arith.index_cast %parallel_loop3A_336 : i32 to index
      %parallel_loop3A_338 = tpu.vector_load %arg6[%parallel_loop3A_337] {strides = array<i32>} : memref<16384xi32, #tpu.memory_space<vmem>>, vector<16xi32>,
      %parallel_loop3A_339 = arith.constant 65535 : i32
      %parallel_loop3A_340 = vector.broadcast %parallel_loop3A_339 : i32 to vector<16xi32>
      %parallel_loop3A_341 = arith.andi %parallel_loop3A_338, %parallel_loop3A_340 : vector<16xi32>
      %parallel_loop3A_342 = arith.constant 16 : i32
      %parallel_loop3A_343 = vector.broadcast %parallel_loop3A_342 : i32 to vector<16xi32>
      %parallel_loop3A_344 = arith.shrui %parallel_loop3A_338, %parallel_loop3A_343 : vector<16xi32>
      %parallel_loop3A_345 = tpu.vector_load_idx %arg7[%parallel_loop3A_341] : memref<32768xf32, #tpu.memory_space<vmem>>[vector<16xi32>], vector<16xf32>,
      %parallel_loop3A_346 = arith.constant 2 : i32
      %parallel_loop3A_347 = arith.muli %parallel_loop3A_346, %parallel_loop3A_334 : i32
      %parallel_loop3A_348 = arith.index_cast %parallel_loop3A_347 : i32 to index
      %parallel_loop3A_349 = tpu.vector_load %arg10[%parallel_loop3A_348] {strides = array<i32>} : memref<8192xf32, #tpu.memory_space<vmem>>, vector<16xf32>,
      tpu.vector_store %arg10[%parallel_loop3A_348], %parallel_loop3A_345 {strides = array<i32>} : memref<8192xf32, #tpu.memory_space<vmem>>, vector<16xf32>,
      %parallel_loop3A_350 = tpu.vector_load_idx %arg7[%parallel_loop3A_344] : memref<32768xf32, #tpu.memory_space<vmem>>[vector<16xi32>], vector<16xf32>,
      %parallel_loop3A_351 = arith.constant 2 : i32
      %parallel_loop3A_352 = arith.muli %parallel_loop3A_351, %parallel_loop3A_334 : i32
      %parallel_loop3A_353 = arith.constant 16 : i32
      %parallel_loop3A_354 = arith.addi %parallel_loop3A_352, %parallel_loop3A_353 : i32
      %parallel_loop3A_355 = arith.index_cast %parallel_loop3A_354 : i32 to index
      %parallel_loop3A_356 = tpu.vector_load %arg10[%parallel_loop3A_355] {strides = array<i32>} : memref<8192xf32, #tpu.memory_space<vmem>>, vector<16xf32>,
      tpu.vector_store %arg10[%parallel_loop3A_355], %parallel_loop3A_350 {strides = array<i32>} : memref<8192xf32, #tpu.memory_space<vmem>>, vector<16xf32>,
    } {sc.loop_unroll_factor = 4 : i64, sc.parallel_access}
    %add3A_38 = arith.constant 0 : i32
    %add3A_39 = arith.addi %mul3A_2, %add3A_38 : i32
    %dma_start3A_40 = arith.constant 8192 : i32
    %dma_start3A_41 = tpu.memref_slice %arg4[%add3A_39, %dma_start3A_40] : memref<128x32768xf32, #tpu.memory_space<hbm>> -> memref<1x8192xf32, #tpu.memory_space<hbm>>
    %dma_start3A_42 = tpu.memref_squeeze %dma_start3A_41 : memref<1x8192xf32, #tpu.memory_space<hbm>> -> memref<8192xf32, #tpu.memory_space<hbm>>
    %dma_start3A_43 = arith.constant 8192 : i32
    %dma_start3A_44 = tpu.memref_slice %arg4[%add3A_39, %dma_start3A_43] : memref<128x32768xf32, #tpu.memory_space<hbm>> -> memref<1x8192xf32, #tpu.memory_space<hbm>>
    %dma_start3A_45 = tpu.memref_squeeze %dma_start3A_44 : memref<1x8192xf32, #tpu.memory_space<hbm>> -> memref<8192xf32, #tpu.memory_space<hbm>>
    tpu.enqueue_dma source(%arg10 : memref<8192xf32, #tpu.memory_space<vmem>>) target(%dma_start3A_45 : memref<8192xf32, #tpu.memory_space<hbm>>) target_semaphore(%arg15 : memref<!tpu.dma_semaphore, #tpu.memory_space<semaphore_mem>>)
    %dma_wait3A_46 = arith.constant 0 : i32
    %dma_wait3A_47 = tpu.memref_slice %arg4[%add3A_28, %dma_wait3A_46] : memref<128x32768xf32, #tpu.memory_space<hbm>> -> memref<1x8192xf32, #tpu.memory_space<hbm>>
    %dma_wait3A_48 = tpu.memref_squeeze %dma_wait3A_47 : memref<1x8192xf32, #tpu.memory_space<hbm>> -> memref<8192xf32, #tpu.memory_space<hbm>>
    %dma_wait3A_49 = arith.constant 0 : i32
    %dma_wait3A_50 = tpu.memref_slice %arg4[%add3A_28, %dma_wait3A_49] : memref<128x32768xf32, #tpu.memory_space<hbm>> -> memref<1x8192xf32, #tpu.memory_space<hbm>>
    %dma_wait3A_51 = tpu.memref_squeeze %dma_wait3A_50 : memref<1x8192xf32, #tpu.memory_space<hbm>> -> memref<8192xf32, #tpu.memory_space<hbm>>
    tpu.wait_dma2 semaphore(%arg14 : memref<!tpu.dma_semaphore, #tpu.memory_space<semaphore_mem>>) src(%arg9 : memref<8192xf32, #tpu.memory_space<vmem>>) dst(%dma_wait3A_51 : memref<8192xf32, #tpu.memory_space<hbm>>)
    %parallel_loop3A_52 = arith.constant 0 : i32
    %parallel_loop3A_53 = arith.constant 4096 : i32
    %parallel_loop3A_54 = arith.constant 16 : i32
    scf.for %parallel_loop3A_334 = %parallel_loop3A_52 to %parallel_loop3A_53 step %parallel_loop3A_54  : i32 {
      %parallel_loop3A_335 = arith.constant 8192 : i32
      %parallel_loop3A_336 = arith.addi %parallel_loop3A_335, %parallel_loop3A_334 : i32
      %parallel_loop3A_337 = arith.index_cast %parallel_loop3A_336 : i32 to index
      %parallel_loop3A_338 = tpu.vector_load %arg6[%parallel_loop3A_337] {strides = array<i32>} : memref<16384xi32, #tpu.memory_space<vmem>>, vector<16xi32>,
      %parallel_loop3A_339 = arith.constant 65535 : i32
      %parallel_loop3A_340 = vector.broadcast %parallel_loop3A_339 : i32 to vector<16xi32>
      %parallel_loop3A_341 = arith.andi %parallel_loop3A_338, %parallel_loop3A_340 : vector<16xi32>
      %parallel_loop3A_342 = arith.constant 16 : i32
      %parallel_loop3A_343 = vector.broadcast %parallel_loop3A_342 : i32 to vector<16xi32>
      %parallel_loop3A_344 = arith.shrui %parallel_loop3A_338, %parallel_loop3A_343 : vector<16xi32>
      %parallel_loop3A_345 = tpu.vector_load_idx %arg7[%parallel_loop3A_341] : memref<32768xf32, #tpu.memory_space<vmem>>[vector<16xi32>], vector<16xf32>,
      %parallel_loop3A_346 = arith.constant 2 : i32
      %parallel_loop3A_347 = arith.muli %parallel_loop3A_346, %parallel_loop3A_334 : i32
      %parallel_loop3A_348 = arith.index_cast %parallel_loop3A_347 : i32 to index
      %parallel_loop3A_349 = tpu.vector_load %arg9[%parallel_loop3A_348] {strides = array<i32>} : memref<8192xf32, #tpu.memory_space<vmem>>, vector<16xf32>,
      tpu.vector_store %arg9[%parallel_loop3A_348], %parallel_loop3A_345 {strides = array<i32>} : memref<8192xf32, #tpu.memory_space<vmem>>, vector<16xf32>,
      %parallel_loop3A_350 = tpu.vector_load_idx %arg7[%parallel_loop3A_344] : memref<32768xf32, #tpu.memory_space<vmem>>[vector<16xi32>], vector<16xf32>,
      %parallel_loop3A_351 = arith.constant 2 : i32
      %parallel_loop3A_352 = arith.muli %parallel_loop3A_351, %parallel_loop3A_334 : i32
      %parallel_loop3A_353 = arith.constant 16 : i32
      %parallel_loop3A_354 = arith.addi %parallel_loop3A_352, %parallel_loop3A_353 : i32
      %parallel_loop3A_355 = arith.index_cast %parallel_loop3A_354 : i32 to index
      %parallel_loop3A_356 = tpu.vector_load %arg9[%parallel_loop3A_355] {strides = array<i32>} : memref<8192xf32, #tpu.memory_space<vmem>>, vector<16xf32>,
      tpu.vector_store %arg9[%parallel_loop3A_355], %parallel_loop3A_350 {strides = array<i32>} : memref<8192xf32, #tpu.memory_space<vmem>>, vector<16xf32>,
    } {sc.loop_unroll_factor = 4 : i64, sc.parallel_access}
    %add3A_55 = arith.constant 0 : i32
    %add3A_56 = arith.addi %mul3A_2, %add3A_55 : i32
    %dma_start3A_57 = arith.constant 16384 : i32
    %dma_start3A_58 = tpu.memref_slice %arg4[%add3A_56, %dma_start3A_57] : memref<128x32768xf32, #tpu.memory_space<hbm>> -> memref<1x8192xf32, #tpu.memory_space<hbm>>
    %dma_start3A_59 = tpu.memref_squeeze %dma_start3A_58 : memref<1x8192xf32, #tpu.memory_space<hbm>> -> memref<8192xf32, #tpu.memory_space<hbm>>
    %dma_start3A_60 = arith.constant 16384 : i32
    %dma_start3A_61 = tpu.memref_slice %arg4[%add3A_56, %dma_start3A_60] : memref<128x32768xf32, #tpu.memory_space<hbm>> -> memref<1x8192xf32, #tpu.memory_space<hbm>>
    %dma_start3A_62 = tpu.memref_squeeze %dma_start3A_61 : memref<1x8192xf32, #tpu.memory_space<hbm>> -> memref<8192xf32, #tpu.memory_space<hbm>>
    tpu.enqueue_dma source(%arg9 : memref<8192xf32, #tpu.memory_space<vmem>>) target(%dma_start3A_62 : memref<8192xf32, #tpu.memory_space<hbm>>) target_semaphore(%arg14 : memref<!tpu.dma_semaphore, #tpu.memory_space<semaphore_mem>>)
    %dma_wait3A_63 = arith.constant 8192 : i32
    %dma_wait3A_64 = tpu.memref_slice %arg4[%add3A_39, %dma_wait3A_63] : memref<128x32768xf32, #tpu.memory_space<hbm>> -> memref<1x8192xf32, #tpu.memory_space<hbm>>
    %dma_wait3A_65 = tpu.memref_squeeze %dma_wait3A_64 : memref<1x8192xf32, #tpu.memory_space<hbm>> -> memref<8192xf32, #tpu.memory_space<hbm>>
    %dma_wait3A_66 = arith.constant 8192 : i32
    %dma_wait3A_67 = tpu.memref_slice %arg4[%add3A_39, %dma_wait3A_66] : memref<128x32768xf32, #tpu.memory_space<hbm>> -> memref<1x8192xf32, #tpu.memory_space<hbm>>
    %dma_wait3A_68 = tpu.memref_squeeze %dma_wait3A_67 : memref<1x8192xf32, #tpu.memory_space<hbm>> -> memref<8192xf32, #tpu.memory_space<hbm>>
    tpu.wait_dma2 semaphore(%arg15 : memref<!tpu.dma_semaphore, #tpu.memory_space<semaphore_mem>>) src(%arg10 : memref<8192xf32, #tpu.memory_space<vmem>>) dst(%dma_wait3A_68 : memref<8192xf32, #tpu.memory_space<hbm>>)
    %parallel_loop3A_69 = arith.constant 0 : i32
    %parallel_loop3A_70 = arith.constant 4096 : i32
    %parallel_loop3A_71 = arith.constant 16 : i32
    scf.for %parallel_loop3A_334 = %parallel_loop3A_69 to %parallel_loop3A_70 step %parallel_loop3A_71  : i32 {
      %parallel_loop3A_335 = arith.constant 12288 : i32
      %parallel_loop3A_336 = arith.addi %parallel_loop3A_335, %parallel_loop3A_334 : i32
      %parallel_loop3A_337 = arith.index_cast %parallel_loop3A_336 : i32 to index
      %parallel_loop3A_338 = tpu.vector_load %arg6[%parallel_loop3A_337] {strides = array<i32>} : memref<16384xi32, #tpu.memory_space<vmem>>, vector<16xi32>,
      %parallel_loop3A_339 = arith.constant 65535 : i32
      %parallel_loop3A_340 = vector.broadcast %parallel_loop3A_339 : i32 to vector<16xi32>
      %parallel_loop3A_341 = arith.andi %parallel_loop3A_338, %parallel_loop3A_340 : vector<16xi32>
      %parallel_loop3A_342 = arith.constant 16 : i32
      %parallel_loop3A_343 = vector.broadcast %parallel_loop3A_342 : i32 to vector<16xi32>
      %parallel_loop3A_344 = arith.shrui %parallel_loop3A_338, %parallel_loop3A_343 : vector<16xi32>
      %parallel_loop3A_345 = tpu.vector_load_idx %arg7[%parallel_loop3A_341] : memref<32768xf32, #tpu.memory_space<vmem>>[vector<16xi32>], vector<16xf32>,
      %parallel_loop3A_346 = arith.constant 2 : i32
      %parallel_loop3A_347 = arith.muli %parallel_loop3A_346, %parallel_loop3A_334 : i32
      %parallel_loop3A_348 = arith.index_cast %parallel_loop3A_347 : i32 to index
      %parallel_loop3A_349 = tpu.vector_load %arg10[%parallel_loop3A_348] {strides = array<i32>} : memref<8192xf32, #tpu.memory_space<vmem>>, vector<16xf32>,
      tpu.vector_store %arg10[%parallel_loop3A_348], %parallel_loop3A_345 {strides = array<i32>} : memref<8192xf32, #tpu.memory_space<vmem>>, vector<16xf32>,
      %parallel_loop3A_350 = tpu.vector_load_idx %arg7[%parallel_loop3A_344] : memref<32768xf32, #tpu.memory_space<vmem>>[vector<16xi32>], vector<16xf32>,
      %parallel_loop3A_351 = arith.constant 2 : i32
      %parallel_loop3A_352 = arith.muli %parallel_loop3A_351, %parallel_loop3A_334 : i32
      %parallel_loop3A_353 = arith.constant 16 : i32
      %parallel_loop3A_354 = arith.addi %parallel_loop3A_352, %parallel_loop3A_353 : i32
      %parallel_loop3A_355 = arith.index_cast %parallel_loop3A_354 : i32 to index
      %parallel_loop3A_356 = tpu.vector_load %arg10[%parallel_loop3A_355] {strides = array<i32>} : memref<8192xf32, #tpu.memory_space<vmem>>, vector<16xf32>,
      tpu.vector_store %arg10[%parallel_loop3A_355], %parallel_loop3A_350 {strides = array<i32>} : memref<8192xf32, #tpu.memory_space<vmem>>, vector<16xf32>,
    } {sc.loop_unroll_factor = 4 : i64, sc.parallel_access}
    %add3A_72 = arith.constant 0 : i32
    %add3A_73 = arith.addi %mul3A_2, %add3A_72 : i32
    %dma_start3A_74 = arith.constant 24576 : i32
    %dma_start3A_75 = tpu.memref_slice %arg4[%add3A_73, %dma_start3A_74] : memref<128x32768xf32, #tpu.memory_space<hbm>> -> memref<1x8192xf32, #tpu.memory_space<hbm>>
    %dma_start3A_76 = tpu.memref_squeeze %dma_start3A_75 : memref<1x8192xf32, #tpu.memory_space<hbm>> -> memref<8192xf32, #tpu.memory_space<hbm>>
    %dma_start3A_77 = arith.constant 24576 : i32
    %dma_start3A_78 = tpu.memref_slice %arg4[%add3A_73, %dma_start3A_77] : memref<128x32768xf32, #tpu.memory_space<hbm>> -> memref<1x8192xf32, #tpu.memory_space<hbm>>
    %dma_start3A_79 = tpu.memref_squeeze %dma_start3A_78 : memref<1x8192xf32, #tpu.memory_space<hbm>> -> memref<8192xf32, #tpu.memory_space<hbm>>
    tpu.enqueue_dma source(%arg10 : memref<8192xf32, #tpu.memory_space<vmem>>) target(%dma_start3A_79 : memref<8192xf32, #tpu.memory_space<hbm>>) target_semaphore(%arg15 : memref<!tpu.dma_semaphore, #tpu.memory_space<semaphore_mem>>)
    %add3A_80 = arith.constant 0 : i32
    %add3A_81 = arith.addi %mul3A_2, %add3A_80 : i32
    %add3A_82 = arith.constant 2 : i32
    %add3A_83 = arith.addi %add3A_81, %add3A_82 : i32
    %dma_start3A_84 = arith.constant 0 : i32
    %dma_start3A_85 = tpu.memref_slice %arg2[%add3A_83, %dma_start3A_84] : memref<128x32768xf32, #tpu.memory_space<hbm>> -> memref<1x32768xf32, #tpu.memory_space<hbm>>
    %dma_start3A_86 = tpu.memref_squeeze %dma_start3A_85 : memref<1x32768xf32, #tpu.memory_space<hbm>> -> memref<32768xf32, #tpu.memory_space<hbm>>
    %dma_start3A_87 = arith.constant 0 : i32
    %dma_start3A_88 = tpu.memref_slice %arg2[%add3A_83, %dma_start3A_87] : memref<128x32768xf32, #tpu.memory_space<hbm>> -> memref<1x32768xf32, #tpu.memory_space<hbm>>
    %dma_start3A_89 = tpu.memref_squeeze %dma_start3A_88 : memref<1x32768xf32, #tpu.memory_space<hbm>> -> memref<32768xf32, #tpu.memory_space<hbm>>
    tpu.enqueue_dma source(%dma_start3A_89 : memref<32768xf32, #tpu.memory_space<hbm>>) target(%arg7 : memref<32768xf32, #tpu.memory_space<vmem>>) target_semaphore(%arg12 : memref<!tpu.dma_semaphore, #tpu.memory_space<semaphore_mem>>)
    %dma_wait3A_90 = arith.constant 0 : i32
    %dma_wait3A_91 = tpu.memref_slice %arg2[%add3A_13, %dma_wait3A_90] : memref<128x32768xf32, #tpu.memory_space<hbm>> -> memref<1x32768xf32, #tpu.memory_space<hbm>>
    %dma_wait3A_92 = tpu.memref_squeeze %dma_wait3A_91 : memref<1x32768xf32, #tpu.memory_space<hbm>> -> memref<32768xf32, #tpu.memory_space<hbm>>
    %dma_wait3A_93 = arith.constant 0 : i32
    %dma_wait3A_94 = tpu.memref_slice %arg2[%add3A_13, %dma_wait3A_93] : memref<128x32768xf32, #tpu.memory_space<hbm>> -> memref<1x32768xf32, #tpu.memory_space<hbm>>
    %dma_wait3A_95 = tpu.memref_squeeze %dma_wait3A_94 : memref<1x32768xf32, #tpu.memory_space<hbm>> -> memref<32768xf32, #tpu.memory_space<hbm>>
    tpu.wait_dma2 semaphore(%arg13 : memref<!tpu.dma_semaphore, #tpu.memory_space<semaphore_mem>>) src(%dma_wait3A_95 : memref<32768xf32, #tpu.memory_space<hbm>>) dst(%arg8 : memref<32768xf32, #tpu.memory_space<vmem>>)
    %dma_wait3A_96 = arith.constant 16384 : i32
    %dma_wait3A_97 = tpu.memref_slice %arg4[%add3A_56, %dma_wait3A_96] : memref<128x32768xf32, #tpu.memory_space<hbm>> -> memref<1x8192xf32, #tpu.memory_space<hbm>>
    %dma_wait3A_98 = tpu.memref_squeeze %dma_wait3A_97 : memref<1x8192xf32, #tpu.memory_space<hbm>> -> memref<8192xf32, #tpu.memory_space<hbm>>
    %dma_wait3A_99 = arith.constant 16384 : i32
    %dma_wait3A_100 = tpu.memref_slice %arg4[%add3A_56, %dma_wait3A_99] : memref<128x32768xf32, #tpu.memory_space<hbm>> -> memref<1x8192xf32, #tpu.memory_space<hbm>>
    %dma_wait3A_101 = tpu.memref_squeeze %dma_wait3A_100 : memref<1x8192xf32, #tpu.memory_space<hbm>> -> memref<8192xf32, #tpu.memory_space<hbm>>
    tpu.wait_dma2 semaphore(%arg14 : memref<!tpu.dma_semaphore, #tpu.memory_space<semaphore_mem>>) src(%arg9 : memref<8192xf32, #tpu.memory_space<vmem>>) dst(%dma_wait3A_101 : memref<8192xf32, #tpu.memory_space<hbm>>)
    %parallel_loop3A_102 = arith.constant 0 : i32
    %parallel_loop3A_103 = arith.constant 4096 : i32
    %parallel_loop3A_104 = arith.constant 16 : i32
    scf.for %parallel_loop3A_334 = %parallel_loop3A_102 to %parallel_loop3A_103 step %parallel_loop3A_104  : i32 {
      %parallel_loop3A_335 = arith.constant 0 : i32
      %parallel_loop3A_336 = arith.addi %parallel_loop3A_335, %parallel_loop3A_334 : i32
      %parallel_loop3A_337 = arith.index_cast %parallel_loop3A_336 : i32 to index
      %parallel_loop3A_338 = tpu.vector_load %arg6[%parallel_loop3A_337] {strides = array<i32>} : memref<16384xi32, #tpu.memory_space<vmem>>, vector<16xi32>,
      %parallel_loop3A_339 = arith.constant 65535 : i32
      %parallel_loop3A_340 = vector.broadcast %parallel_loop3A_339 : i32 to vector<16xi32>
      %parallel_loop3A_341 = arith.andi %parallel_loop3A_338, %parallel_loop3A_340 : vector<16xi32>
      %parallel_loop3A_342 = arith.constant 16 : i32
      %parallel_loop3A_343 = vector.broadcast %parallel_loop3A_342 : i32 to vector<16xi32>
      %parallel_loop3A_344 = arith.shrui %parallel_loop3A_338, %parallel_loop3A_343 : vector<16xi32>
      %parallel_loop3A_345 = tpu.vector_load_idx %arg8[%parallel_loop3A_341] : memref<32768xf32, #tpu.memory_space<vmem>>[vector<16xi32>], vector<16xf32>,
      %parallel_loop3A_346 = arith.constant 2 : i32
      %parallel_loop3A_347 = arith.muli %parallel_loop3A_346, %parallel_loop3A_334 : i32
      %parallel_loop3A_348 = arith.index_cast %parallel_loop3A_347 : i32 to index
      %parallel_loop3A_349 = tpu.vector_load %arg9[%parallel_loop3A_348] {strides = array<i32>} : memref<8192xf32, #tpu.memory_space<vmem>>, vector<16xf32>,
      tpu.vector_store %arg9[%parallel_loop3A_348], %parallel_loop3A_345 {strides = array<i32>} : memref<8192xf32, #tpu.memory_space<vmem>>, vector<16xf32>,
      %parallel_loop3A_350 = tpu.vector_load_idx %arg8[%parallel_loop3A_344] : memref<32768xf32, #tpu.memory_space<vmem>>[vector<16xi32>], vector<16xf32>,
      %parallel_loop3A_351 = arith.constant 2 : i32
      %parallel_loop3A_352 = arith.muli %parallel_loop3A_351, %parallel_loop3A_334 : i32
      %parallel_loop3A_353 = arith.constant 16 : i32
      %parallel_loop3A_354 = arith.addi %parallel_loop3A_352, %parallel_loop3A_353 : i32
      %parallel_loop3A_355 = arith.index_cast %parallel_loop3A_354 : i32 to index
      %parallel_loop3A_356 = tpu.vector_load %arg9[%parallel_loop3A_355] {strides = array<i32>} : memref<8192xf32, #tpu.memory_space<vmem>>, vector<16xf32>,
      tpu.vector_store %arg9[%parallel_loop3A_355], %parallel_loop3A_350 {strides = array<i32>} : memref<8192xf32, #tpu.memory_space<vmem>>, vector<16xf32>,
    } {sc.loop_unroll_factor = 4 : i64, sc.parallel_access}
    %add3A_105 = arith.constant 1 : i32
    %add3A_106 = arith.addi %mul3A_2, %add3A_105 : i32
    %dma_start3A_107 = arith.constant 0 : i32
    %dma_start3A_108 = tpu.memref_slice %arg4[%add3A_106, %dma_start3A_107] : memref<128x32768xf32, #tpu.memory_space<hbm>> -> memref<1x8192xf32, #tpu.memory_space<hbm>>
    %dma_start3A_109 = tpu.memref_squeeze %dma_start3A_108 : memref<1x8192xf32, #tpu.memory_space<hbm>> -> memref<8192xf32, #tpu.memory_space<hbm>>
    %dma_start3A_110 = arith.constant 0 : i32
    %dma_start3A_111 = tpu.memref_slice %arg4[%add3A_106, %dma_start3A_110] : memref<128x32768xf32, #tpu.memory_space<hbm>> -> memref<1x8192xf32, #tpu.memory_space<hbm>>
    %dma_start3A_112 = tpu.memref_squeeze %dma_start3A_111 : memref<1x8192xf32, #tpu.memory_space<hbm>> -> memref<8192xf32, #tpu.memory_space<hbm>>
    tpu.enqueue_dma source(%arg9 : memref<8192xf32, #tpu.memory_space<vmem>>) target(%dma_start3A_112 : memref<8192xf32, #tpu.memory_space<hbm>>) target_semaphore(%arg14 : memref<!tpu.dma_semaphore, #tpu.memory_space<semaphore_mem>>)
    %dma_wait3A_113 = arith.constant 24576 : i32
    %dma_wait3A_114 = tpu.memref_slice %arg4[%add3A_73, %dma_wait3A_113] : memref<128x32768xf32, #tpu.memory_space<hbm>> -> memref<1x8192xf32, #tpu.memory_space<hbm>>
    %dma_wait3A_115 = tpu.memref_squeeze %dma_wait3A_114 : memref<1x8192xf32, #tpu.memory_space<hbm>> -> memref<8192xf32, #tpu.memory_space<hbm>>
    %dma_wait3A_116 = arith.constant 24576 : i32
    %dma_wait3A_117 = tpu.memref_slice %arg4[%add3A_73, %dma_wait3A_116] : memref<128x32768xf32, #tpu.memory_space<hbm>> -> memref<1x8192xf32, #tpu.memory_space<hbm>>
    %dma_wait3A_118 = tpu.memref_squeeze %dma_wait3A_117 : memref<1x8192xf32, #tpu.memory_space<hbm>> -> memref<8192xf32, #tpu.memory_space<hbm>>
    tpu.wait_dma2 semaphore(%arg15 : memref<!tpu.dma_semaphore, #tpu.memory_space<semaphore_mem>>) src(%arg10 : memref<8192xf32, #tpu.memory_space<vmem>>) dst(%dma_wait3A_118 : memref<8192xf32, #tpu.memory_space<hbm>>)
    %parallel_loop3A_119 = arith.constant 0 : i32
    %parallel_loop3A_120 = arith.constant 4096 : i32
    %parallel_loop3A_121 = arith.constant 16 : i32
    scf.for %parallel_loop3A_334 = %parallel_loop3A_119 to %parallel_loop3A_120 step %parallel_loop3A_121  : i32 {
      %parallel_loop3A_335 = arith.constant 4096 : i32
      %parallel_loop3A_336 = arith.addi %parallel_loop3A_335, %parallel_loop3A_334 : i32
      %parallel_loop3A_337 = arith.index_cast %parallel_loop3A_336 : i32 to index
      %parallel_loop3A_338 = tpu.vector_load %arg6[%parallel_loop3A_337] {strides = array<i32>} : memref<16384xi32, #tpu.memory_space<vmem>>, vector<16xi32>,
      %parallel_loop3A_339 = arith.constant 65535 : i32
      %parallel_loop3A_340 = vector.broadcast %parallel_loop3A_339 : i32 to vector<16xi32>
      %parallel_loop3A_341 = arith.andi %parallel_loop3A_338, %parallel_loop3A_340 : vector<16xi32>
      %parallel_loop3A_342 = arith.constant 16 : i32
      %parallel_loop3A_343 = vector.broadcast %parallel_loop3A_342 : i32 to vector<16xi32>
      %parallel_loop3A_344 = arith.shrui %parallel_loop3A_338, %parallel_loop3A_343 : vector<16xi32>
      %parallel_loop3A_345 = tpu.vector_load_idx %arg8[%parallel_loop3A_341] : memref<32768xf32, #tpu.memory_space<vmem>>[vector<16xi32>], vector<16xf32>,
      %parallel_loop3A_346 = arith.constant 2 : i32
      %parallel_loop3A_347 = arith.muli %parallel_loop3A_346, %parallel_loop3A_334 : i32
      %parallel_loop3A_348 = arith.index_cast %parallel_loop3A_347 : i32 to index
      %parallel_loop3A_349 = tpu.vector_load %arg10[%parallel_loop3A_348] {strides = array<i32>} : memref<8192xf32, #tpu.memory_space<vmem>>, vector<16xf32>,
      tpu.vector_store %arg10[%parallel_loop3A_348], %parallel_loop3A_345 {strides = array<i32>} : memref<8192xf32, #tpu.memory_space<vmem>>, vector<16xf32>,
      %parallel_loop3A_350 = tpu.vector_load_idx %arg8[%parallel_loop3A_344] : memref<32768xf32, #tpu.memory_space<vmem>>[vector<16xi32>], vector<16xf32>,
      %parallel_loop3A_351 = arith.constant 2 : i32
      %parallel_loop3A_352 = arith.muli %parallel_loop3A_351, %parallel_loop3A_334 : i32
      %parallel_loop3A_353 = arith.constant 16 : i32
      %parallel_loop3A_354 = arith.addi %parallel_loop3A_352, %parallel_loop3A_353 : i32
      %parallel_loop3A_355 = arith.index_cast %parallel_loop3A_354 : i32 to index
      %parallel_loop3A_356 = tpu.vector_load %arg10[%parallel_loop3A_355] {strides = array<i32>} : memref<8192xf32, #tpu.memory_space<vmem>>, vector<16xf32>,
      tpu.vector_store %arg10[%parallel_loop3A_355], %parallel_loop3A_350 {strides = array<i32>} : memref<8192xf32, #tpu.memory_space<vmem>>, vector<16xf32>,
    } {sc.loop_unroll_factor = 4 : i64, sc.parallel_access}
    %add3A_122 = arith.constant 1 : i32
    %add3A_123 = arith.addi %mul3A_2, %add3A_122 : i32
    %dma_start3A_124 = arith.constant 8192 : i32
    %dma_start3A_125 = tpu.memref_slice %arg4[%add3A_123, %dma_start3A_124] : memref<128x32768xf32, #tpu.memory_space<hbm>> -> memref<1x8192xf32, #tpu.memory_space<hbm>>
    %dma_start3A_126 = tpu.memref_squeeze %dma_start3A_125 : memref<1x8192xf32, #tpu.memory_space<hbm>> -> memref<8192xf32, #tpu.memory_space<hbm>>
    %dma_start3A_127 = arith.constant 8192 : i32
    %dma_start3A_128 = tpu.memref_slice %arg4[%add3A_123, %dma_start3A_127] : memref<128x32768xf32, #tpu.memory_space<hbm>> -> memref<1x8192xf32, #tpu.memory_space<hbm>>
    %dma_start3A_129 = tpu.memref_squeeze %dma_start3A_128 : memref<1x8192xf32, #tpu.memory_space<hbm>> -> memref<8192xf32, #tpu.memory_space<hbm>>
    tpu.enqueue_dma source(%arg10 : memref<8192xf32, #tpu.memory_space<vmem>>) target(%dma_start3A_129 : memref<8192xf32, #tpu.memory_space<hbm>>) target_semaphore(%arg15 : memref<!tpu.dma_semaphore, #tpu.memory_space<semaphore_mem>>)
    %dma_wait3A_130 = arith.constant 0 : i32
    %dma_wait3A_131 = tpu.memref_slice %arg4[%add3A_106, %dma_wait3A_130] : memref<128x32768xf32, #tpu.memory_space<hbm>> -> memref<1x8192xf32, #tpu.memory_space<hbm>>
    %dma_wait3A_132 = tpu.memref_squeeze %dma_wait3A_131 : memref<1x8192xf32, #tpu.memory_space<hbm>> -> memref<8192xf32, #tpu.memory_space<hbm>>
    %dma_wait3A_133 = arith.constant 0 : i32
    %dma_wait3A_134 = tpu.memref_slice %arg4[%add3A_106, %dma_wait3A_133] : memref<128x32768xf32, #tpu.memory_space<hbm>> -> memref<1x8192xf32, #tpu.memory_space<hbm>>
    %dma_wait3A_135 = tpu.memref_squeeze %dma_wait3A_134 : memref<1x8192xf32, #tpu.memory_space<hbm>> -> memref<8192xf32, #tpu.memory_space<hbm>>
    tpu.wait_dma2 semaphore(%arg14 : memref<!tpu.dma_semaphore, #tpu.memory_space<semaphore_mem>>) src(%arg9 : memref<8192xf32, #tpu.memory_space<vmem>>) dst(%dma_wait3A_135 : memref<8192xf32, #tpu.memory_space<hbm>>)
    %parallel_loop3A_136 = arith.constant 0 : i32
    %parallel_loop3A_137 = arith.constant 4096 : i32
    %parallel_loop3A_138 = arith.constant 16 : i32
    scf.for %parallel_loop3A_334 = %parallel_loop3A_136 to %parallel_loop3A_137 step %parallel_loop3A_138  : i32 {
      %parallel_loop3A_335 = arith.constant 8192 : i32
      %parallel_loop3A_336 = arith.addi %parallel_loop3A_335, %parallel_loop3A_334 : i32
      %parallel_loop3A_337 = arith.index_cast %parallel_loop3A_336 : i32 to index
      %parallel_loop3A_338 = tpu.vector_load %arg6[%parallel_loop3A_337] {strides = array<i32>} : memref<16384xi32, #tpu.memory_space<vmem>>, vector<16xi32>,
      %parallel_loop3A_339 = arith.constant 65535 : i32
      %parallel_loop3A_340 = vector.broadcast %parallel_loop3A_339 : i32 to vector<16xi32>
      %parallel_loop3A_341 = arith.andi %parallel_loop3A_338, %parallel_loop3A_340 : vector<16xi32>
      %parallel_loop3A_342 = arith.constant 16 : i32
      %parallel_loop3A_343 = vector.broadcast %parallel_loop3A_342 : i32 to vector<16xi32>
      %parallel_loop3A_344 = arith.shrui %parallel_loop3A_338, %parallel_loop3A_343 : vector<16xi32>
      %parallel_loop3A_345 = tpu.vector_load_idx %arg8[%parallel_loop3A_341] : memref<32768xf32, #tpu.memory_space<vmem>>[vector<16xi32>], vector<16xf32>,
      %parallel_loop3A_346 = arith.constant 2 : i32
      %parallel_loop3A_347 = arith.muli %parallel_loop3A_346, %parallel_loop3A_334 : i32
      %parallel_loop3A_348 = arith.index_cast %parallel_loop3A_347 : i32 to index
      %parallel_loop3A_349 = tpu.vector_load %arg9[%parallel_loop3A_348] {strides = array<i32>} : memref<8192xf32, #tpu.memory_space<vmem>>, vector<16xf32>,
      tpu.vector_store %arg9[%parallel_loop3A_348], %parallel_loop3A_345 {strides = array<i32>} : memref<8192xf32, #tpu.memory_space<vmem>>, vector<16xf32>,
      %parallel_loop3A_350 = tpu.vector_load_idx %arg8[%parallel_loop3A_344] : memref<32768xf32, #tpu.memory_space<vmem>>[vector<16xi32>], vector<16xf32>,
      %parallel_loop3A_351 = arith.constant 2 : i32
      %parallel_loop3A_352 = arith.muli %parallel_loop3A_351, %parallel_loop3A_334 : i32
      %parallel_loop3A_353 = arith.constant 16 : i32
      %parallel_loop3A_354 = arith.addi %parallel_loop3A_352, %parallel_loop3A_353 : i32
      %parallel_loop3A_355 = arith.index_cast %parallel_loop3A_354 : i32 to index
      %parallel_loop3A_356 = tpu.vector_load %arg9[%parallel_loop3A_355] {strides = array<i32>} : memref<8192xf32, #tpu.memory_space<vmem>>, vector<16xf32>,
      tpu.vector_store %arg9[%parallel_loop3A_355], %parallel_loop3A_350 {strides = array<i32>} : memref<8192xf32, #tpu.memory_space<vmem>>, vector<16xf32>,
    } {sc.loop_unroll_factor = 4 : i64, sc.parallel_access}
    %add3A_139 = arith.constant 1 : i32
    %add3A_140 = arith.addi %mul3A_2, %add3A_139 : i32
    %dma_start3A_141 = arith.constant 16384 : i32
    %dma_start3A_142 = tpu.memref_slice %arg4[%add3A_140, %dma_start3A_141] : memref<128x32768xf32, #tpu.memory_space<hbm>> -> memref<1x8192xf32, #tpu.memory_space<hbm>>
    %dma_start3A_143 = tpu.memref_squeeze %dma_start3A_142 : memref<1x8192xf32, #tpu.memory_space<hbm>> -> memref<8192xf32, #tpu.memory_space<hbm>>
    %dma_start3A_144 = arith.constant 16384 : i32
    %dma_start3A_145 = tpu.memref_slice %arg4[%add3A_140, %dma_start3A_144] : memref<128x32768xf32, #tpu.memory_space<hbm>> -> memref<1x8192xf32, #tpu.memory_space<hbm>>
    %dma_start3A_146 = tpu.memref_squeeze %dma_start3A_145 : memref<1x8192xf32, #tpu.memory_space<hbm>> -> memref<8192xf32, #tpu.memory_space<hbm>>
    tpu.enqueue_dma source(%arg9 : memref<8192xf32, #tpu.memory_space<vmem>>) target(%dma_start3A_146 : memref<8192xf32, #tpu.memory_space<hbm>>) target_semaphore(%arg14 : memref<!tpu.dma_semaphore, #tpu.memory_space<semaphore_mem>>)
    %dma_wait3A_147 = arith.constant 8192 : i32
    %dma_wait3A_148 = tpu.memref_slice %arg4[%add3A_123, %dma_wait3A_147] : memref<128x32768xf32, #tpu.memory_space<hbm>> -> memref<1x8192xf32, #tpu.memory_space<hbm>>
    %dma_wait3A_149 = tpu.memref_squeeze %dma_wait3A_148 : memref<1x8192xf32, #tpu.memory_space<hbm>> -> memref<8192xf32, #tpu.memory_space<hbm>>
    %dma_wait3A_150 = arith.constant 8192 : i32
    %dma_wait3A_151 = tpu.memref_slice %arg4[%add3A_123, %dma_wait3A_150] : memref<128x32768xf32, #tpu.memory_space<hbm>> -> memref<1x8192xf32, #tpu.memory_space<hbm>>
    %dma_wait3A_152 = tpu.memref_squeeze %dma_wait3A_151 : memref<1x8192xf32, #tpu.memory_space<hbm>> -> memref<8192xf32, #tpu.memory_space<hbm>>
    tpu.wait_dma2 semaphore(%arg15 : memref<!tpu.dma_semaphore, #tpu.memory_space<semaphore_mem>>) src(%arg10 : memref<8192xf32, #tpu.memory_space<vmem>>) dst(%dma_wait3A_152 : memref<8192xf32, #tpu.memory_space<hbm>>)
    %parallel_loop3A_153 = arith.constant 0 : i32
    %parallel_loop3A_154 = arith.constant 4096 : i32
    %parallel_loop3A_155 = arith.constant 16 : i32
    scf.for %parallel_loop3A_334 = %parallel_loop3A_153 to %parallel_loop3A_154 step %parallel_loop3A_155  : i32 {
      %parallel_loop3A_335 = arith.constant 12288 : i32
      %parallel_loop3A_336 = arith.addi %parallel_loop3A_335, %parallel_loop3A_334 : i32
      %parallel_loop3A_337 = arith.index_cast %parallel_loop3A_336 : i32 to index
      %parallel_loop3A_338 = tpu.vector_load %arg6[%parallel_loop3A_337] {strides = array<i32>} : memref<16384xi32, #tpu.memory_space<vmem>>, vector<16xi32>,
      %parallel_loop3A_339 = arith.constant 65535 : i32
      %parallel_loop3A_340 = vector.broadcast %parallel_loop3A_339 : i32 to vector<16xi32>
      %parallel_loop3A_341 = arith.andi %parallel_loop3A_338, %parallel_loop3A_340 : vector<16xi32>
      %parallel_loop3A_342 = arith.constant 16 : i32
      %parallel_loop3A_343 = vector.broadcast %parallel_loop3A_342 : i32 to vector<16xi32>
      %parallel_loop3A_344 = arith.shrui %parallel_loop3A_338, %parallel_loop3A_343 : vector<16xi32>
      %parallel_loop3A_345 = tpu.vector_load_idx %arg8[%parallel_loop3A_341] : memref<32768xf32, #tpu.memory_space<vmem>>[vector<16xi32>], vector<16xf32>,
      %parallel_loop3A_346 = arith.constant 2 : i32
      %parallel_loop3A_347 = arith.muli %parallel_loop3A_346, %parallel_loop3A_334 : i32
      %parallel_loop3A_348 = arith.index_cast %parallel_loop3A_347 : i32 to index
      %parallel_loop3A_349 = tpu.vector_load %arg10[%parallel_loop3A_348] {strides = array<i32>} : memref<8192xf32, #tpu.memory_space<vmem>>, vector<16xf32>,
      tpu.vector_store %arg10[%parallel_loop3A_348], %parallel_loop3A_345 {strides = array<i32>} : memref<8192xf32, #tpu.memory_space<vmem>>, vector<16xf32>,
      %parallel_loop3A_350 = tpu.vector_load_idx %arg8[%parallel_loop3A_344] : memref<32768xf32, #tpu.memory_space<vmem>>[vector<16xi32>], vector<16xf32>,
      %parallel_loop3A_351 = arith.constant 2 : i32
      %parallel_loop3A_352 = arith.muli %parallel_loop3A_351, %parallel_loop3A_334 : i32
      %parallel_loop3A_353 = arith.constant 16 : i32
      %parallel_loop3A_354 = arith.addi %parallel_loop3A_352, %parallel_loop3A_353 : i32
      %parallel_loop3A_355 = arith.index_cast %parallel_loop3A_354 : i32 to index
      %parallel_loop3A_356 = tpu.vector_load %arg10[%parallel_loop3A_355] {strides = array<i32>} : memref<8192xf32, #tpu.memory_space<vmem>>, vector<16xf32>,
      tpu.vector_store %arg10[%parallel_loop3A_355], %parallel_loop3A_350 {strides = array<i32>} : memref<8192xf32, #tpu.memory_space<vmem>>, vector<16xf32>,
    } {sc.loop_unroll_factor = 4 : i64, sc.parallel_access}
    %add3A_156 = arith.constant 1 : i32
    %add3A_157 = arith.addi %mul3A_2, %add3A_156 : i32
    %dma_start3A_158 = arith.constant 24576 : i32
    %dma_start3A_159 = tpu.memref_slice %arg4[%add3A_157, %dma_start3A_158] : memref<128x32768xf32, #tpu.memory_space<hbm>> -> memref<1x8192xf32, #tpu.memory_space<hbm>>
    %dma_start3A_160 = tpu.memref_squeeze %dma_start3A_159 : memref<1x8192xf32, #tpu.memory_space<hbm>> -> memref<8192xf32, #tpu.memory_space<hbm>>
    %dma_start3A_161 = arith.constant 24576 : i32
    %dma_start3A_162 = tpu.memref_slice %arg4[%add3A_157, %dma_start3A_161] : memref<128x32768xf32, #tpu.memory_space<hbm>> -> memref<1x8192xf32, #tpu.memory_space<hbm>>
    %dma_start3A_163 = tpu.memref_squeeze %dma_start3A_162 : memref<1x8192xf32, #tpu.memory_space<hbm>> -> memref<8192xf32, #tpu.memory_space<hbm>>
    tpu.enqueue_dma source(%arg10 : memref<8192xf32, #tpu.memory_space<vmem>>) target(%dma_start3A_163 : memref<8192xf32, #tpu.memory_space<hbm>>) target_semaphore(%arg15 : memref<!tpu.dma_semaphore, #tpu.memory_space<semaphore_mem>>)
    %add3A_164 = arith.constant 1 : i32
    %add3A_165 = arith.addi %mul3A_2, %add3A_164 : i32
    %add3A_166 = arith.constant 2 : i32
    %add3A_167 = arith.addi %add3A_165, %add3A_166 : i32
    %dma_start3A_168 = arith.constant 0 : i32
    %dma_start3A_169 = tpu.memref_slice %arg2[%add3A_167, %dma_start3A_168] : memref<128x32768xf32, #tpu.memory_space<hbm>> -> memref<1x32768xf32, #tpu.memory_space<hbm>>
    %dma_start3A_170 = tpu.memref_squeeze %dma_start3A_169 : memref<1x32768xf32, #tpu.memory_space<hbm>> -> memref<32768xf32, #tpu.memory_space<hbm>>
    %dma_start3A_171 = arith.constant 0 : i32
    %dma_start3A_172 = tpu.memref_slice %arg2[%add3A_167, %dma_start3A_171] : memref<128x32768xf32, #tpu.memory_space<hbm>> -> memref<1x32768xf32, #tpu.memory_space<hbm>>
    %dma_start3A_173 = tpu.memref_squeeze %dma_start3A_172 : memref<1x32768xf32, #tpu.memory_space<hbm>> -> memref<32768xf32, #tpu.memory_space<hbm>>
    tpu.enqueue_dma source(%dma_start3A_173 : memref<32768xf32, #tpu.memory_space<hbm>>) target(%arg8 : memref<32768xf32, #tpu.memory_space<vmem>>) target_semaphore(%arg13 : memref<!tpu.dma_semaphore, #tpu.memory_space<semaphore_mem>>)
    %dma_wait3A_174 = arith.constant 0 : i32
    %dma_wait3A_175 = tpu.memref_slice %arg2[%add3A_83, %dma_wait3A_174] : memref<128x32768xf32, #tpu.memory_space<hbm>> -> memref<1x32768xf32, #tpu.memory_space<hbm>>
    %dma_wait3A_176 = tpu.memref_squeeze %dma_wait3A_175 : memref<1x32768xf32, #tpu.memory_space<hbm>> -> memref<32768xf32, #tpu.memory_space<hbm>>
    %dma_wait3A_177 = arith.constant 0 : i32
    %dma_wait3A_178 = tpu.memref_slice %arg2[%add3A_83, %dma_wait3A_177] : memref<128x32768xf32, #tpu.memory_space<hbm>> -> memref<1x32768xf32, #tpu.memory_space<hbm>>
    %dma_wait3A_179 = tpu.memref_squeeze %dma_wait3A_178 : memref<1x32768xf32, #tpu.memory_space<hbm>> -> memref<32768xf32, #tpu.memory_space<hbm>>
    tpu.wait_dma2 semaphore(%arg12 : memref<!tpu.dma_semaphore, #tpu.memory_space<semaphore_mem>>) src(%dma_wait3A_179 : memref<32768xf32, #tpu.memory_space<hbm>>) dst(%arg7 : memref<32768xf32, #tpu.memory_space<vmem>>)
    %dma_wait3A_180 = arith.constant 16384 : i32
    %dma_wait3A_181 = tpu.memref_slice %arg4[%add3A_140, %dma_wait3A_180] : memref<128x32768xf32, #tpu.memory_space<hbm>> -> memref<1x8192xf32, #tpu.memory_space<hbm>>
    %dma_wait3A_182 = tpu.memref_squeeze %dma_wait3A_181 : memref<1x8192xf32, #tpu.memory_space<hbm>> -> memref<8192xf32, #tpu.memory_space<hbm>>
    %dma_wait3A_183 = arith.constant 16384 : i32
    %dma_wait3A_184 = tpu.memref_slice %arg4[%add3A_140, %dma_wait3A_183] : memref<128x32768xf32, #tpu.memory_space<hbm>> -> memref<1x8192xf32, #tpu.memory_space<hbm>>
    %dma_wait3A_185 = tpu.memref_squeeze %dma_wait3A_184 : memref<1x8192xf32, #tpu.memory_space<hbm>> -> memref<8192xf32, #tpu.memory_space<hbm>>
    tpu.wait_dma2 semaphore(%arg14 : memref<!tpu.dma_semaphore, #tpu.memory_space<semaphore_mem>>) src(%arg9 : memref<8192xf32, #tpu.memory_space<vmem>>) dst(%dma_wait3A_185 : memref<8192xf32, #tpu.memory_space<hbm>>)
    %parallel_loop3A_186 = arith.constant 0 : i32
    %parallel_loop3A_187 = arith.constant 4096 : i32
    %parallel_loop3A_188 = arith.constant 16 : i32
    scf.for %parallel_loop3A_334 = %parallel_loop3A_186 to %parallel_loop3A_187 step %parallel_loop3A_188  : i32 {
      %parallel_loop3A_335 = arith.constant 0 : i32
      %parallel_loop3A_336 = arith.addi %parallel_loop3A_335, %parallel_loop3A_334 : i32
      %parallel_loop3A_337 = arith.index_cast %parallel_loop3A_336 : i32 to index
      %parallel_loop3A_338 = tpu.vector_load %arg6[%parallel_loop3A_337] {strides = array<i32>} : memref<16384xi32, #tpu.memory_space<vmem>>, vector<16xi32>,
      %parallel_loop3A_339 = arith.constant 65535 : i32
      %parallel_loop3A_340 = vector.broadcast %parallel_loop3A_339 : i32 to vector<16xi32>
      %parallel_loop3A_341 = arith.andi %parallel_loop3A_338, %parallel_loop3A_340 : vector<16xi32>
      %parallel_loop3A_342 = arith.constant 16 : i32
      %parallel_loop3A_343 = vector.broadcast %parallel_loop3A_342 : i32 to vector<16xi32>
      %parallel_loop3A_344 = arith.shrui %parallel_loop3A_338, %parallel_loop3A_343 : vector<16xi32>
      %parallel_loop3A_345 = tpu.vector_load_idx %arg7[%parallel_loop3A_341] : memref<32768xf32, #tpu.memory_space<vmem>>[vector<16xi32>], vector<16xf32>,
      %parallel_loop3A_346 = arith.constant 2 : i32
      %parallel_loop3A_347 = arith.muli %parallel_loop3A_346, %parallel_loop3A_334 : i32
      %parallel_loop3A_348 = arith.index_cast %parallel_loop3A_347 : i32 to index
      %parallel_loop3A_349 = tpu.vector_load %arg9[%parallel_loop3A_348] {strides = array<i32>} : memref<8192xf32, #tpu.memory_space<vmem>>, vector<16xf32>,
      tpu.vector_store %arg9[%parallel_loop3A_348], %parallel_loop3A_345 {strides = array<i32>} : memref<8192xf32, #tpu.memory_space<vmem>>, vector<16xf32>,
      %parallel_loop3A_350 = tpu.vector_load_idx %arg7[%parallel_loop3A_344] : memref<32768xf32, #tpu.memory_space<vmem>>[vector<16xi32>], vector<16xf32>,
      %parallel_loop3A_351 = arith.constant 2 : i32
      %parallel_loop3A_352 = arith.muli %parallel_loop3A_351, %parallel_loop3A_334 : i32
      %parallel_loop3A_353 = arith.constant 16 : i32
      %parallel_loop3A_354 = arith.addi %parallel_loop3A_352, %parallel_loop3A_353 : i32
      %parallel_loop3A_355 = arith.index_cast %parallel_loop3A_354 : i32 to index
      %parallel_loop3A_356 = tpu.vector_load %arg9[%parallel_loop3A_355] {strides = array<i32>} : memref<8192xf32, #tpu.memory_space<vmem>>, vector<16xf32>,
      tpu.vector_store %arg9[%parallel_loop3A_355], %parallel_loop3A_350 {strides = array<i32>} : memref<8192xf32, #tpu.memory_space<vmem>>, vector<16xf32>,
    } {sc.loop_unroll_factor = 4 : i64, sc.parallel_access}
    %add3A_189 = arith.constant 2 : i32
    %add3A_190 = arith.addi %mul3A_2, %add3A_189 : i32
    %dma_start3A_191 = arith.constant 0 : i32
    %dma_start3A_192 = tpu.memref_slice %arg4[%add3A_190, %dma_start3A_191] : memref<128x32768xf32, #tpu.memory_space<hbm>> -> memref<1x8192xf32, #tpu.memory_space<hbm>>
    %dma_start3A_193 = tpu.memref_squeeze %dma_start3A_192 : memref<1x8192xf32, #tpu.memory_space<hbm>> -> memref<8192xf32, #tpu.memory_space<hbm>>
    %dma_start3A_194 = arith.constant 0 : i32
    %dma_start3A_195 = tpu.memref_slice %arg4[%add3A_190, %dma_start3A_194] : memref<128x32768xf32, #tpu.memory_space<hbm>> -> memref<1x8192xf32, #tpu.memory_space<hbm>>
    %dma_start3A_196 = tpu.memref_squeeze %dma_start3A_195 : memref<1x8192xf32, #tpu.memory_space<hbm>> -> memref<8192xf32, #tpu.memory_space<hbm>>
    tpu.enqueue_dma source(%arg9 : memref<8192xf32, #tpu.memory_space<vmem>>) target(%dma_start3A_196 : memref<8192xf32, #tpu.memory_space<hbm>>) target_semaphore(%arg14 : memref<!tpu.dma_semaphore, #tpu.memory_space<semaphore_mem>>)
    %dma_wait3A_197 = arith.constant 24576 : i32
    %dma_wait3A_198 = tpu.memref_slice %arg4[%add3A_157, %dma_wait3A_197] : memref<128x32768xf32, #tpu.memory_space<hbm>> -> memref<1x8192xf32, #tpu.memory_space<hbm>>
    %dma_wait3A_199 = tpu.memref_squeeze %dma_wait3A_198 : memref<1x8192xf32, #tpu.memory_space<hbm>> -> memref<8192xf32, #tpu.memory_space<hbm>>
    %dma_wait3A_200 = arith.constant 24576 : i32
    %dma_wait3A_201 = tpu.memref_slice %arg4[%add3A_157, %dma_wait3A_200] : memref<128x32768xf32, #tpu.memory_space<hbm>> -> memref<1x8192xf32, #tpu.memory_space<hbm>>
    %dma_wait3A_202 = tpu.memref_squeeze %dma_wait3A_201 : memref<1x8192xf32, #tpu.memory_space<hbm>> -> memref<8192xf32, #tpu.memory_space<hbm>>
    tpu.wait_dma2 semaphore(%arg15 : memref<!tpu.dma_semaphore, #tpu.memory_space<semaphore_mem>>) src(%arg10 : memref<8192xf32, #tpu.memory_space<vmem>>) dst(%dma_wait3A_202 : memref<8192xf32, #tpu.memory_space<hbm>>)
    %parallel_loop3A_203 = arith.constant 0 : i32
    %parallel_loop3A_204 = arith.constant 4096 : i32
    %parallel_loop3A_205 = arith.constant 16 : i32
    scf.for %parallel_loop3A_334 = %parallel_loop3A_203 to %parallel_loop3A_204 step %parallel_loop3A_205  : i32 {
      %parallel_loop3A_335 = arith.constant 4096 : i32
      %parallel_loop3A_336 = arith.addi %parallel_loop3A_335, %parallel_loop3A_334 : i32
      %parallel_loop3A_337 = arith.index_cast %parallel_loop3A_336 : i32 to index
      %parallel_loop3A_338 = tpu.vector_load %arg6[%parallel_loop3A_337] {strides = array<i32>} : memref<16384xi32, #tpu.memory_space<vmem>>, vector<16xi32>,
      %parallel_loop3A_339 = arith.constant 65535 : i32
      %parallel_loop3A_340 = vector.broadcast %parallel_loop3A_339 : i32 to vector<16xi32>
      %parallel_loop3A_341 = arith.andi %parallel_loop3A_338, %parallel_loop3A_340 : vector<16xi32>
      %parallel_loop3A_342 = arith.constant 16 : i32
      %parallel_loop3A_343 = vector.broadcast %parallel_loop3A_342 : i32 to vector<16xi32>
      %parallel_loop3A_344 = arith.shrui %parallel_loop3A_338, %parallel_loop3A_343 : vector<16xi32>
      %parallel_loop3A_345 = tpu.vector_load_idx %arg7[%parallel_loop3A_341] : memref<32768xf32, #tpu.memory_space<vmem>>[vector<16xi32>], vector<16xf32>,
      %parallel_loop3A_346 = arith.constant 2 : i32
      %parallel_loop3A_347 = arith.muli %parallel_loop3A_346, %parallel_loop3A_334 : i32
      %parallel_loop3A_348 = arith.index_cast %parallel_loop3A_347 : i32 to index
      %parallel_loop3A_349 = tpu.vector_load %arg10[%parallel_loop3A_348] {strides = array<i32>} : memref<8192xf32, #tpu.memory_space<vmem>>, vector<16xf32>,
      tpu.vector_store %arg10[%parallel_loop3A_348], %parallel_loop3A_345 {strides = array<i32>} : memref<8192xf32, #tpu.memory_space<vmem>>, vector<16xf32>,
      %parallel_loop3A_350 = tpu.vector_load_idx %arg7[%parallel_loop3A_344] : memref<32768xf32, #tpu.memory_space<vmem>>[vector<16xi32>], vector<16xf32>,
      %parallel_loop3A_351 = arith.constant 2 : i32
      %parallel_loop3A_352 = arith.muli %parallel_loop3A_351, %parallel_loop3A_334 : i32
      %parallel_loop3A_353 = arith.constant 16 : i32
      %parallel_loop3A_354 = arith.addi %parallel_loop3A_352, %parallel_loop3A_353 : i32
      %parallel_loop3A_355 = arith.index_cast %parallel_loop3A_354 : i32 to index
      %parallel_loop3A_356 = tpu.vector_load %arg10[%parallel_loop3A_355] {strides = array<i32>} : memref<8192xf32, #tpu.memory_space<vmem>>, vector<16xf32>,
      tpu.vector_store %arg10[%parallel_loop3A_355], %parallel_loop3A_350 {strides = array<i32>} : memref<8192xf32, #tpu.memory_space<vmem>>, vector<16xf32>,
    } {sc.loop_unroll_factor = 4 : i64, sc.parallel_access}
    %add3A_206 = arith.constant 2 : i32
    %add3A_207 = arith.addi %mul3A_2, %add3A_206 : i32
    %dma_start3A_208 = arith.constant 8192 : i32
    %dma_start3A_209 = tpu.memref_slice %arg4[%add3A_207, %dma_start3A_208] : memref<128x32768xf32, #tpu.memory_space<hbm>> -> memref<1x8192xf32, #tpu.memory_space<hbm>>
    %dma_start3A_210 = tpu.memref_squeeze %dma_start3A_209 : memref<1x8192xf32, #tpu.memory_space<hbm>> -> memref<8192xf32, #tpu.memory_space<hbm>>
    %dma_start3A_211 = arith.constant 8192 : i32
    %dma_start3A_212 = tpu.memref_slice %arg4[%add3A_207, %dma_start3A_211] : memref<128x32768xf32, #tpu.memory_space<hbm>> -> memref<1x8192xf32, #tpu.memory_space<hbm>>
    %dma_start3A_213 = tpu.memref_squeeze %dma_start3A_212 : memref<1x8192xf32, #tpu.memory_space<hbm>> -> memref<8192xf32, #tpu.memory_space<hbm>>
    tpu.enqueue_dma source(%arg10 : memref<8192xf32, #tpu.memory_space<vmem>>) target(%dma_start3A_213 : memref<8192xf32, #tpu.memory_space<hbm>>) target_semaphore(%arg15 : memref<!tpu.dma_semaphore, #tpu.memory_space<semaphore_mem>>)
    %dma_wait3A_214 = arith.constant 0 : i32
    %dma_wait3A_215 = tpu.memref_slice %arg4[%add3A_190, %dma_wait3A_214] : memref<128x32768xf32, #tpu.memory_space<hbm>> -> memref<1x8192xf32, #tpu.memory_space<hbm>>
    %dma_wait3A_216 = tpu.memref_squeeze %dma_wait3A_215 : memref<1x8192xf32, #tpu.memory_space<hbm>> -> memref<8192xf32, #tpu.memory_space<hbm>>
    %dma_wait3A_217 = arith.constant 0 : i32
    %dma_wait3A_218 = tpu.memref_slice %arg4[%add3A_190, %dma_wait3A_217] : memref<128x32768xf32, #tpu.memory_space<hbm>> -> memref<1x8192xf32, #tpu.memory_space<hbm>>
    %dma_wait3A_219 = tpu.memref_squeeze %dma_wait3A_218 : memref<1x8192xf32, #tpu.memory_space<hbm>> -> memref<8192xf32, #tpu.memory_space<hbm>>
    tpu.wait_dma2 semaphore(%arg14 : memref<!tpu.dma_semaphore, #tpu.memory_space<semaphore_mem>>) src(%arg9 : memref<8192xf32, #tpu.memory_space<vmem>>) dst(%dma_wait3A_219 : memref<8192xf32, #tpu.memory_space<hbm>>)
    %parallel_loop3A_220 = arith.constant 0 : i32
    %parallel_loop3A_221 = arith.constant 4096 : i32
    %parallel_loop3A_222 = arith.constant 16 : i32
    scf.for %parallel_loop3A_334 = %parallel_loop3A_220 to %parallel_loop3A_221 step %parallel_loop3A_222  : i32 {
      %parallel_loop3A_335 = arith.constant 8192 : i32
      %parallel_loop3A_336 = arith.addi %parallel_loop3A_335, %parallel_loop3A_334 : i32
      %parallel_loop3A_337 = arith.index_cast %parallel_loop3A_336 : i32 to index
      %parallel_loop3A_338 = tpu.vector_load %arg6[%parallel_loop3A_337] {strides = array<i32>} : memref<16384xi32, #tpu.memory_space<vmem>>, vector<16xi32>,
      %parallel_loop3A_339 = arith.constant 65535 : i32
      %parallel_loop3A_340 = vector.broadcast %parallel_loop3A_339 : i32 to vector<16xi32>
      %parallel_loop3A_341 = arith.andi %parallel_loop3A_338, %parallel_loop3A_340 : vector<16xi32>
      %parallel_loop3A_342 = arith.constant 16 : i32
      %parallel_loop3A_343 = vector.broadcast %parallel_loop3A_342 : i32 to vector<16xi32>
      %parallel_loop3A_344 = arith.shrui %parallel_loop3A_338, %parallel_loop3A_343 : vector<16xi32>
      %parallel_loop3A_345 = tpu.vector_load_idx %arg7[%parallel_loop3A_341] : memref<32768xf32, #tpu.memory_space<vmem>>[vector<16xi32>], vector<16xf32>,
      %parallel_loop3A_346 = arith.constant 2 : i32
      %parallel_loop3A_347 = arith.muli %parallel_loop3A_346, %parallel_loop3A_334 : i32
      %parallel_loop3A_348 = arith.index_cast %parallel_loop3A_347 : i32 to index
      %parallel_loop3A_349 = tpu.vector_load %arg9[%parallel_loop3A_348] {strides = array<i32>} : memref<8192xf32, #tpu.memory_space<vmem>>, vector<16xf32>,
      tpu.vector_store %arg9[%parallel_loop3A_348], %parallel_loop3A_345 {strides = array<i32>} : memref<8192xf32, #tpu.memory_space<vmem>>, vector<16xf32>,
      %parallel_loop3A_350 = tpu.vector_load_idx %arg7[%parallel_loop3A_344] : memref<32768xf32, #tpu.memory_space<vmem>>[vector<16xi32>], vector<16xf32>,
      %parallel_loop3A_351 = arith.constant 2 : i32
      %parallel_loop3A_352 = arith.muli %parallel_loop3A_351, %parallel_loop3A_334 : i32
      %parallel_loop3A_353 = arith.constant 16 : i32
      %parallel_loop3A_354 = arith.addi %parallel_loop3A_352, %parallel_loop3A_353 : i32
      %parallel_loop3A_355 = arith.index_cast %parallel_loop3A_354 : i32 to index
      %parallel_loop3A_356 = tpu.vector_load %arg9[%parallel_loop3A_355] {strides = array<i32>} : memref<8192xf32, #tpu.memory_space<vmem>>, vector<16xf32>,
      tpu.vector_store %arg9[%parallel_loop3A_355], %parallel_loop3A_350 {strides = array<i32>} : memref<8192xf32, #tpu.memory_space<vmem>>, vector<16xf32>,
    } {sc.loop_unroll_factor = 4 : i64, sc.parallel_access}
    %add3A_223 = arith.constant 2 : i32
    %add3A_224 = arith.addi %mul3A_2, %add3A_223 : i32
    %dma_start3A_225 = arith.constant 16384 : i32
    %dma_start3A_226 = tpu.memref_slice %arg4[%add3A_224, %dma_start3A_225] : memref<128x32768xf32, #tpu.memory_space<hbm>> -> memref<1x8192xf32, #tpu.memory_space<hbm>>
    %dma_start3A_227 = tpu.memref_squeeze %dma_start3A_226 : memref<1x8192xf32, #tpu.memory_space<hbm>> -> memref<8192xf32, #tpu.memory_space<hbm>>
    %dma_start3A_228 = arith.constant 16384 : i32
    %dma_start3A_229 = tpu.memref_slice %arg4[%add3A_224, %dma_start3A_228] : memref<128x32768xf32, #tpu.memory_space<hbm>> -> memref<1x8192xf32, #tpu.memory_space<hbm>>
    %dma_start3A_230 = tpu.memref_squeeze %dma_start3A_229 : memref<1x8192xf32, #tpu.memory_space<hbm>> -> memref<8192xf32, #tpu.memory_space<hbm>>
    tpu.enqueue_dma source(%arg9 : memref<8192xf32, #tpu.memory_space<vmem>>) target(%dma_start3A_230 : memref<8192xf32, #tpu.memory_space<hbm>>) target_semaphore(%arg14 : memref<!tpu.dma_semaphore, #tpu.memory_space<semaphore_mem>>)
    %dma_wait3A_231 = arith.constant 8192 : i32
    %dma_wait3A_232 = tpu.memref_slice %arg4[%add3A_207, %dma_wait3A_231] : memref<128x32768xf32, #tpu.memory_space<hbm>> -> memref<1x8192xf32, #tpu.memory_space<hbm>>
    %dma_wait3A_233 = tpu.memref_squeeze %dma_wait3A_232 : memref<1x8192xf32, #tpu.memory_space<hbm>> -> memref<8192xf32, #tpu.memory_space<hbm>>
    %dma_wait3A_234 = arith.constant 8192 : i32
    %dma_wait3A_235 = tpu.memref_slice %arg4[%add3A_207, %dma_wait3A_234] : memref<128x32768xf32, #tpu.memory_space<hbm>> -> memref<1x8192xf32, #tpu.memory_space<hbm>>
    %dma_wait3A_236 = tpu.memref_squeeze %dma_wait3A_235 : memref<1x8192xf32, #tpu.memory_space<hbm>> -> memref<8192xf32, #tpu.memory_space<hbm>>
    tpu.wait_dma2 semaphore(%arg15 : memref<!tpu.dma_semaphore, #tpu.memory_space<semaphore_mem>>) src(%arg10 : memref<8192xf32, #tpu.memory_space<vmem>>) dst(%dma_wait3A_236 : memref<8192xf32, #tpu.memory_space<hbm>>)
    %parallel_loop3A_237 = arith.constant 0 : i32
    %parallel_loop3A_238 = arith.constant 4096 : i32
    %parallel_loop3A_239 = arith.constant 16 : i32
    scf.for %parallel_loop3A_334 = %parallel_loop3A_237 to %parallel_loop3A_238 step %parallel_loop3A_239  : i32 {
      %parallel_loop3A_335 = arith.constant 12288 : i32
      %parallel_loop3A_336 = arith.addi %parallel_loop3A_335, %parallel_loop3A_334 : i32
      %parallel_loop3A_337 = arith.index_cast %parallel_loop3A_336 : i32 to index
      %parallel_loop3A_338 = tpu.vector_load %arg6[%parallel_loop3A_337] {strides = array<i32>} : memref<16384xi32, #tpu.memory_space<vmem>>, vector<16xi32>,
      %parallel_loop3A_339 = arith.constant 65535 : i32
      %parallel_loop3A_340 = vector.broadcast %parallel_loop3A_339 : i32 to vector<16xi32>
      %parallel_loop3A_341 = arith.andi %parallel_loop3A_338, %parallel_loop3A_340 : vector<16xi32>
      %parallel_loop3A_342 = arith.constant 16 : i32
      %parallel_loop3A_343 = vector.broadcast %parallel_loop3A_342 : i32 to vector<16xi32>
      %parallel_loop3A_344 = arith.shrui %parallel_loop3A_338, %parallel_loop3A_343 : vector<16xi32>
      %parallel_loop3A_345 = tpu.vector_load_idx %arg7[%parallel_loop3A_341] : memref<32768xf32, #tpu.memory_space<vmem>>[vector<16xi32>], vector<16xf32>,
      %parallel_loop3A_346 = arith.constant 2 : i32
      %parallel_loop3A_347 = arith.muli %parallel_loop3A_346, %parallel_loop3A_334 : i32
      %parallel_loop3A_348 = arith.index_cast %parallel_loop3A_347 : i32 to index
      %parallel_loop3A_349 = tpu.vector_load %arg10[%parallel_loop3A_348] {strides = array<i32>} : memref<8192xf32, #tpu.memory_space<vmem>>, vector<16xf32>,
      tpu.vector_store %arg10[%parallel_loop3A_348], %parallel_loop3A_345 {strides = array<i32>} : memref<8192xf32, #tpu.memory_space<vmem>>, vector<16xf32>,
      %parallel_loop3A_350 = tpu.vector_load_idx %arg7[%parallel_loop3A_344] : memref<32768xf32, #tpu.memory_space<vmem>>[vector<16xi32>], vector<16xf32>,
      %parallel_loop3A_351 = arith.constant 2 : i32
      %parallel_loop3A_352 = arith.muli %parallel_loop3A_351, %parallel_loop3A_334 : i32
      %parallel_loop3A_353 = arith.constant 16 : i32
      %parallel_loop3A_354 = arith.addi %parallel_loop3A_352, %parallel_loop3A_353 : i32
      %parallel_loop3A_355 = arith.index_cast %parallel_loop3A_354 : i32 to index
      %parallel_loop3A_356 = tpu.vector_load %arg10[%parallel_loop3A_355] {strides = array<i32>} : memref<8192xf32, #tpu.memory_space<vmem>>, vector<16xf32>,
      tpu.vector_store %arg10[%parallel_loop3A_355], %parallel_loop3A_350 {strides = array<i32>} : memref<8192xf32, #tpu.memory_space<vmem>>, vector<16xf32>,
    } {sc.loop_unroll_factor = 4 : i64, sc.parallel_access}
    %add3A_240 = arith.constant 2 : i32
    %add3A_241 = arith.addi %mul3A_2, %add3A_240 : i32
    %dma_start3A_242 = arith.constant 24576 : i32
    %dma_start3A_243 = tpu.memref_slice %arg4[%add3A_241, %dma_start3A_242] : memref<128x32768xf32, #tpu.memory_space<hbm>> -> memref<1x8192xf32, #tpu.memory_space<hbm>>
    %dma_start3A_244 = tpu.memref_squeeze %dma_start3A_243 : memref<1x8192xf32, #tpu.memory_space<hbm>> -> memref<8192xf32, #tpu.memory_space<hbm>>
    %dma_start3A_245 = arith.constant 24576 : i32
    %dma_start3A_246 = tpu.memref_slice %arg4[%add3A_241, %dma_start3A_245] : memref<128x32768xf32, #tpu.memory_space<hbm>> -> memref<1x8192xf32, #tpu.memory_space<hbm>>
    %dma_start3A_247 = tpu.memref_squeeze %dma_start3A_246 : memref<1x8192xf32, #tpu.memory_space<hbm>> -> memref<8192xf32, #tpu.memory_space<hbm>>
    tpu.enqueue_dma source(%arg10 : memref<8192xf32, #tpu.memory_space<vmem>>) target(%dma_start3A_247 : memref<8192xf32, #tpu.memory_space<hbm>>) target_semaphore(%arg15 : memref<!tpu.dma_semaphore, #tpu.memory_space<semaphore_mem>>)
    %dma_wait3A_248 = arith.constant 0 : i32
    %dma_wait3A_249 = tpu.memref_slice %arg2[%add3A_167, %dma_wait3A_248] : memref<128x32768xf32, #tpu.memory_space<hbm>> -> memref<1x32768xf32, #tpu.memory_space<hbm>>
    %dma_wait3A_250 = tpu.memref_squeeze %dma_wait3A_249 : memref<1x32768xf32, #tpu.memory_space<hbm>> -> memref<32768xf32, #tpu.memory_space<hbm>>
    %dma_wait3A_251 = arith.constant 0 : i32
    %dma_wait3A_252 = tpu.memref_slice %arg2[%add3A_167, %dma_wait3A_251] : memref<128x32768xf32, #tpu.memory_space<hbm>> -> memref<1x32768xf32, #tpu.memory_space<hbm>>
    %dma_wait3A_253 = tpu.memref_squeeze %dma_wait3A_252 : memref<1x32768xf32, #tpu.memory_space<hbm>> -> memref<32768xf32, #tpu.memory_space<hbm>>
    tpu.wait_dma2 semaphore(%arg13 : memref<!tpu.dma_semaphore, #tpu.memory_space<semaphore_mem>>) src(%dma_wait3A_253 : memref<32768xf32, #tpu.memory_space<hbm>>) dst(%arg8 : memref<32768xf32, #tpu.memory_space<vmem>>)
    %dma_wait3A_254 = arith.constant 16384 : i32
    %dma_wait3A_255 = tpu.memref_slice %arg4[%add3A_224, %dma_wait3A_254] : memref<128x32768xf32, #tpu.memory_space<hbm>> -> memref<1x8192xf32, #tpu.memory_space<hbm>>
    %dma_wait3A_256 = tpu.memref_squeeze %dma_wait3A_255 : memref<1x8192xf32, #tpu.memory_space<hbm>> -> memref<8192xf32, #tpu.memory_space<hbm>>
    %dma_wait3A_257 = arith.constant 16384 : i32
    %dma_wait3A_258 = tpu.memref_slice %arg4[%add3A_224, %dma_wait3A_257] : memref<128x32768xf32, #tpu.memory_space<hbm>> -> memref<1x8192xf32, #tpu.memory_space<hbm>>
    %dma_wait3A_259 = tpu.memref_squeeze %dma_wait3A_258 : memref<1x8192xf32, #tpu.memory_space<hbm>> -> memref<8192xf32, #tpu.memory_space<hbm>>
    tpu.wait_dma2 semaphore(%arg14 : memref<!tpu.dma_semaphore, #tpu.memory_space<semaphore_mem>>) src(%arg9 : memref<8192xf32, #tpu.memory_space<vmem>>) dst(%dma_wait3A_259 : memref<8192xf32, #tpu.memory_space<hbm>>)
    %parallel_loop3A_260 = arith.constant 0 : i32
    %parallel_loop3A_261 = arith.constant 4096 : i32
    %parallel_loop3A_262 = arith.constant 16 : i32
    scf.for %parallel_loop3A_334 = %parallel_loop3A_260 to %parallel_loop3A_261 step %parallel_loop3A_262  : i32 {
      %parallel_loop3A_335 = arith.constant 0 : i32
      %parallel_loop3A_336 = arith.addi %parallel_loop3A_335, %parallel_loop3A_334 : i32
      %parallel_loop3A_337 = arith.index_cast %parallel_loop3A_336 : i32 to index
      %parallel_loop3A_338 = tpu.vector_load %arg6[%parallel_loop3A_337] {strides = array<i32>} : memref<16384xi32, #tpu.memory_space<vmem>>, vector<16xi32>,
      %parallel_loop3A_339 = arith.constant 65535 : i32
      %parallel_loop3A_340 = vector.broadcast %parallel_loop3A_339 : i32 to vector<16xi32>
      %parallel_loop3A_341 = arith.andi %parallel_loop3A_338, %parallel_loop3A_340 : vector<16xi32>
      %parallel_loop3A_342 = arith.constant 16 : i32
      %parallel_loop3A_343 = vector.broadcast %parallel_loop3A_342 : i32 to vector<16xi32>
      %parallel_loop3A_344 = arith.shrui %parallel_loop3A_338, %parallel_loop3A_343 : vector<16xi32>
      %parallel_loop3A_345 = tpu.vector_load_idx %arg8[%parallel_loop3A_341] : memref<32768xf32, #tpu.memory_space<vmem>>[vector<16xi32>], vector<16xf32>,
      %parallel_loop3A_346 = arith.constant 2 : i32
      %parallel_loop3A_347 = arith.muli %parallel_loop3A_346, %parallel_loop3A_334 : i32
      %parallel_loop3A_348 = arith.index_cast %parallel_loop3A_347 : i32 to index
      %parallel_loop3A_349 = tpu.vector_load %arg9[%parallel_loop3A_348] {strides = array<i32>} : memref<8192xf32, #tpu.memory_space<vmem>>, vector<16xf32>,
      tpu.vector_store %arg9[%parallel_loop3A_348], %parallel_loop3A_345 {strides = array<i32>} : memref<8192xf32, #tpu.memory_space<vmem>>, vector<16xf32>,
      %parallel_loop3A_350 = tpu.vector_load_idx %arg8[%parallel_loop3A_344] : memref<32768xf32, #tpu.memory_space<vmem>>[vector<16xi32>], vector<16xf32>,
      %parallel_loop3A_351 = arith.constant 2 : i32
      %parallel_loop3A_352 = arith.muli %parallel_loop3A_351, %parallel_loop3A_334 : i32
      %parallel_loop3A_353 = arith.constant 16 : i32
      %parallel_loop3A_354 = arith.addi %parallel_loop3A_352, %parallel_loop3A_353 : i32
      %parallel_loop3A_355 = arith.index_cast %parallel_loop3A_354 : i32 to index
      %parallel_loop3A_356 = tpu.vector_load %arg9[%parallel_loop3A_355] {strides = array<i32>} : memref<8192xf32, #tpu.memory_space<vmem>>, vector<16xf32>,
      tpu.vector_store %arg9[%parallel_loop3A_355], %parallel_loop3A_350 {strides = array<i32>} : memref<8192xf32, #tpu.memory_space<vmem>>, vector<16xf32>,
    } {sc.loop_unroll_factor = 4 : i64, sc.parallel_access}
    %add3A_263 = arith.constant 3 : i32
    %add3A_264 = arith.addi %mul3A_2, %add3A_263 : i32
    %dma_start3A_265 = arith.constant 0 : i32
    %dma_start3A_266 = tpu.memref_slice %arg4[%add3A_264, %dma_start3A_265] : memref<128x32768xf32, #tpu.memory_space<hbm>> -> memref<1x8192xf32, #tpu.memory_space<hbm>>
    %dma_start3A_267 = tpu.memref_squeeze %dma_start3A_266 : memref<1x8192xf32, #tpu.memory_space<hbm>> -> memref<8192xf32, #tpu.memory_space<hbm>>
    %dma_start3A_268 = arith.constant 0 : i32
    %dma_start3A_269 = tpu.memref_slice %arg4[%add3A_264, %dma_start3A_268] : memref<128x32768xf32, #tpu.memory_space<hbm>> -> memref<1x8192xf32, #tpu.memory_space<hbm>>
    %dma_start3A_270 = tpu.memref_squeeze %dma_start3A_269 : memref<1x8192xf32, #tpu.memory_space<hbm>> -> memref<8192xf32, #tpu.memory_space<hbm>>
    tpu.enqueue_dma source(%arg9 : memref<8192xf32, #tpu.memory_space<vmem>>) target(%dma_start3A_270 : memref<8192xf32, #tpu.memory_space<hbm>>) target_semaphore(%arg14 : memref<!tpu.dma_semaphore, #tpu.memory_space<semaphore_mem>>)
    %dma_wait3A_271 = arith.constant 24576 : i32
    %dma_wait3A_272 = tpu.memref_slice %arg4[%add3A_241, %dma_wait3A_271] : memref<128x32768xf32, #tpu.memory_space<hbm>> -> memref<1x8192xf32, #tpu.memory_space<hbm>>
    %dma_wait3A_273 = tpu.memref_squeeze %dma_wait3A_272 : memref<1x8192xf32, #tpu.memory_space<hbm>> -> memref<8192xf32, #tpu.memory_space<hbm>>
    %dma_wait3A_274 = arith.constant 24576 : i32
    %dma_wait3A_275 = tpu.memref_slice %arg4[%add3A_241, %dma_wait3A_274] : memref<128x32768xf32, #tpu.memory_space<hbm>> -> memref<1x8192xf32, #tpu.memory_space<hbm>>
    %dma_wait3A_276 = tpu.memref_squeeze %dma_wait3A_275 : memref<1x8192xf32, #tpu.memory_space<hbm>> -> memref<8192xf32, #tpu.memory_space<hbm>>
    tpu.wait_dma2 semaphore(%arg15 : memref<!tpu.dma_semaphore, #tpu.memory_space<semaphore_mem>>) src(%arg10 : memref<8192xf32, #tpu.memory_space<vmem>>) dst(%dma_wait3A_276 : memref<8192xf32, #tpu.memory_space<hbm>>)
    %parallel_loop3A_277 = arith.constant 0 : i32
    %parallel_loop3A_278 = arith.constant 4096 : i32
    %parallel_loop3A_279 = arith.constant 16 : i32
    scf.for %parallel_loop3A_334 = %parallel_loop3A_277 to %parallel_loop3A_278 step %parallel_loop3A_279  : i32 {
      %parallel_loop3A_335 = arith.constant 4096 : i32
      %parallel_loop3A_336 = arith.addi %parallel_loop3A_335, %parallel_loop3A_334 : i32
      %parallel_loop3A_337 = arith.index_cast %parallel_loop3A_336 : i32 to index
      %parallel_loop3A_338 = tpu.vector_load %arg6[%parallel_loop3A_337] {strides = array<i32>} : memref<16384xi32, #tpu.memory_space<vmem>>, vector<16xi32>,
      %parallel_loop3A_339 = arith.constant 65535 : i32
      %parallel_loop3A_340 = vector.broadcast %parallel_loop3A_339 : i32 to vector<16xi32>
      %parallel_loop3A_341 = arith.andi %parallel_loop3A_338, %parallel_loop3A_340 : vector<16xi32>
      %parallel_loop3A_342 = arith.constant 16 : i32
      %parallel_loop3A_343 = vector.broadcast %parallel_loop3A_342 : i32 to vector<16xi32>
      %parallel_loop3A_344 = arith.shrui %parallel_loop3A_338, %parallel_loop3A_343 : vector<16xi32>
      %parallel_loop3A_345 = tpu.vector_load_idx %arg8[%parallel_loop3A_341] : memref<32768xf32, #tpu.memory_space<vmem>>[vector<16xi32>], vector<16xf32>,
      %parallel_loop3A_346 = arith.constant 2 : i32
      %parallel_loop3A_347 = arith.muli %parallel_loop3A_346, %parallel_loop3A_334 : i32
      %parallel_loop3A_348 = arith.index_cast %parallel_loop3A_347 : i32 to index
      %parallel_loop3A_349 = tpu.vector_load %arg10[%parallel_loop3A_348] {strides = array<i32>} : memref<8192xf32, #tpu.memory_space<vmem>>, vector<16xf32>,
      tpu.vector_store %arg10[%parallel_loop3A_348], %parallel_loop3A_345 {strides = array<i32>} : memref<8192xf32, #tpu.memory_space<vmem>>, vector<16xf32>,
      %parallel_loop3A_350 = tpu.vector_load_idx %arg8[%parallel_loop3A_344] : memref<32768xf32, #tpu.memory_space<vmem>>[vector<16xi32>], vector<16xf32>,
      %parallel_loop3A_351 = arith.constant 2 : i32
      %parallel_loop3A_352 = arith.muli %parallel_loop3A_351, %parallel_loop3A_334 : i32
      %parallel_loop3A_353 = arith.constant 16 : i32
      %parallel_loop3A_354 = arith.addi %parallel_loop3A_352, %parallel_loop3A_353 : i32
      %parallel_loop3A_355 = arith.index_cast %parallel_loop3A_354 : i32 to index
      %parallel_loop3A_356 = tpu.vector_load %arg10[%parallel_loop3A_355] {strides = array<i32>} : memref<8192xf32, #tpu.memory_space<vmem>>, vector<16xf32>,
      tpu.vector_store %arg10[%parallel_loop3A_355], %parallel_loop3A_350 {strides = array<i32>} : memref<8192xf32, #tpu.memory_space<vmem>>, vector<16xf32>,
    } {sc.loop_unroll_factor = 4 : i64, sc.parallel_access}
    %add3A_280 = arith.constant 3 : i32
    %add3A_281 = arith.addi %mul3A_2, %add3A_280 : i32
    %dma_start3A_282 = arith.constant 8192 : i32
    %dma_start3A_283 = tpu.memref_slice %arg4[%add3A_281, %dma_start3A_282] : memref<128x32768xf32, #tpu.memory_space<hbm>> -> memref<1x8192xf32, #tpu.memory_space<hbm>>
    %dma_start3A_284 = tpu.memref_squeeze %dma_start3A_283 : memref<1x8192xf32, #tpu.memory_space<hbm>> -> memref<8192xf32, #tpu.memory_space<hbm>>
    %dma_start3A_285 = arith.constant 8192 : i32
    %dma_start3A_286 = tpu.memref_slice %arg4[%add3A_281, %dma_start3A_285] : memref<128x32768xf32, #tpu.memory_space<hbm>> -> memref<1x8192xf32, #tpu.memory_space<hbm>>
    %dma_start3A_287 = tpu.memref_squeeze %dma_start3A_286 : memref<1x8192xf32, #tpu.memory_space<hbm>> -> memref<8192xf32, #tpu.memory_space<hbm>>
    tpu.enqueue_dma source(%arg10 : memref<8192xf32, #tpu.memory_space<vmem>>) target(%dma_start3A_287 : memref<8192xf32, #tpu.memory_space<hbm>>) target_semaphore(%arg15 : memref<!tpu.dma_semaphore, #tpu.memory_space<semaphore_mem>>)
    %dma_wait3A_288 = arith.constant 0 : i32
    %dma_wait3A_289 = tpu.memref_slice %arg4[%add3A_264, %dma_wait3A_288] : memref<128x32768xf32, #tpu.memory_space<hbm>> -> memref<1x8192xf32, #tpu.memory_space<hbm>>
    %dma_wait3A_290 = tpu.memref_squeeze %dma_wait3A_289 : memref<1x8192xf32, #tpu.memory_space<hbm>> -> memref<8192xf32, #tpu.memory_space<hbm>>
    %dma_wait3A_291 = arith.constant 0 : i32
    %dma_wait3A_292 = tpu.memref_slice %arg4[%add3A_264, %dma_wait3A_291] : memref<128x32768xf32, #tpu.memory_space<hbm>> -> memref<1x8192xf32, #tpu.memory_space<hbm>>
    %dma_wait3A_293 = tpu.memref_squeeze %dma_wait3A_292 : memref<1x8192xf32, #tpu.memory_space<hbm>> -> memref<8192xf32, #tpu.memory_space<hbm>>
    tpu.wait_dma2 semaphore(%arg14 : memref<!tpu.dma_semaphore, #tpu.memory_space<semaphore_mem>>) src(%arg9 : memref<8192xf32, #tpu.memory_space<vmem>>) dst(%dma_wait3A_293 : memref<8192xf32, #tpu.memory_space<hbm>>)
    %parallel_loop3A_294 = arith.constant 0 : i32
    %parallel_loop3A_295 = arith.constant 4096 : i32
    %parallel_loop3A_296 = arith.constant 16 : i32
    scf.for %parallel_loop3A_334 = %parallel_loop3A_294 to %parallel_loop3A_295 step %parallel_loop3A_296  : i32 {
      %parallel_loop3A_335 = arith.constant 8192 : i32
      %parallel_loop3A_336 = arith.addi %parallel_loop3A_335, %parallel_loop3A_334 : i32
      %parallel_loop3A_337 = arith.index_cast %parallel_loop3A_336 : i32 to index
      %parallel_loop3A_338 = tpu.vector_load %arg6[%parallel_loop3A_337] {strides = array<i32>} : memref<16384xi32, #tpu.memory_space<vmem>>, vector<16xi32>,
      %parallel_loop3A_339 = arith.constant 65535 : i32
      %parallel_loop3A_340 = vector.broadcast %parallel_loop3A_339 : i32 to vector<16xi32>
      %parallel_loop3A_341 = arith.andi %parallel_loop3A_338, %parallel_loop3A_340 : vector<16xi32>
      %parallel_loop3A_342 = arith.constant 16 : i32
      %parallel_loop3A_343 = vector.broadcast %parallel_loop3A_342 : i32 to vector<16xi32>
      %parallel_loop3A_344 = arith.shrui %parallel_loop3A_338, %parallel_loop3A_343 : vector<16xi32>
      %parallel_loop3A_345 = tpu.vector_load_idx %arg8[%parallel_loop3A_341] : memref<32768xf32, #tpu.memory_space<vmem>>[vector<16xi32>], vector<16xf32>,
      %parallel_loop3A_346 = arith.constant 2 : i32
      %parallel_loop3A_347 = arith.muli %parallel_loop3A_346, %parallel_loop3A_334 : i32
      %parallel_loop3A_348 = arith.index_cast %parallel_loop3A_347 : i32 to index
      %parallel_loop3A_349 = tpu.vector_load %arg9[%parallel_loop3A_348] {strides = array<i32>} : memref<8192xf32, #tpu.memory_space<vmem>>, vector<16xf32>,
      tpu.vector_store %arg9[%parallel_loop3A_348], %parallel_loop3A_345 {strides = array<i32>} : memref<8192xf32, #tpu.memory_space<vmem>>, vector<16xf32>,
      %parallel_loop3A_350 = tpu.vector_load_idx %arg8[%parallel_loop3A_344] : memref<32768xf32, #tpu.memory_space<vmem>>[vector<16xi32>], vector<16xf32>,
      %parallel_loop3A_351 = arith.constant 2 : i32
      %parallel_loop3A_352 = arith.muli %parallel_loop3A_351, %parallel_loop3A_334 : i32
      %parallel_loop3A_353 = arith.constant 16 : i32
      %parallel_loop3A_354 = arith.addi %parallel_loop3A_352, %parallel_loop3A_353 : i32
      %parallel_loop3A_355 = arith.index_cast %parallel_loop3A_354 : i32 to index
      %parallel_loop3A_356 = tpu.vector_load %arg9[%parallel_loop3A_355] {strides = array<i32>} : memref<8192xf32, #tpu.memory_space<vmem>>, vector<16xf32>,
      tpu.vector_store %arg9[%parallel_loop3A_355], %parallel_loop3A_350 {strides = array<i32>} : memref<8192xf32, #tpu.memory_space<vmem>>, vector<16xf32>,
    } {sc.loop_unroll_factor = 4 : i64, sc.parallel_access}
    %add3A_297 = arith.constant 3 : i32
    %add3A_298 = arith.addi %mul3A_2, %add3A_297 : i32
    %dma_start3A_299 = arith.constant 16384 : i32
    %dma_start3A_300 = tpu.memref_slice %arg4[%add3A_298, %dma_start3A_299] : memref<128x32768xf32, #tpu.memory_space<hbm>> -> memref<1x8192xf32, #tpu.memory_space<hbm>>
    %dma_start3A_301 = tpu.memref_squeeze %dma_start3A_300 : memref<1x8192xf32, #tpu.memory_space<hbm>> -> memref<8192xf32, #tpu.memory_space<hbm>>
    %dma_start3A_302 = arith.constant 16384 : i32
    %dma_start3A_303 = tpu.memref_slice %arg4[%add3A_298, %dma_start3A_302] : memref<128x32768xf32, #tpu.memory_space<hbm>> -> memref<1x8192xf32, #tpu.memory_space<hbm>>
    %dma_start3A_304 = tpu.memref_squeeze %dma_start3A_303 : memref<1x8192xf32, #tpu.memory_space<hbm>> -> memref<8192xf32, #tpu.memory_space<hbm>>
    tpu.enqueue_dma source(%arg9 : memref<8192xf32, #tpu.memory_space<vmem>>) target(%dma_start3A_304 : memref<8192xf32, #tpu.memory_space<hbm>>) target_semaphore(%arg14 : memref<!tpu.dma_semaphore, #tpu.memory_space<semaphore_mem>>)
    %dma_wait3A_305 = arith.constant 8192 : i32
    %dma_wait3A_306 = tpu.memref_slice %arg4[%add3A_281, %dma_wait3A_305] : memref<128x32768xf32, #tpu.memory_space<hbm>> -> memref<1x8192xf32, #tpu.memory_space<hbm>>
    %dma_wait3A_307 = tpu.memref_squeeze %dma_wait3A_306 : memref<1x8192xf32, #tpu.memory_space<hbm>> -> memref<8192xf32, #tpu.memory_space<hbm>>
    %dma_wait3A_308 = arith.constant 8192 : i32
    %dma_wait3A_309 = tpu.memref_slice %arg4[%add3A_281, %dma_wait3A_308] : memref<128x32768xf32, #tpu.memory_space<hbm>> -> memref<1x8192xf32, #tpu.memory_space<hbm>>
    %dma_wait3A_310 = tpu.memref_squeeze %dma_wait3A_309 : memref<1x8192xf32, #tpu.memory_space<hbm>> -> memref<8192xf32, #tpu.memory_space<hbm>>
    tpu.wait_dma2 semaphore(%arg15 : memref<!tpu.dma_semaphore, #tpu.memory_space<semaphore_mem>>) src(%arg10 : memref<8192xf32, #tpu.memory_space<vmem>>) dst(%dma_wait3A_310 : memref<8192xf32, #tpu.memory_space<hbm>>)
    %parallel_loop3A_311 = arith.constant 0 : i32
    %parallel_loop3A_312 = arith.constant 4096 : i32
    %parallel_loop3A_313 = arith.constant 16 : i32
    scf.for %parallel_loop3A_334 = %parallel_loop3A_311 to %parallel_loop3A_312 step %parallel_loop3A_313  : i32 {
      %parallel_loop3A_335 = arith.constant 12288 : i32
      %parallel_loop3A_336 = arith.addi %parallel_loop3A_335, %parallel_loop3A_334 : i32
      %parallel_loop3A_337 = arith.index_cast %parallel_loop3A_336 : i32 to index
      %parallel_loop3A_338 = tpu.vector_load %arg6[%parallel_loop3A_337] {strides = array<i32>} : memref<16384xi32, #tpu.memory_space<vmem>>, vector<16xi32>,
      %parallel_loop3A_339 = arith.constant 65535 : i32
      %parallel_loop3A_340 = vector.broadcast %parallel_loop3A_339 : i32 to vector<16xi32>
      %parallel_loop3A_341 = arith.andi %parallel_loop3A_338, %parallel_loop3A_340 : vector<16xi32>
      %parallel_loop3A_342 = arith.constant 16 : i32
      %parallel_loop3A_343 = vector.broadcast %parallel_loop3A_342 : i32 to vector<16xi32>
      %parallel_loop3A_344 = arith.shrui %parallel_loop3A_338, %parallel_loop3A_343 : vector<16xi32>
      %parallel_loop3A_345 = tpu.vector_load_idx %arg8[%parallel_loop3A_341] : memref<32768xf32, #tpu.memory_space<vmem>>[vector<16xi32>], vector<16xf32>,
      %parallel_loop3A_346 = arith.constant 2 : i32
      %parallel_loop3A_347 = arith.muli %parallel_loop3A_346, %parallel_loop3A_334 : i32
      %parallel_loop3A_348 = arith.index_cast %parallel_loop3A_347 : i32 to index
      %parallel_loop3A_349 = tpu.vector_load %arg10[%parallel_loop3A_348] {strides = array<i32>} : memref<8192xf32, #tpu.memory_space<vmem>>, vector<16xf32>,
      tpu.vector_store %arg10[%parallel_loop3A_348], %parallel_loop3A_345 {strides = array<i32>} : memref<8192xf32, #tpu.memory_space<vmem>>, vector<16xf32>,
      %parallel_loop3A_350 = tpu.vector_load_idx %arg8[%parallel_loop3A_344] : memref<32768xf32, #tpu.memory_space<vmem>>[vector<16xi32>], vector<16xf32>,
      %parallel_loop3A_351 = arith.constant 2 : i32
      %parallel_loop3A_352 = arith.muli %parallel_loop3A_351, %parallel_loop3A_334 : i32
      %parallel_loop3A_353 = arith.constant 16 : i32
      %parallel_loop3A_354 = arith.addi %parallel_loop3A_352, %parallel_loop3A_353 : i32
      %parallel_loop3A_355 = arith.index_cast %parallel_loop3A_354 : i32 to index
      %parallel_loop3A_356 = tpu.vector_load %arg10[%parallel_loop3A_355] {strides = array<i32>} : memref<8192xf32, #tpu.memory_space<vmem>>, vector<16xf32>,
      tpu.vector_store %arg10[%parallel_loop3A_355], %parallel_loop3A_350 {strides = array<i32>} : memref<8192xf32, #tpu.memory_space<vmem>>, vector<16xf32>,
    } {sc.loop_unroll_factor = 4 : i64, sc.parallel_access}
    %add3A_314 = arith.constant 3 : i32
    %add3A_315 = arith.addi %mul3A_2, %add3A_314 : i32
    %dma_start3A_316 = arith.constant 24576 : i32
    %dma_start3A_317 = tpu.memref_slice %arg4[%add3A_315, %dma_start3A_316] : memref<128x32768xf32, #tpu.memory_space<hbm>> -> memref<1x8192xf32, #tpu.memory_space<hbm>>
    %dma_start3A_318 = tpu.memref_squeeze %dma_start3A_317 : memref<1x8192xf32, #tpu.memory_space<hbm>> -> memref<8192xf32, #tpu.memory_space<hbm>>
    %dma_start3A_319 = arith.constant 24576 : i32
    %dma_start3A_320 = tpu.memref_slice %arg4[%add3A_315, %dma_start3A_319] : memref<128x32768xf32, #tpu.memory_space<hbm>> -> memref<1x8192xf32, #tpu.memory_space<hbm>>
    %dma_start3A_321 = tpu.memref_squeeze %dma_start3A_320 : memref<1x8192xf32, #tpu.memory_space<hbm>> -> memref<8192xf32, #tpu.memory_space<hbm>>
    tpu.enqueue_dma source(%arg10 : memref<8192xf32, #tpu.memory_space<vmem>>) target(%dma_start3A_321 : memref<8192xf32, #tpu.memory_space<hbm>>) target_semaphore(%arg15 : memref<!tpu.dma_semaphore, #tpu.memory_space<semaphore_mem>>)
    %dma_wait3A_322 = arith.constant 16384 : i32
    %dma_wait3A_323 = tpu.memref_slice %arg4[%add3A_298, %dma_wait3A_322] : memref<128x32768xf32, #tpu.memory_space<hbm>> -> memref<1x8192xf32, #tpu.memory_space<hbm>>
    %dma_wait3A_324 = tpu.memref_squeeze %dma_wait3A_323 : memref<1x8192xf32, #tpu.memory_space<hbm>> -> memref<8192xf32, #tpu.memory_space<hbm>>
    %dma_wait3A_325 = arith.constant 16384 : i32
    %dma_wait3A_326 = tpu.memref_slice %arg4[%add3A_298, %dma_wait3A_325] : memref<128x32768xf32, #tpu.memory_space<hbm>> -> memref<1x8192xf32, #tpu.memory_space<hbm>>
    %dma_wait3A_327 = tpu.memref_squeeze %dma_wait3A_326 : memref<1x8192xf32, #tpu.memory_space<hbm>> -> memref<8192xf32, #tpu.memory_space<hbm>>
    tpu.wait_dma2 semaphore(%arg14 : memref<!tpu.dma_semaphore, #tpu.memory_space<semaphore_mem>>) src(%arg9 : memref<8192xf32, #tpu.memory_space<vmem>>) dst(%dma_wait3A_327 : memref<8192xf32, #tpu.memory_space<hbm>>)
    %dma_wait3A_328 = arith.constant 24576 : i32
    %dma_wait3A_329 = tpu.memref_slice %arg4[%add3A_315, %dma_wait3A_328] : memref<128x32768xf32, #tpu.memory_space<hbm>> -> memref<1x8192xf32, #tpu.memory_space<hbm>>
    %dma_wait3A_330 = tpu.memref_squeeze %dma_wait3A_329 : memref<1x8192xf32, #tpu.memory_space<hbm>> -> memref<8192xf32, #tpu.memory_space<hbm>>
    %dma_wait3A_331 = arith.constant 24576 : i32
    %dma_wait3A_332 = tpu.memref_slice %arg4[%add3A_315, %dma_wait3A_331] : memref<128x32768xf32, #tpu.memory_space<hbm>> -> memref<1x8192xf32, #tpu.memory_space<hbm>>
    %dma_wait3A_333 = tpu.memref_squeeze %dma_wait3A_332 : memref<1x8192xf32, #tpu.memory_space<hbm>> -> memref<8192xf32, #tpu.memory_space<hbm>>
    tpu.wait_dma2 semaphore(%arg15 : memref<!tpu.dma_semaphore, #tpu.memory_space<semaphore_mem>>) src(%arg10 : memref<8192xf32, #tpu.memory_space<vmem>>) dst(%dma_wait3A_333 : memref<8192xf32, #tpu.memory_space<hbm>>)
    return
  }
}

</mosaic_0001>

<sc_bundles>
// kernel: kernel.3.cloned.1.call-start
scs
__scs_entry_jumppad:
0x0: {  	(pc) =	sbr.rel $0x88, $3  }
0x1: {  	(tag) =	ssettag $0x0;
	lr =	simm.s32 $0x1  }
0x2: {  	[smem:$0x3FA0] =	sst lr;
	_ =	strace $0xD0000000  }
0x3: {  	_ = 	snop  }
0x4: {  	_ = 	snop  }
0x5: {  	_ = 	snop  }
0x6: {  	_ = 	snop  }
0x7: {  	_ = 	snop  }
__scs_overlays_trampoline_lowered:
0x8: {  	[smem:$0x3FAF] =	sst s0  }
0x9: {  	[smem:$0x3FB0] =	sst s1  }
0xa: {  	[smem:$0x3FB1] =	sst s2  }
0xb: {  	[smem:$0x3FB2] =	sst s3  }
0xc: {  	[smem:$0x3FB3] =	sst s4  }
0xd: {  	[smem:$0x3FB4] =	sst s5  }
0xe: {  	[smem:$0x3FB5] =	sst s6  }
0xf: {  	[smem:$0x3FB6] =	sst s7  }
0x10: {  	[smem:$0x3FB7] =	sst s8  }
0x11: {  	[smem:$0x3FB8] =	sst s9;
	s0 =	simm.s32 @!p0 $0x0  }
0x12: {  	s1 =	sld [smem:$0x3F9E];
	s0 =	simm.s32 @p0 $0x1  }
0x13: {  	[smem:$0x3FB9] =	sst s0;
	s0 =	simm.s32 @!p1 $0x0  }
0x14: {  	s2 =	sld [smem:$0x3F9D];
	s0 =	simm.s32 @p1 $0x1  }
0x15: {  	[smem:$0x3FBA] =	sst s0;
	s0 =	simm.s32 @!p2 $0x0  }
0x16: {  	s3 =	sld [smem:$0x3FDB];
	s0 =	simm.s32 @p2 $0x1  }
0x17: {  	s4 =	simm.s32 $0x1BF5;
	[smem:$0x3FBC] =	sst s0  }
0x18: {  	s0 =	sld [smem:$0x3F9F];
	_ =	swait.ge [sflag:s4], $0x0  }
0x19: {  	s7 =	sld [smem:$0x3FA0]  }
0x1a: {  	s8 =	sadd.s32 $0xFFFFE003, lr  }
0x1b: {  	s9 =	sadd.s32 $0xFFFFFEF7, lr;
	s5 =	simm.s32 $0xFFFFFFFF;
	p2 =	slt.u32 s8, $0xFFFFF086  }
0x1c: {  	p1 =	slt.u32 s9, $0xF7A;
	s5 =	simm.s32 @!p2 $0x0  }
0x1d: {  	s5 =	simm.s32 @p1 $0x1;
	p0 =	seq.s32 s7, s2  }
0x1e: {  	s7 =	smul.u32 @!p0 $0xF7A, s2;
	p2 =	seq.s32 @!p0 s5, $0x0  }
0x1f: {  	s9 =	smul.u32 $0xF7A, s1;
	s8 =	simm.s32 @!p0 $0x1BF5;
	p2 =	por !p2, p0  }
0x20: {  	[sflag:s8] =	ssyncset.s32 @!p0 $0xFFFFF086;
	s6 =	sadd.s32 @!p0 s3, s7;
	s7 =	simm.s32 @!p0 $0x108  }
0x21: {  	s3 =	sadd.s32 s3, s9;
	s6 =	sadd.s32 @!p0 $0x88, s6;
	s7 =	simm.s32 @p2 $0x1082  }
0x22: {  	[simem:s7], [sflag:s8] =	dma.local @!p0 [hbm:s6], $0xF7A  }
0x23: {  	s9 =	sor.u32 $0xD0000000, s2;
	s6 =	simm.s32 $0x108;
	_ =	swait.ge @!p0 [sflag:s8], $0x0  }
0x24: {  	s3 =	sadd.s32 $0x88, s3;
	s6 =	simm.s32 @!p1 $0x1082;
	[sflag:s4] =	ssyncset.s32 $0xFFFFF086  }
0x25: {  	[simem:s6], [sflag:s4] =	dma.local [hbm:s3], $0xF7A  }
0x26: {  	[smem:$0x3FA0] =	sst s1;
	(tag) =	ssettag s2;
	_ =	strace s9  }
0x27: {  	s1 =	sld [smem:$0x3FB0]  }
0x28: {  	s2 =	sld [smem:$0x3FB1]  }
0x29: {  	s4 =	sld [smem:$0x3FB3]  }
0x2a: {  	p0 =	seq.s32 s5, $0x0;
	s5 =	sld [smem:$0x3FB4]  }
0x2b: {  	s6 =	sld [smem:$0x3FB5]  }
0x2c: {  	s7 =	sld [smem:$0x3FB6]  }
0x2d: {  	s3 =	simm.s32 $0x108;
	s8 =	sld [smem:$0x3FB7]  }
0x2e: {  	s3 =	simm.s32 @!p0 $0x1082;
	s9 =	sld [smem:$0x3FB8]  }
0x2f: {  	lr =	sadd.s32 s0, s3;
	s0 =	sld [smem:$0x3FAF]  }
0x30: {  	s3 =	sld [smem:$0x3FB2]  }
0x31: {  	[smem:$0x3FBB] =	sst s10  }
0x32: {  	s10 =	sld [smem:$0x3FB9];
	_ =	sdelay $0x3  }
0x33: {  	p0 =	seq.s32 s10, $0x1;
	s10 =	sld [smem:$0x3FBB];
	_ =	sdelay $0x3  }
0x34: {  	[smem:$0x3FBB] =	sst s10  }
0x35: {  	s10 =	sld [smem:$0x3FBA];
	_ =	sdelay $0x3  }
0x36: {  	p1 =	seq.s32 s10, $0x1;
	s10 =	sld [smem:$0x3FBB];
	_ =	sdelay $0x3  }
0x37: {  	[smem:$0x3FBB] =	sst s10  }
0x38: {  	s10 =	sld [smem:$0x3FBC]  }
0x39: {  	_ = 	snop;
	(pc) =	sbr.ind lr, $3  }
0x3a: {  	_ = 	snop  }
0x3b: {  	_ = 	snop  }
0x3c: {  	p2 =	seq.s32 s10, $0x1;
	s10 =	sld [smem:$0x3FBB]  }
0x3d: {  	_ =	shalt  }
0x3e: {  	_ =	shalt  }
0x3f: {  	_ =	shalt  }
0x40: {  	_ =	shalt  }
0x41: {  	_ =	shalt  }
0x42: {  	_ =	shalt  }
0x43: {  	_ =	shalt  }
0x44: {  	_ =	shalt  }
0x45: {  	_ =	shalt  }
0x46: {  	_ =	shalt  }
0x47: {  	_ =	shalt  }
0x48: {  	_ =	shalt  }
0x49: {  	_ =	shalt  }
0x4a: {  	_ =	shalt  }
0x4b: {  	_ =	shalt  }
0x4c: {  	_ =	shalt  }
0x4d: {  	_ =	shalt  }
0x4e: {  	_ =	shalt  }
0x4f: {  	_ =	shalt  }
0x50: {  	_ =	shalt  }
0x51: {  	_ =	shalt  }
0x52: {  	_ =	shalt  }
0x53: {  	_ =	shalt  }
0x54: {  	_ =	shalt  }
0x55: {  	_ =	shalt  }
0x56: {  	_ =	shalt  }
0x57: {  	_ =	shalt  }
0x58: {  	_ =	shalt  }
0x59: {  	_ =	shalt  }
0x5a: {  	_ =	shalt  }
0x5b: {  	_ =	shalt  }
0x5c: {  	_ =	shalt  }
0x5d: {  	_ =	shalt  }
0x5e: {  	_ =	shalt  }
0x5f: {  	_ =	shalt  }
0x60: {  	_ =	shalt  }
0x61: {  	_ =	shalt  }
0x62: {  	_ =	shalt  }
0x63: {  	_ =	shalt  }
0x64: {  	_ =	shalt  }
0x65: {  	_ =	shalt  }
0x66: {  	_ =	shalt  }
0x67: {  	_ =	shalt  }
0x68: {  	_ =	shalt  }
0x69: {  	_ =	shalt  }
0x6a: {  	_ =	shalt  }
0x6b: {  	_ =	shalt  }
0x6c: {  	_ =	shalt  }
0x6d: {  	_ =	shalt  }
0x6e: {  	_ =	shalt  }
0x6f: {  	_ =	shalt  }
0x70: {  	_ =	shalt  }
0x71: {  	_ =	shalt  }
0x72: {  	_ =	shalt  }
0x73: {  	_ =	shalt  }
0x74: {  	_ =	shalt  }
0x75: {  	_ =	shalt  }
0x76: {  	_ =	shalt  }
0x77: {  	_ =	shalt  }
0x78: {  	_ =	shalt  }
0x79: {  	_ =	shalt  }
0x7a: {  	_ =	shalt  }
0x7b: {  	_ =	shalt  }
0x7c: {  	_ =	shalt  }
0x7d: {  	_ =	shalt  }
0x7e: {  	_ =	shalt  }
0x7f: {  	_ =	shalt  }
0x80: {  	_ =	shalt  }
0x81: {  	_ =	shalt  }
0x82: {  	_ =	shalt  }
0x83: {  	_ =	shalt  }
0x84: {  	_ =	shalt  }
0x85: {  	_ =	shalt  }
0x86: {  	_ =	shalt  }
0x87: {  	_ =	shalt  }
.Lfunc_end0:
.L_simem_size_0:
called_computation_lowered:
.L_overlay_start_0:
0x88: {  	s2 =	sld [smem:$0x3FD9]  }
0x89: {  	s3 =	sld [smem:$0x3FFE];
	_ =	sdelay $0x1  }
0x8a: {  	s1 =	srdreg.scid  }
0x8b: {  	s0 =	sand.u32 $0x1, s1  }
0x8c: {  	s17 =	sshll.u32 s0, $0xA;
	s2 =	sadd.s32 s3, s2  }
0x8d: {  	s2 =	sadd.s32 s2, s17  }
0x8e: {  	[smem:$0x3FC7] =	sst s2  }
0x8f: {  	_ = 	snop  }
0x90: {  	s2 =	sld [smem:$0x3FC9]  }
0x91: {  	s18 =	sld [smem:$0x3FD0];
	(tm) =	ssettm $0x1  }
0x92: {  	s4 =	sld [smem:$0x3FFB];
	_ =	sdelay $0x3  }
0x93: {  	_ =	strace s4  }
0x94: {  	s4 =	sld [smem:$0x3FFC];
	_ =	sdelay $0x3  }
0x95: {  	_ =	strace s4  }
0x96: {  	s4 =	sld [smem:$0x3FFD];
	_ =	sdelay $0x3  }
0x97: {  	_ =	strace s4  }
0x98: {  	_ =	strace $0x8FFFFFFF  }
0x99: {  	s19 =	sld [smem:$0x3FDB];
	_ =	sdelay $0x1  }
0x9a: {  	s5 =	simm.s32 $_scs_section_size  }
0x9b: {  	s6 =	simm.s32 $_size__tile_overlayer_lowered;
	s7 =	simm.s32 $_tile_overlayer_lowered  }
0x9c: {  	s22 =	simm.s32 $0x1BFF;
	s21 =	sshll.u32 s7, $0x1;
	s4 =	sadd.s32 s5, s19  }
0x9d: {  	s8 =	simm.s32 $0x0;
	s20 =	sshll.u32 s6, $0x1;
	s6 =	sadd.s32 s21, s4  }
0x9e: {  	[timem:s8], [sflag:s22] =	dma.local [hbm:s6], s20  }
0x9f: {  	_ =	swait.ge [sflag:s22], s20  }
0xa0: {  	s5 =	ssub.s32 $0x0, s20;
	[sflag:s22] =	ssyncset.done $0x0  }
0xa1: {  	[sflag:s22] =	ssyncadd.s32 s5;
	_ =	sdelay $0x1  }
0xa2: {  	s23 =	simm.s32 $0x1B8B  }
0xa3: {  	_ =	swait.ge [sflag:s23], $0x1  }
0xa4: {  	[sflag:s23] =	ssyncset.done $0x0  }
0xa5: {  	s25 =	simm.s32 $0x1B8E;
	s24 =	sld [smem:$0x3FFE];
	[sflag:s23] =	ssyncadd.s32 $0xFFFFFFFF  }
0xa6: {  	s26 =	simm.s32 $execute0_lowered;
	[smem:$0x3FD2] =	sst s25  }
0xa7: {  	s6 =	sshll.u32 s26, $0x1;
	_ =	strace $0x80000046;
	[dreg:$0x1] =	wrdreg $0xFFFFFFFF  }
0xa8: {  	s28 =	simm.s32 $_size_execute0_lowered;
	s4 =	sadd.s32 s4, s6;
	[dreg:$0x0] =	wrdreg $0x0  }
0xa9: {  	s6 =	sshll.u32 s28, $0x1;
	[dreg:$0x2] =	wrdreg s4  }
0xaa: {  	[dreg:$0x3] =	wrdreg s6  }
0xab: {  	[dreg:$0x4] =	wrdreg $0xC0  }
0xac: {  	_ =	task [dreg:s8], $0x5FFFF  }
0xad: {  	[dreg:$0x1] =	wrdreg $0xFFFFFFFF  }
0xae: {  	[dreg:$0x0] =	wrdreg $0x60  }
0xaf: {  	[dreg:$0x2] =	wrdreg s2  }
0xb0: {  	[dreg:$0x3] =	wrdreg s24  }
0xb1: {  	[dreg:$0x4] =	wrdreg s18  }
0xb2: {  	[dreg:$0x5] =	wrdreg $0x0  }
0xb3: {  	[dreg:$0x6] =	wrdreg $0x9  }
0xb4: {  	_ =	task.clear_ibuf [dreg:s8], $0x7FFFF;
	_ =	strace $0x90000046  }
0xb5: {  	s29 =	simm.s32 $0x9;
	_ =	strace $0x80000048  }
0xb6: {  	_ =	swait.ge [sflag:s29], $0x1  }
0xb7: {  	[sflag:s29] =	ssyncadd.s32 $0xFFFFFFFF  }
0xb8: {  	_ =	strace $0x90000048  }
0xb9: {  	_ =	sfence  }
0xba: {  	s30 =	sld [smem:$0x0];
	_ =	sdelay $0x2  }
0xbb: {  	s31 =	sshll.u32 s1, $0xD;
	s1 =	sshrl.u32 s1, $0x2  }
0xbc: {  	s3 =	sand.u32 $0x4000, s31;
	s1 =	sadd.s32 s1, s30  }
0xbd: {  	s0 =	sor.u32 s3, s0;
	s1 =	sshll.u32 s1, $0x11  }
0xbe: {  	s0 =	sor.u32 s1, s0  }
0xbf: {  	s0 =	sadd.s32 $0x8F2B, s0  }
0xc0: {  	[sflag:s0] =	ssyncadd.remote.s32 $0x1  }
0xc1: {  	_ =	sfence.sel $0xFFFF  }
0xc2: {  	[dreg:$0x0] =	wrdreg $0xFFFFFFFF;
	(pc) =	sbr.abs _section_cstart, $3  }
0xc3: {  	[dreg:$0x1] =	wrdreg $0xFFFFFFFF  }
0xc4: {  	_ =	task.clear_ibuf [dreg:s8], $0x2FFFF;
	_ =	strace $0x9FFFFFFF  }
0xc5: {  	(tm) =	ssettm $0x7FFFFFFF  }
tec
execute0_lowered:
.L_overlay_start_1:
0x0: {  	(tag) =	ssettag $0x1  }
0x1: {  	s1 =	rddreg [dreg:$0x0]  }
0x2: {  	s0 =	rddreg [dreg:$0x1]  }
0x3: {  	s2 =	rddreg [dreg:$0x2];
	s3 =	srdreg.scid  }
0x4: {  	s5 =	stileid.u32;
	s28 =	simm.s32 $0x4400;
	s29 =	simm.s32 $0xC400  }
0x5: {  	s30 =	simm.s32 $0x1;
	s31 =	simm.s32 $0x2;
	s3 =	sand.u32 $0x1, s3  }
0x6: {  	s26 =	sshll.u32 s5, $0x12;
	s14 =	sadd.s32 $0x2000, s2;
	p0 =	sne.s32 s5, $0x0  }
0x7: {  	s4 =	ssub.s32 $0x2, s3;
	s7 =	sshll.u32 s3, $0x9;
	s3 =	sshll.u32 s3, $0x11  }
0x8: {  	s6 =	sshrl.u32 s4, $0x1;
	s8 =	sor.u32 $0x80, s7;
	s9 =	sor.u32 s7, s26  }
0x9: {  	s3 =	sor.u32 s3, s26;
	s4 =	ssub.s32 s4, s6;
	s10 =	sor.u32 s26, s8  }
0xa: {  	s9 =	sshrl.u32 s9, $0x3;
	s13 =	sor.u32 s7, s3;
	s8 =	sor.u32 s8, s3  }
0xb: {  	s10 =	sshrl.u32 s10, $0x3;
	s11 =	sadd.s32 s1, s9;
	s8 =	sshrl.u32 s8, $0x3  }
0xc: {  	[dreg:$0x5] =	wrdreg s11;
	s12 =	sadd.s32 s1, s10;
	s11 =	sshrl.u32 s13, $0x3  }
0xd: {  	s13 =	sor.u32 $0x100, s7;
	s20 =	sadd.s32 s2, s10;
	s10 =	sadd.s32 s10, s14  }
0xe: {  	s21 =	sor.u32 $0x4000, s8;
	s7 =	sor.u32 $0x180, s7;
	s8 =	sor.u32 $0x6000, s8  }
0xf: {  	[dreg:$0x6] =	wrdreg s12;
	s12 =	sadd.s32 s2, s9;
	s9 =	sadd.s32 s9, s14  }
0x10: {  	s16 =	sor.u32 $0x4000, s11;
	s17 =	sor.u32 $0x6000, s11;
	[dreg:$0xc] =	wrdreg s20  }
0x11: {  	s18 =	sor.u32 s26, s13;
	[dreg:$0xd] =	wrdreg s10;
	s10 =	sadd.s32 s2, s21  }
0x12: {  	s6 =	sor.u32 s26, s7;
	s8 =	sadd.s32 s2, s8;
	[dreg:$0x7] =	wrdreg s12  }
0x13: {  	s22 =	sor.u32 s13, s3;
	s25 =	sor.u32 s7, s3;
	[dreg:$0x8] =	wrdreg s9  }
0x14: {  	s20 =	simm.s32 $0x0;
	s3 =	simm.s32 $0x5;
	[dreg:$0xe] =	wrdreg s10  }
0x15: {  	s9 =	sadd.s32 s2, s16;
	s19 =	sshrl.u32 s18, $0x3;
	[dreg:$0xf] =	wrdreg s8  }
0x16: {  	s6 =	sshrl.u32 s6, $0x3;
	s24 =	sshrl.u32 s22, $0x3;
	[smem:$0x7FF] =	sst s20  }
0x17: {  	[dreg:$0x9] =	wrdreg s9;
	s9 =	sadd.s32 s2, s17;
	s11 =	sadd.s32 s1, s19  }
0x18: {  	s1 =	sadd.s32 s1, s6;
	s23 =	sadd.s32 s2, s19;
	[dreg:$0xa] =	wrdreg s9  }
0x19: {  	s15 =	sadd.s32 s19, s14;
	s8 =	sor.u32 $0x4000, s24;
	[dreg:$0xb] =	wrdreg s11  }
0x1a: {  	s18 =	sadd.s32 s2, s6;
	s19 =	sadd.s32 s6, s14;
	[dreg:$0x10] =	wrdreg s1  }
0x1b: {  	[dreg:$0x11] =	wrdreg s23;
	s1 =	sor.u32 $0x6000, s24;
	s16 =	sadd.s32 s2, s8  }
0x1c: {  	s23 =	sadd.s32 $0x400, s0;
	s24 =	smax.u32 s4, $0x1;
	s0 =	simm.s32 $0x14400  }
0x1d: {  	s4 =	simm.s32 $0x3;
	s17 =	sadd.s32 s2, s1;
	s1 =	sshrl.u32 s25, $0x3  }
0x1e: {  	_ =	strace $0x80000047;
	s26 =	sor.u32 $0x4000, s1;
	s1 =	sor.u32 $0x6000, s1  }
0x1f: {  	s25 =	simm.s32 $0x80;
	s21 =	sadd.s32 s2, s26;
	s22 =	sadd.s32 s2, s1  }
0x20: {  	s26 =	simm.s32 $0x400;
	s1 =	simm.s32 $0x16400;
	s2 =	simm.s32 $0x4  }
.LBB2_1:
0x21: {  	s7 =	rddreg [dreg:$0x3]  }
0x22: {  	s6 =	simm.s32 @!p0 $0x1C06;
	s5 =	sshrl.u32 @!p0 s7, $0x3  }
0x23: {  	[spmem:s5], [sflag:s6] =	dma.local @!p0 [hbm:s23], $0x800  }
0x24: {  	s5 =	simm.s32 @!p0 $0x6  }
0x25: {  	_ =	swait.ge @!p0 [sflag:s5], $0x800  }
0x26: {  	[sflag:s5] =	ssyncset.done @!p0 $0x0  }
0x27: {  	s8 =	rddreg [dreg:$0x5];
	[sflag:s5] =	ssyncadd.s32 @!p0 $0xFFFFF800  }
0x28: {  	[tilespmem:s28], [sflag:$0x2] =	stream.strided.gather [hbm4b:s8+s25], $0x8000, s26, s25, $0x38;
	[tilespmem:$0x18400] =	vst v63  }
0x29: {  	s9 =	rddreg [dreg:$0x6]  }
0x2a: {  	[tilespmem:s29], [sflag:$0x3] =	stream.strided.gather [hbm4b:s9+s25], $0x8000, s26, s25, $0x38;
	[tilespmem:$0x18400] =	vst v63  }
0x2b: {  	[bflag:$0x0] =	sbarrier.arrive $0xFFFF  }
0x2c: {  	[tilespmem:s26], [sflag:$0x1] =	stream.linear.gather [spmem:s7], $0x4000, $0x38;
	[tilespmem:$0x18400] =	vst v63  }
0x2d: {  	_ =	swait.ge [sflag:s30], $0x4000  }
0x2e: {  	[sflag:s30] =	ssyncset.done $0x0  }
0x2f: {  	[sflag:s30] =	ssyncadd.s32 $0xFFFFC000  }
0x30: {  	_ =	swait.ge [sflag:s31], $0x8000  }
0x31: {  	[sflag:s31] =	ssyncset.done $0x0  }
0x32: {  	s10 =	simm.s32 $0x420;
	[sflag:s31] =	ssyncadd.s32 $0xFFFF8000  }
0x33: {  	v1 =	vld [tilespmem:s10+$0xFFFFFFF0]  }
0x34: {  	v0 =	vld [tilespmem:s10+$0x10];
	_ =	sdelay $0x2  }
0x35: {  	v3 =	vld [tilespmem:s10+$0xFFFFFFE0]  }
0x36: {  	s11 =	simm.s32 $0x460;
	v4 =	vld [tilespmem:s10+$0x0];
	v5 =	vand.u32 $0xFFFF, v1  }
0x37: {  	v6 =	vld [tilespmem:s11+$0x10];
	v2 =	vand.u32 $0xFFFF, v0  }
0x38: {  	v8 =	vld [tilespmem:s11+$0xFFFFFFF0]  }
0x39: {  	v10 =	vld [tilespmem:s11+$0x0]  }
0x3a: {  	v11 =	vld [tilespmem:s11+$0xFFFFFFE0];
	v7 =	vand.u32 $0xFFFF, v3  }
0x3b: {  	v9 =	vand.u32 $0xFFFF, v4;
	v5 =	vld.idx.msk [tilespmem:v5+s28+$0x0], $0xffff  }
0x3c: {  	s12 =	simm.s32 $0x4A0;
	v12 =	vand.u32 $0xFFFF, v6;
	v2 =	vld.idx.msk [tilespmem:v2+s28+$0x0], $0xffff  }
0x3d: {  	v15 =	vld [tilespmem:s12+$0xFFFFFFF0];
	v0 =	vshrl.u32 v0, $0x10  }
0x3e: {  	v16 =	vld [tilespmem:s12+$0x0]  }
0x3f: {  	s5 =	simm.s32 $0x14440;
	v7 =	vld.idx.msk [tilespmem:v7+s28+$0x0], $0xffff  }
0x40: {  	v14 =	vand.u32 $0xFFFF, v10;
	[tilespmem:s5+$0xFFFFFFE0] =	vst v5;
	v5 =	vld.idx.msk [tilespmem:v9+s28+$0x0], $0xffff  }
0x41: {  	[tilespmem:s5+$0x20] =	vst v2;
	v2 =	vand.u32 $0xFFFF, v8;
	v9 =	vld.idx.msk [tilespmem:v12+s28+$0x0], $0xffff  }
0x42: {  	v1 =	vshrl.u32 v1, $0x10;
	v13 =	vld.idx.msk [tilespmem:v0+s28+$0x0], $0xffff  }
0x43: {  	v12 =	vand.u32 $0xFFFF, v11;
	v0 =	vld [tilespmem:s12+$0x10]  }
0x44: {  	v18 =	vld [tilespmem:s12+$0xFFFFFFE0];
	v6 =	vshrl.u32 v6, $0x10  }
0x45: {  	v3 =	vshrl.u32 v3, $0x10;
	[tilespmem:s5+$0xFFFFFFC0] =	vst v7;
	v7 =	vld.idx.msk [tilespmem:v14+s28+$0x0], $0xffff  }
0x46: {  	v4 =	vshrl.u32 v4, $0x10;
	v2 =	vld.idx.msk [tilespmem:v2+s28+$0x0], $0xffff  }
0x47: {  	s13 =	simm.s32 $0x60;
	s6 =	simm.s32 $0x144C0;
	v17 =	vshrl.u32 v8, $0x10;
	v1 =	vld.idx.msk [tilespmem:v1+s28+$0x0], $0xffff  }
0x48: {  	s7 =	sor.u32 $0x70, s13;
	[tilespmem:s6+$0x20] =	vst v9;
	v19 =	vld.idx.msk [tilespmem:v12+s28+$0x0], $0xffff;
	v12 =	vand.u32 $0xFFFF, v0  }
0x49: {  	v20 =	vld.idx.msk [tilespmem:v6+s28+$0x0], $0xffff;
	[tilespmem:s7+$0x14400] =	vst v13;
	v13 =	vand.u32 $0xFFFF, v15  }
0x4a: {  	s14 =	simm.s32 $0x20;
	v8 =	vld.idx.msk [tilespmem:v3+s28+$0x0], $0xffff;
	[tilespmem:s5+$0x0] =	vst v5  }
0x4b: {  	s8 =	simm.s32 $0x40;
	s10 =	sor.u32 $0x30, s14;
	[tilespmem:s6+$0xFFFFFFE0] =	vst v2;
	v2 =	vshrl.u32 v10, $0x10;
	v10 =	vld.idx.msk [tilespmem:v4+s28+$0x0], $0xffff  }
0x4c: {  	s9 =	simm.s32 $0x80;
	s7 =	sor.u32 $0x50, s8;
	[tilespmem:s10+$0x14400] =	vst v1;
	s8 =	simm.s32 $0xE0;
	v9 =	vld.idx.msk [tilespmem:v17+s28+$0x0], $0xffff  }
0x4d: {  	s13 =	simm.s32 $0xC0;
	s11 =	simm.s32 $0xA0;
	v3 =	vshrl.u32 v15, $0x10;
	v5 =	vshrl.u32 v18, $0x10;
	v1 =	vshrl.u32 v16, $0x10;
	s14 =	sor.u32 $0x70, s8;
	[tilespmem:s6+$0xFFFFFFC0] =	vst v19;
	v12 =	vld.idx.msk [tilespmem:v12+s28+$0x0], $0xffff  }
0x4e: {  	s12 =	sor.u32 $0x30, s11;
	s11 =	sor.u32 $0x50, s13;
	v6 =	vand.u32 $0xFFFF, v16;
	s10 =	simm.s32 $0x4E0;
	v4 =	vshrl.u32 v11, $0x10;
	v11 =	vand.u32 $0xFFFF, v18;
	v13 =	vld.idx.msk [tilespmem:v13+s28+$0x0], $0xffff;
	[tilespmem:s14+$0x14400] =	vst v20  }
.LBB2_2:
0x4f: {  	s9 =	sadd.s32 $0x40, s9;
	v14 =	vshrl.u32 v0, $0x10;
	v0 =	vld [tilespmem:s10+$0x10];
	[tilespmem:s6+$0x0] =	vst v7  }
0x50: {  	v7 =	vld [tilespmem:s10+$0xFFFFFFF0];
	p1 =	slt.u32 s9, $0xFC0;
	[tilespmem:s5+$0xFFFFFFD0] =	vst v8;
	s5 =	smov.u32 s6  }
0x51: {  	v8 =	vld [tilespmem:s10+$0x0];
	[tilespmem:s12+$0x14400] =	vst v9  }
0x52: {  	s6 =	sadd.s32 $0x80, s6;
	v9 =	vld [tilespmem:s10+$0xFFFFFFE0];
	[tilespmem:s7+$0x14400] =	vst v10;
	s7 =	smov.u32 s11  }
0x53: {  	v15 =	vld.idx.msk [tilespmem:v11+s28+$0x0], $0xffff;
	[tilespmem:s6+$0x20] =	vst v12  }
0x54: {  	v12 =	vand.u32 $0xFFFF, v0;
	[tilespmem:s6+$0xFFFFFFE0] =	vst v13;
	v14 =	vld.idx.msk [tilespmem:v14+s28+$0x0], $0xffff  }
0x55: {  	v10 =	vshrl.u32 v7, $0x10;
	v13 =	vand.u32 $0xFFFF, v7;
	v7 =	vld.idx.msk [tilespmem:v6+s28+$0x0], $0xffff  }
.Ltmp0:
0x56: {  	v16 =	vshrl.u32 v8, $0x10;
	v6 =	vand.u32 $0xFFFF, v8;
	v8 =	vld.idx.msk [tilespmem:v4+s28+$0x0], $0xffff;
	v4 =	vmov v5;
	(pc) =	sbr.rel @p1 .LBB2_2-.Ltmp0, $4  }
0x57: {  	v5 =	vshrl.u32 v9, $0x10;
	v11 =	vand.u32 $0xFFFF, v9;
	v9 =	vld.idx.msk [tilespmem:v3+s28+$0x0], $0xffff;
	v3 =	vmov v10  }
0x58: {  	s8 =	sadd.s32 $0x80, s8;
	v10 =	vld.idx.msk [tilespmem:v2+s28+$0x0], $0xffff;
	v2 =	vmov v1;
	v1 =	vmov v16  }
0x59: {  	s13 =	sadd.s32 $0xFFFFFFE0, s8;
	s14 =	sor.u32 $0x70, s8;
	s11 =	sadd.s32 $0xFFFFFFC0, s8;
	v12 =	vld.idx.msk [tilespmem:v12+s28+$0x0], $0xffff;
	[tilespmem:s6+$0xFFFFFFC0] =	vst v15  }
0x5a: {  	s10 =	sadd.s32 $0x40, s10;
	s12 =	sor.u32 $0x30, s11;
	s11 =	sor.u32 $0x50, s13;
	v13 =	vld.idx.msk [tilespmem:v13+s28+$0x0], $0xffff;
	[tilespmem:s14+$0x14400] =	vst v14  }
0x5b: {  	_ = 	snop  }
0x5c: {  	v0 =	vshrl.u32 v0, $0x10;
	_ =	sdelay $0x1  }
0x5d: {  	[tilespmem:s6+$0x0] =	vst v7  }
0x5e: {  	[tilespmem:s5+$0xFFFFFFD0] =	vst v8;
	s10 =	sadd.s32 $0x80, s6;
	v7 =	vld.idx.msk [tilespmem:v11+s28+$0x0], $0xffff  }
0x5f: {  	v6 =	vld.idx.msk [tilespmem:v6+s28+$0x0], $0xffff;
	[tilespmem:s10+$0x20] =	vst v12  }
0x60: {  	[tilespmem:s12+$0x14400] =	vst v9;
	v0 =	vld.idx.msk [tilespmem:v0+s28+$0x0], $0xffff  }
0x61: {  	v4 =	vld.idx.msk [tilespmem:v4+s28+$0x0], $0xffff;
	[tilespmem:s7+$0x14400] =	vst v10  }
0x62: {  	v2 =	vld.idx.msk [tilespmem:v2+s28+$0x0], $0xffff;
	[tilespmem:s10+$0xFFFFFFE0] =	vst v13  }
0x63: {  	s13 =	sadd.s32 $0x80, s8;
	v3 =	vld.idx.msk [tilespmem:v3+s28+$0x0], $0xffff;
	[tilespmem:s10+$0xFFFFFFC0] =	vst v7  }
0x64: {  	s8 =	sor.u32 $0x70, s13;
	[tilespmem:s10+$0x0] =	vst v6;
	v5 =	vld.idx.msk [tilespmem:v5+s28+$0x0], $0xffff  }
0x65: {  	[tilespmem:s8+$0x14400] =	vst v0;
	v0 =	vld.idx.msk [tilespmem:v1+s28+$0x0], $0xffff  }
0x66: {  	s9 =	sadd.s32 $0xFFFFFFC0, s13;
	[tilespmem:s6+$0xFFFFFFD0] =	vst v4  }
0x67: {  	s14 =	sor.u32 $0x30, s9;
	[tilespmem:s11+$0x14400] =	vst v2  }
0x68: {  	s9 =	sadd.s32 $0xFFFFFFE0, s13;
	[tilespmem:s14+$0x14400] =	vst v3  }
0x69: {  	s6 =	sor.u32 $0x50, s9;
	[tilespmem:s10+$0xFFFFFFD0] =	vst v5  }
0x6a: {  	s11 =	simm.s32 $0x0;
	[tilespmem:s6+$0x14400] =	vst v0  }
0x6b: {  	s6 =	sand.u32 $0xFC0, s11;
	s5 =	rddreg [dreg:$0x7]  }
0x6c: {  	[hbm4b:s5+s25] =	stream.strided.scatter [tilespmem:s0], [sflag:$0x4], $0x2000, s26, s25, $0x38;
	[tilespmem:$0x18400] =	vst v63  }
0x6d: {  	s10 =	simm.s32 $0x1430;
	v2 =	vld [tilespmem:s6+$0x1400]  }
0x6e: {  	v1 =	vld [tilespmem:s10+$0xFFFFFFE0];
	_ =	sdelay $0x1  }
0x6f: {  	v3 =	vld [tilespmem:s10+$0xFFFFFFF0]  }
0x70: {  	v4 =	vld [tilespmem:s10+$0x0]  }
0x71: {  	s12 =	simm.s32 $0x1470;
	v6 =	vand.u32 $0xFFFF, v2  }
0x72: {  	s13 =	simm.s32 $0x40;
	v8 =	vld [tilespmem:s12+$0xFFFFFFE0];
	v5 =	vand.u32 $0xFFFF, v1  }
0x73: {  	s5 =	sand.u32 $0xFC0, s13;
	v0 =	vld [tilespmem:s12+$0xFFFFFFF0]  }
0x74: {  	v10 =	vld [tilespmem:s5+$0x1400];
	s6 =	simm.s32 $0x14B0;
	v7 =	vand.u32 $0xFFFF, v3  }
0x75: {  	v9 =	vand.u32 $0xFFFF, v4;
	v62 =	vshrl.u32 v1, $0x10;
	v1 =	vld [tilespmem:s6+$0xFFFFFFE0]  }
0x76: {  	v6 =	vld.idx.msk [tilespmem:v6+s28+$0x0], $0xffff  }
0x77: {  	v14 =	vand.u32 $0xFFFF, v8;
	v5 =	vld.idx.msk [tilespmem:v5+s28+$0x0], $0xffff  }
0x78: {  	v11 =	vshrl.u32 v2, $0x10;
	v63 =	vshrl.u32 v3, $0x10;
	v3 =	vld [tilespmem:s12+$0x0]  }
0x79: {  	v7 =	vld.idx.msk [tilespmem:v7+s28+$0x0], $0xffff  }
0x7a: {  	s5 =	simm.s32 $0x16440;
	v9 =	vld.idx.msk [tilespmem:v9+s28+$0x0], $0xffff  }
0x7b: {  	v4 =	vshrl.u32 v4, $0x10;
	v2 =	vld [tilespmem:s6+$0xFFFFFFF0];
	[tilespmem:s5+$0xFFFFFFC0] =	vst v6  }
0x7c: {  	[tilespmem:s5+$0xFFFFFFE0] =	vst v5;
	v5 =	vld.idx.msk [tilespmem:v14+s28+$0x0], $0xffff  }
0x7d: {  	v6 =	vand.u32 $0xFFFF, v10;
	v11 =	vld.idx.msk [tilespmem:v11+s28+$0x0], $0xffff  }
0x7e: {  	v15 =	vand.u32 $0xFFFF, v0;
	[tilespmem:s5+$0x0] =	vst v7;
	v12 =	vld.idx.msk [tilespmem:v62+s28+$0x0], $0xffff  }
0x7f: {  	s7 =	simm.s32 $0x80;
	v16 =	vand.u32 $0xFFFF, v3;
	[tilespmem:s5+$0x20] =	vst v9;
	v13 =	vld.idx.msk [tilespmem:v63+s28+$0x0], $0xffff  }
0x80: {  	s14 =	sand.u32 $0xFC0, s7;
	v7 =	vld.idx.msk [tilespmem:v4+s28+$0x0], $0xffff  }
0x81: {  	v4 =	vld [tilespmem:s14+$0x1400]  }
0x82: {  	v9 =	vld.idx.msk [tilespmem:v6+s28+$0x0], $0xffff;
	[tilespmem:s5+$0xFFFFFFD0] =	vst v11  }
0x83: {  	v6 =	vld.idx.msk [tilespmem:v15+s28+$0x0], $0xffff;
	[tilespmem:s5+$0xFFFFFFF0] =	vst v12;
	v11 =	vshrl.u32 v10, $0x10  }
0x84: {  	s8 =	simm.s32 $0x14F0;
	v10 =	vshrl.u32 v8, $0x10;
	v8 =	vld.idx.msk [tilespmem:v16+s28+$0x0], $0xffff;
	[tilespmem:s5+$0x10] =	vst v13  }
.LBB2_4:
0x85: {  	v12 =	vld [tilespmem:s8+$0xFFFFFFE0];
	v13 =	vshrl.u32 v0, $0x10;
	[tilespmem:s5+$0x30] =	vst v7;
	v0 =	vmov v2  }
0x86: {  	v7 =	vshrl.u32 v3, $0x10;
	s5 =	sadd.s32 $0x80, s5;
	v3 =	vld [tilespmem:s6+$0x0];
	s6 =	smov.u32 s8  }
0x87: {  	v14 =	vand.u32 $0xFFFF, v1;
	v2 =	vld [tilespmem:s8+$0xFFFFFFF0];
	[tilespmem:s5+$0xFFFFFFC0] =	vst v9  }
0x88: {  	v9 =	vand.u32 $0xFFFF, v4;
	v11 =	vld.idx.msk [tilespmem:v11+s28+$0x0], $0xffff;
	[tilespmem:s5+$0xFFFFFFE0] =	vst v5  }
0x89: {  	v15 =	vand.u32 $0xFFFF, v0;
	v10 =	vld.idx.msk [tilespmem:v10+s28+$0x0], $0xffff;
	[tilespmem:s5+$0x0] =	vst v6  }
0x8a: {  	s7 =	sadd.s32 $0x40, s7;
	v13 =	vld.idx.msk [tilespmem:v13+s28+$0x0], $0xffff;
	[tilespmem:s5+$0x20] =	vst v8  }
0x8b: {  	p1 =	slt.u32 s7, $0xFC0;
	v8 =	vand.u32 $0xFFFF, v3;
	v7 =	vld.idx.msk [tilespmem:v7+s28+$0x0], $0xffff  }
.Ltmp1:
0x8c: {  	v5 =	vld.idx.msk [tilespmem:v14+s28+$0x0], $0xffff;
	(pc) =	sbr.rel @p1 .LBB2_4-.Ltmp1, $4  }
0x8d: {  	v9 =	vld.idx.msk [tilespmem:v9+s28+$0x0], $0xffff  }
0x8e: {  	s9 =	sand.u32 $0xFC0, s7;
	v6 =	vld.idx.msk [tilespmem:v15+s28+$0x0], $0xffff;
	[tilespmem:s5+$0xFFFFFFD0] =	vst v11  }
0x8f: {  	v11 =	vshrl.u32 v4, $0x10;
	v4 =	vld [tilespmem:s9+$0x1400];
	[tilespmem:s5+$0xFFFFFFF0] =	vst v10  }
0x90: {  	s8 =	sadd.s32 $0x40, s8;
	v10 =	vshrl.u32 v1, $0x10;
	v1 =	vmov v12;
	v8 =	vld.idx.msk [tilespmem:v8+s28+$0x0], $0xffff;
	[tilespmem:s5+$0x10] =	vst v13  }
0x91: {  	v12 =	vld [tilespmem:s6+$0x0];
	_ =	sdelay $0x1  }
0x92: {  	s10 =	sadd.s32 $0x80, s5;
	v14 =	vand.u32 $0xFFFF, v1  }
0x93: {  	[tilespmem:s10+$0xFFFFFFC0] =	vst v9;
	v9 =	vand.u32 $0xFFFF, v2  }
0x94: {  	v13 =	vand.u32 $0xFFFF, v4  }
0x95: {  	[tilespmem:s10+$0xFFFFFFE0] =	vst v5;
	v11 =	vld.idx.msk [tilespmem:v11+s28+$0x0], $0xffff;
	v5 =	vand.u32 $0xFFFF, v12  }
0x96: {  	v0 =	vshrl.u32 v0, $0x10;
	v10 =	vld.idx.msk [tilespmem:v10+s28+$0x0], $0xffff  }
0x97: {  	v3 =	vshrl.u32 v3, $0x10;
	[tilespmem:s10+$0x0] =	vst v6;
	v6 =	vld.idx.msk [tilespmem:v14+s28+$0x0], $0xffff  }
0x98: {  	v1 =	vshrl.u32 v1, $0x10;
	[tilespmem:s10+$0x20] =	vst v8;
	v8 =	vld.idx.msk [tilespmem:v9+s28+$0x0], $0xffff  }
0x99: {  	[tilespmem:s5+$0x30] =	vst v7;
	v2 =	vshrl.u32 v2, $0x10;
	v7 =	vld.idx.msk [tilespmem:v13+s28+$0x0], $0xffff  }
0x9a: {  	v4 =	vshrl.u32 v4, $0x10;
	[tilespmem:s10+$0xFFFFFFD0] =	vst v11;
	v5 =	vld.idx.msk [tilespmem:v5+s28+$0x0], $0xffff  }
0x9b: {  	s11 =	sadd.s32 $0x80, s10;
	v0 =	vld.idx.msk [tilespmem:v0+s28+$0x0], $0xffff;
	v9 =	vshrl.u32 v12, $0x10;
	[tilespmem:s10+$0xFFFFFFF0] =	vst v10  }
0x9c: {  	v3 =	vld.idx.msk [tilespmem:v3+s28+$0x0], $0xffff;
	[tilespmem:s11+$0xFFFFFFE0] =	vst v6  }
0x9d: {  	v1 =	vld.idx.msk [tilespmem:v1+s28+$0x0], $0xffff;
	[tilespmem:s11+$0x0] =	vst v8  }
0x9e: {  	v2 =	vld.idx.msk [tilespmem:v2+s28+$0x0], $0xffff;
	[tilespmem:s11+$0xFFFFFFC0] =	vst v7  }
0x9f: {  	v4 =	vld.idx.msk [tilespmem:v4+s28+$0x0], $0xffff;
	[tilespmem:s11+$0x20] =	vst v5  }
0xa0: {  	[tilespmem:s10+$0x10] =	vst v0;
	v0 =	vld.idx.msk [tilespmem:v9+s28+$0x0], $0xffff  }
0xa1: {  	[tilespmem:s10+$0x30] =	vst v3  }
0xa2: {  	[tilespmem:s11+$0xFFFFFFF0] =	vst v1  }
0xa3: {  	[tilespmem:s11+$0x10] =	vst v2  }
0xa4: {  	[tilespmem:s11+$0xFFFFFFD0] =	vst v4  }
0xa5: {  	[tilespmem:s11+$0x30] =	vst v0  }
0xa6: {  	s5 =	rddreg [dreg:$0x8]  }
0xa7: {  	[hbm4b:s5+s25] =	stream.strided.scatter [tilespmem:s1], [sflag:$0x5], $0x2000, s26, s25, $0x38;
	[tilespmem:$0x18400] =	vst v63  }
0xa8: {  	_ =	swait.ge [sflag:s2], $0x2000  }
0xa9: {  	s13 =	simm.s32 $0x0;
	[sflag:s2] =	ssyncset.done $0x0  }
0xaa: {  	s6 =	sand.u32 $0xFC0, s13;
	[sflag:s2] =	ssyncadd.s32 $0xFFFFE000  }
0xab: {  	s12 =	simm.s32 $0x2430;
	v2 =	vld [tilespmem:s6+$0x2400]  }
0xac: {  	v1 =	vld [tilespmem:s12+$0xFFFFFFE0];
	_ =	sdelay $0x1  }
0xad: {  	v3 =	vld [tilespmem:s12+$0xFFFFFFF0]  }
0xae: {  	v4 =	vld [tilespmem:s12+$0x0]  }
0xaf: {  	s7 =	simm.s32 $0x2470;
	v6 =	vand.u32 $0xFFFF, v2  }
0xb0: {  	s14 =	simm.s32 $0x40;
	v8 =	vld [tilespmem:s7+$0xFFFFFFE0];
	v5 =	vand.u32 $0xFFFF, v1  }
0xb1: {  	s5 =	sand.u32 $0xFC0, s14;
	v0 =	vld [tilespmem:s7+$0xFFFFFFF0]  }
0xb2: {  	v10 =	vld [tilespmem:s5+$0x2400];
	s6 =	simm.s32 $0x24B0;
	v7 =	vand.u32 $0xFFFF, v3  }
0xb3: {  	v9 =	vand.u32 $0xFFFF, v4;
	v61 =	vshrl.u32 v1, $0x10;
	v1 =	vld [tilespmem:s6+$0xFFFFFFE0]  }
0xb4: {  	v6 =	vld.idx.msk [tilespmem:v6+s28+$0x0], $0xffff  }
0xb5: {  	v63 =	vand.u32 $0xFFFF, v8;
	v5 =	vld.idx.msk [tilespmem:v5+s28+$0x0], $0xffff  }
0xb6: {  	v11 =	vshrl.u32 v2, $0x10;
	v62 =	vshrl.u32 v3, $0x10;
	v3 =	vld [tilespmem:s7+$0x0]  }
0xb7: {  	v7 =	vld.idx.msk [tilespmem:v7+s28+$0x0], $0xffff  }
0xb8: {  	s5 =	simm.s32 $0x14440;
	v9 =	vld.idx.msk [tilespmem:v9+s28+$0x0], $0xffff  }
0xb9: {  	v4 =	vshrl.u32 v4, $0x10;
	v2 =	vld [tilespmem:s6+$0xFFFFFFF0];
	[tilespmem:s5+$0xFFFFFFC0] =	vst v6  }
0xba: {  	[tilespmem:s5+$0xFFFFFFE0] =	vst v5;
	v5 =	vld.idx.msk [tilespmem:v63+s28+$0x0], $0xffff  }
0xbb: {  	v6 =	vand.u32 $0xFFFF, v10;
	v11 =	vld.idx.msk [tilespmem:v11+s28+$0x0], $0xffff  }
0xbc: {  	v15 =	vand.u32 $0xFFFF, v0;
	[tilespmem:s5+$0x0] =	vst v7;
	v12 =	vld.idx.msk [tilespmem:v61+s28+$0x0], $0xffff  }
0xbd: {  	s7 =	simm.s32 $0x80;
	v16 =	vand.u32 $0xFFFF, v3;
	[tilespmem:s5+$0x20] =	vst v9;
	v13 =	vld.idx.msk [tilespmem:v62+s28+$0x0], $0xffff  }
0xbe: {  	s8 =	sand.u32 $0xFC0, s7;
	v7 =	vld.idx.msk [tilespmem:v4+s28+$0x0], $0xffff  }
0xbf: {  	v4 =	vld [tilespmem:s8+$0x2400]  }
0xc0: {  	v9 =	vld.idx.msk [tilespmem:v6+s28+$0x0], $0xffff;
	[tilespmem:s5+$0xFFFFFFD0] =	vst v11  }
0xc1: {  	v6 =	vld.idx.msk [tilespmem:v15+s28+$0x0], $0xffff;
	[tilespmem:s5+$0xFFFFFFF0] =	vst v12;
	v11 =	vshrl.u32 v10, $0x10  }
0xc2: {  	s8 =	simm.s32 $0x24F0;
	v10 =	vshrl.u32 v8, $0x10;
	v8 =	vld.idx.msk [tilespmem:v16+s28+$0x0], $0xffff;
	[tilespmem:s5+$0x10] =	vst v13  }
.LBB2_6:
0xc3: {  	v12 =	vld [tilespmem:s8+$0xFFFFFFE0];
	v13 =	vshrl.u32 v0, $0x10;
	[tilespmem:s5+$0x30] =	vst v7;
	v0 =	vmov v2  }
0xc4: {  	v7 =	vshrl.u32 v3, $0x10;
	s5 =	sadd.s32 $0x80, s5;
	v3 =	vld [tilespmem:s6+$0x0];
	s6 =	smov.u32 s8  }
0xc5: {  	v14 =	vand.u32 $0xFFFF, v1;
	v2 =	vld [tilespmem:s8+$0xFFFFFFF0];
	[tilespmem:s5+$0xFFFFFFC0] =	vst v9  }
0xc6: {  	v9 =	vand.u32 $0xFFFF, v4;
	v11 =	vld.idx.msk [tilespmem:v11+s28+$0x0], $0xffff;
	[tilespmem:s5+$0xFFFFFFE0] =	vst v5  }
0xc7: {  	v15 =	vand.u32 $0xFFFF, v0;
	v10 =	vld.idx.msk [tilespmem:v10+s28+$0x0], $0xffff;
	[tilespmem:s5+$0x0] =	vst v6  }
0xc8: {  	s7 =	sadd.s32 $0x40, s7;
	v13 =	vld.idx.msk [tilespmem:v13+s28+$0x0], $0xffff;
	[tilespmem:s5+$0x20] =	vst v8  }
0xc9: {  	p1 =	slt.u32 s7, $0xFC0;
	v8 =	vand.u32 $0xFFFF, v3;
	v7 =	vld.idx.msk [tilespmem:v7+s28+$0x0], $0xffff  }
.Ltmp2:
0xca: {  	v5 =	vld.idx.msk [tilespmem:v14+s28+$0x0], $0xffff;
	(pc) =	sbr.rel @p1 .LBB2_6-.Ltmp2, $4  }
0xcb: {  	v9 =	vld.idx.msk [tilespmem:v9+s28+$0x0], $0xffff  }
0xcc: {  	s9 =	sand.u32 $0xFC0, s7;
	v6 =	vld.idx.msk [tilespmem:v15+s28+$0x0], $0xffff;
	[tilespmem:s5+$0xFFFFFFD0] =	vst v11  }
0xcd: {  	v11 =	vshrl.u32 v4, $0x10;
	v4 =	vld [tilespmem:s9+$0x2400];
	[tilespmem:s5+$0xFFFFFFF0] =	vst v10  }
0xce: {  	s8 =	sadd.s32 $0x40, s8;
	v10 =	vshrl.u32 v1, $0x10;
	v1 =	vmov v12;
	v8 =	vld.idx.msk [tilespmem:v8+s28+$0x0], $0xffff;
	[tilespmem:s5+$0x10] =	vst v13  }
0xcf: {  	v12 =	vld [tilespmem:s6+$0x0];
	_ =	sdelay $0x1  }
0xd0: {  	s10 =	sadd.s32 $0x80, s5;
	v14 =	vand.u32 $0xFFFF, v1  }
0xd1: {  	[tilespmem:s10+$0xFFFFFFC0] =	vst v9;
	v9 =	vand.u32 $0xFFFF, v2  }
0xd2: {  	v13 =	vand.u32 $0xFFFF, v4  }
0xd3: {  	[tilespmem:s10+$0xFFFFFFE0] =	vst v5;
	v11 =	vld.idx.msk [tilespmem:v11+s28+$0x0], $0xffff;
	v5 =	vand.u32 $0xFFFF, v12  }
0xd4: {  	v0 =	vshrl.u32 v0, $0x10;
	v10 =	vld.idx.msk [tilespmem:v10+s28+$0x0], $0xffff  }
0xd5: {  	v3 =	vshrl.u32 v3, $0x10;
	[tilespmem:s10+$0x0] =	vst v6;
	v6 =	vld.idx.msk [tilespmem:v14+s28+$0x0], $0xffff  }
0xd6: {  	v1 =	vshrl.u32 v1, $0x10;
	[tilespmem:s10+$0x20] =	vst v8;
	v8 =	vld.idx.msk [tilespmem:v9+s28+$0x0], $0xffff  }
0xd7: {  	[tilespmem:s5+$0x30] =	vst v7;
	v2 =	vshrl.u32 v2, $0x10;
	v7 =	vld.idx.msk [tilespmem:v13+s28+$0x0], $0xffff  }
0xd8: {  	v4 =	vshrl.u32 v4, $0x10;
	[tilespmem:s10+$0xFFFFFFD0] =	vst v11;
	v5 =	vld.idx.msk [tilespmem:v5+s28+$0x0], $0xffff  }
0xd9: {  	s11 =	sadd.s32 $0x80, s10;
	v0 =	vld.idx.msk [tilespmem:v0+s28+$0x0], $0xffff;
	v9 =	vshrl.u32 v12, $0x10;
	[tilespmem:s10+$0xFFFFFFF0] =	vst v10  }
0xda: {  	v3 =	vld.idx.msk [tilespmem:v3+s28+$0x0], $0xffff;
	[tilespmem:s11+$0xFFFFFFE0] =	vst v6  }
0xdb: {  	v1 =	vld.idx.msk [tilespmem:v1+s28+$0x0], $0xffff;
	[tilespmem:s11+$0x0] =	vst v8  }
0xdc: {  	v2 =	vld.idx.msk [tilespmem:v2+s28+$0x0], $0xffff;
	[tilespmem:s11+$0xFFFFFFC0] =	vst v7  }
0xdd: {  	v4 =	vld.idx.msk [tilespmem:v4+s28+$0x0], $0xffff;
	[tilespmem:s11+$0x20] =	vst v5  }
0xde: {  	[tilespmem:s10+$0x10] =	vst v0;
	v0 =	vld.idx.msk [tilespmem:v9+s28+$0x0], $0xffff  }
0xdf: {  	[tilespmem:s10+$0x30] =	vst v3  }
0xe0: {  	[tilespmem:s11+$0xFFFFFFF0] =	vst v1  }
0xe1: {  	[tilespmem:s11+$0x10] =	vst v2  }
0xe2: {  	[tilespmem:s11+$0xFFFFFFD0] =	vst v4  }
0xe3: {  	[tilespmem:s11+$0x30] =	vst v0  }
0xe4: {  	s5 =	rddreg [dreg:$0x9]  }
0xe5: {  	[hbm4b:s5+s25] =	stream.strided.scatter [tilespmem:s0], [sflag:$0x4], $0x2000, s26, s25, $0x38;
	[tilespmem:$0x18400] =	vst v63  }
0xe6: {  	_ =	swait.ge [sflag:s3], $0x2000  }
0xe7: {  	s13 =	simm.s32 $0x0;
	[sflag:s3] =	ssyncset.done $0x0  }
0xe8: {  	s6 =	sand.u32 $0xFC0, s13;
	[sflag:s3] =	ssyncadd.s32 $0xFFFFE000  }
0xe9: {  	s12 =	simm.s32 $0x3430;
	v2 =	vld [tilespmem:s6+$0x3400]  }
0xea: {  	v1 =	vld [tilespmem:s12+$0xFFFFFFE0];
	_ =	sdelay $0x1  }
0xeb: {  	v3 =	vld [tilespmem:s12+$0xFFFFFFF0]  }
0xec: {  	v4 =	vld [tilespmem:s12+$0x0]  }
0xed: {  	s7 =	simm.s32 $0x3470;
	v6 =	vand.u32 $0xFFFF, v2  }
0xee: {  	s14 =	simm.s32 $0x40;
	v8 =	vld [tilespmem:s7+$0xFFFFFFE0];
	v5 =	vand.u32 $0xFFFF, v1  }
0xef: {  	s5 =	sand.u32 $0xFC0, s14;
	v0 =	vld [tilespmem:s7+$0xFFFFFFF0]  }
0xf0: {  	v10 =	vld [tilespmem:s5+$0x3400];
	s6 =	simm.s32 $0x34B0;
	v7 =	vand.u32 $0xFFFF, v3  }
0xf1: {  	v9 =	vand.u32 $0xFFFF, v4;
	v61 =	vshrl.u32 v1, $0x10;
	v1 =	vld [tilespmem:s6+$0xFFFFFFE0]  }
0xf2: {  	v6 =	vld.idx.msk [tilespmem:v6+s28+$0x0], $0xffff  }
0xf3: {  	v63 =	vand.u32 $0xFFFF, v8;
	v5 =	vld.idx.msk [tilespmem:v5+s28+$0x0], $0xffff  }
0xf4: {  	v11 =	vshrl.u32 v2, $0x10;
	v62 =	vshrl.u32 v3, $0x10;
	v3 =	vld [tilespmem:s7+$0x0]  }
0xf5: {  	v7 =	vld.idx.msk [tilespmem:v7+s28+$0x0], $0xffff  }
0xf6: {  	s5 =	simm.s32 $0x16440;
	v9 =	vld.idx.msk [tilespmem:v9+s28+$0x0], $0xffff  }
0xf7: {  	v4 =	vshrl.u32 v4, $0x10;
	v2 =	vld [tilespmem:s6+$0xFFFFFFF0];
	[tilespmem:s5+$0xFFFFFFC0] =	vst v6  }
0xf8: {  	[tilespmem:s5+$0xFFFFFFE0] =	vst v5;
	v5 =	vld.idx.msk [tilespmem:v63+s28+$0x0], $0xffff  }
0xf9: {  	v6 =	vand.u32 $0xFFFF, v10;
	v11 =	vld.idx.msk [tilespmem:v11+s28+$0x0], $0xffff  }
0xfa: {  	v15 =	vand.u32 $0xFFFF, v0;
	[tilespmem:s5+$0x0] =	vst v7;
	v12 =	vld.idx.msk [tilespmem:v61+s28+$0x0], $0xffff  }
0xfb: {  	s7 =	simm.s32 $0x80;
	v16 =	vand.u32 $0xFFFF, v3;
	[tilespmem:s5+$0x20] =	vst v9;
	v13 =	vld.idx.msk [tilespmem:v62+s28+$0x0], $0xffff  }
0xfc: {  	s8 =	sand.u32 $0xFC0, s7;
	v7 =	vld.idx.msk [tilespmem:v4+s28+$0x0], $0xffff  }
0xfd: {  	v4 =	vld [tilespmem:s8+$0x3400]  }
0xfe: {  	v9 =	vld.idx.msk [tilespmem:v6+s28+$0x0], $0xffff;
	[tilespmem:s5+$0xFFFFFFD0] =	vst v11  }
0xff: {  	v6 =	vld.idx.msk [tilespmem:v15+s28+$0x0], $0xffff;
	[tilespmem:s5+$0xFFFFFFF0] =	vst v12;
	v11 =	vshrl.u32 v10, $0x10  }
0x100: {  	s8 =	simm.s32 $0x34F0;
	v10 =	vshrl.u32 v8, $0x10;
	v8 =	vld.idx.msk [tilespmem:v16+s28+$0x0], $0xffff;
	[tilespmem:s5+$0x10] =	vst v13  }
.LBB2_8:
0x101: {  	v12 =	vld [tilespmem:s8+$0xFFFFFFE0];
	v13 =	vshrl.u32 v0, $0x10;
	[tilespmem:s5+$0x30] =	vst v7;
	v0 =	vmov v2  }
0x102: {  	v7 =	vshrl.u32 v3, $0x10;
	s5 =	sadd.s32 $0x80, s5;
	v3 =	vld [tilespmem:s6+$0x0];
	s6 =	smov.u32 s8  }
0x103: {  	v14 =	vand.u32 $0xFFFF, v1;
	v2 =	vld [tilespmem:s8+$0xFFFFFFF0];
	[tilespmem:s5+$0xFFFFFFC0] =	vst v9  }
0x104: {  	v9 =	vand.u32 $0xFFFF, v4;
	v11 =	vld.idx.msk [tilespmem:v11+s28+$0x0], $0xffff;
	[tilespmem:s5+$0xFFFFFFE0] =	vst v5  }
0x105: {  	v15 =	vand.u32 $0xFFFF, v0;
	v10 =	vld.idx.msk [tilespmem:v10+s28+$0x0], $0xffff;
	[tilespmem:s5+$0x0] =	vst v6  }
0x106: {  	s7 =	sadd.s32 $0x40, s7;
	v13 =	vld.idx.msk [tilespmem:v13+s28+$0x0], $0xffff;
	[tilespmem:s5+$0x20] =	vst v8  }
0x107: {  	p1 =	slt.u32 s7, $0xFC0;
	v8 =	vand.u32 $0xFFFF, v3;
	v7 =	vld.idx.msk [tilespmem:v7+s28+$0x0], $0xffff  }
.Ltmp3:
0x108: {  	v5 =	vld.idx.msk [tilespmem:v14+s28+$0x0], $0xffff;
	(pc) =	sbr.rel @p1 .LBB2_8-.Ltmp3, $4  }
0x109: {  	v9 =	vld.idx.msk [tilespmem:v9+s28+$0x0], $0xffff  }
0x10a: {  	s9 =	sand.u32 $0xFC0, s7;
	v6 =	vld.idx.msk [tilespmem:v15+s28+$0x0], $0xffff;
	[tilespmem:s5+$0xFFFFFFD0] =	vst v11  }
0x10b: {  	v11 =	vshrl.u32 v4, $0x10;
	v4 =	vld [tilespmem:s9+$0x3400];
	[tilespmem:s5+$0xFFFFFFF0] =	vst v10  }
0x10c: {  	s8 =	sadd.s32 $0x40, s8;
	v10 =	vshrl.u32 v1, $0x10;
	v1 =	vmov v12;
	v8 =	vld.idx.msk [tilespmem:v8+s28+$0x0], $0xffff;
	[tilespmem:s5+$0x10] =	vst v13  }
0x10d: {  	v12 =	vld [tilespmem:s6+$0x0];
	_ =	sdelay $0x1  }
0x10e: {  	s8 =	sadd.s32 $0x80, s5;
	v14 =	vand.u32 $0xFFFF, v1  }
0x10f: {  	[tilespmem:s8+$0xFFFFFFC0] =	vst v9;
	v9 =	vand.u32 $0xFFFF, v2  }
0x110: {  	v13 =	vand.u32 $0xFFFF, v4  }
0x111: {  	[tilespmem:s8+$0xFFFFFFE0] =	vst v5;
	v11 =	vld.idx.msk [tilespmem:v11+s28+$0x0], $0xffff;
	v5 =	vand.u32 $0xFFFF, v12  }
0x112: {  	v0 =	vshrl.u32 v0, $0x10;
	v10 =	vld.idx.msk [tilespmem:v10+s28+$0x0], $0xffff  }
0x113: {  	v3 =	vshrl.u32 v3, $0x10;
	[tilespmem:s8+$0x0] =	vst v6;
	v6 =	vld.idx.msk [tilespmem:v14+s28+$0x0], $0xffff  }
0x114: {  	v1 =	vshrl.u32 v1, $0x10;
	[tilespmem:s8+$0x20] =	vst v8;
	v8 =	vld.idx.msk [tilespmem:v9+s28+$0x0], $0xffff  }
0x115: {  	[tilespmem:s5+$0x30] =	vst v7;
	v2 =	vshrl.u32 v2, $0x10;
	v7 =	vld.idx.msk [tilespmem:v13+s28+$0x0], $0xffff  }
0x116: {  	v4 =	vshrl.u32 v4, $0x10;
	[tilespmem:s8+$0xFFFFFFD0] =	vst v11;
	v5 =	vld.idx.msk [tilespmem:v5+s28+$0x0], $0xffff  }
0x117: {  	s9 =	sadd.s32 $0x80, s8;
	v0 =	vld.idx.msk [tilespmem:v0+s28+$0x0], $0xffff;
	v9 =	vshrl.u32 v12, $0x10;
	[tilespmem:s8+$0xFFFFFFF0] =	vst v10  }
0x118: {  	v3 =	vld.idx.msk [tilespmem:v3+s28+$0x0], $0xffff;
	[tilespmem:s9+$0xFFFFFFE0] =	vst v6  }
0x119: {  	v1 =	vld.idx.msk [tilespmem:v1+s28+$0x0], $0xffff;
	[tilespmem:s9+$0x0] =	vst v8  }
0x11a: {  	v2 =	vld.idx.msk [tilespmem:v2+s28+$0x0], $0xffff;
	[tilespmem:s9+$0xFFFFFFC0] =	vst v7  }
0x11b: {  	v4 =	vld.idx.msk [tilespmem:v4+s28+$0x0], $0xffff;
	[tilespmem:s9+$0x20] =	vst v5  }
0x11c: {  	[tilespmem:s8+$0x10] =	vst v0;
	v0 =	vld.idx.msk [tilespmem:v9+s28+$0x0], $0xffff  }
0x11d: {  	[tilespmem:s8+$0x30] =	vst v3  }
0x11e: {  	[tilespmem:s9+$0xFFFFFFF0] =	vst v1  }
0x11f: {  	[tilespmem:s9+$0x10] =	vst v2  }
0x120: {  	[tilespmem:s9+$0xFFFFFFD0] =	vst v4  }
0x121: {  	[tilespmem:s9+$0x30] =	vst v0  }
0x122: {  	s5 =	rddreg [dreg:$0xa]  }
0x123: {  	[hbm4b:s5+s25] =	stream.strided.scatter [tilespmem:s1], [sflag:$0x5], $0x2000, s26, s25, $0x38;
	[tilespmem:$0x18400] =	vst v63  }
0x124: {  	s10 =	rddreg [dreg:$0xb]  }
0x125: {  	[tilespmem:s28], [sflag:$0x2] =	stream.strided.gather [hbm4b:s10+s25], $0x8000, s26, s25, $0x38;
	[tilespmem:$0x18400] =	vst v63  }
0x126: {  	_ =	swait.ge [sflag:s4], $0x8000  }
0x127: {  	[sflag:s4] =	ssyncset.done $0x0  }
0x128: {  	[sflag:s4] =	ssyncadd.s32 $0xFFFF8000  }
0x129: {  	_ =	swait.ge [sflag:s2], $0x2000  }
0x12a: {  	[sflag:s2] =	ssyncset.done $0x0  }
0x12b: {  	s11 =	simm.s32 $0x420;
	[sflag:s2] =	ssyncadd.s32 $0xFFFFE000  }
0x12c: {  	v1 =	vld [tilespmem:s11+$0xFFFFFFF0]  }
0x12d: {  	v0 =	vld [tilespmem:s11+$0x10];
	_ =	sdelay $0x2  }
0x12e: {  	v3 =	vld [tilespmem:s11+$0xFFFFFFE0]  }
0x12f: {  	s12 =	simm.s32 $0x460;
	v4 =	vld [tilespmem:s11+$0x0];
	v5 =	vand.u32 $0xFFFF, v1  }
0x130: {  	v6 =	vld [tilespmem:s12+$0x10];
	v2 =	vand.u32 $0xFFFF, v0  }
0x131: {  	v8 =	vld [tilespmem:s12+$0xFFFFFFF0]  }
0x132: {  	v10 =	vld [tilespmem:s12+$0x0]  }
0x133: {  	v11 =	vld [tilespmem:s12+$0xFFFFFFE0];
	v7 =	vand.u32 $0xFFFF, v3  }
0x134: {  	v9 =	vand.u32 $0xFFFF, v4;
	v5 =	vld.idx.msk [tilespmem:v5+s29+$0x0], $0xffff  }
0x135: {  	s13 =	simm.s32 $0x4A0;
	v12 =	vand.u32 $0xFFFF, v6;
	v2 =	vld.idx.msk [tilespmem:v2+s29+$0x0], $0xffff  }
0x136: {  	v15 =	vld [tilespmem:s13+$0xFFFFFFF0];
	v0 =	vshrl.u32 v0, $0x10  }
0x137: {  	v16 =	vld [tilespmem:s13+$0x0]  }
0x138: {  	s5 =	simm.s32 $0x14440;
	v7 =	vld.idx.msk [tilespmem:v7+s29+$0x0], $0xffff  }
0x139: {  	v14 =	vand.u32 $0xFFFF, v10;
	[tilespmem:s5+$0xFFFFFFE0] =	vst v5;
	v5 =	vld.idx.msk [tilespmem:v9+s29+$0x0], $0xffff  }
0x13a: {  	[tilespmem:s5+$0x20] =	vst v2;
	v2 =	vand.u32 $0xFFFF, v8;
	v9 =	vld.idx.msk [tilespmem:v12+s29+$0x0], $0xffff  }
0x13b: {  	v1 =	vshrl.u32 v1, $0x10;
	v13 =	vld.idx.msk [tilespmem:v0+s29+$0x0], $0xffff  }
0x13c: {  	v12 =	vand.u32 $0xFFFF, v11;
	v0 =	vld [tilespmem:s13+$0x10]  }
0x13d: {  	v18 =	vld [tilespmem:s13+$0xFFFFFFE0];
	v6 =	vshrl.u32 v6, $0x10  }
0x13e: {  	v3 =	vshrl.u32 v3, $0x10;
	[tilespmem:s5+$0xFFFFFFC0] =	vst v7;
	v7 =	vld.idx.msk [tilespmem:v14+s29+$0x0], $0xffff  }
0x13f: {  	v4 =	vshrl.u32 v4, $0x10;
	v2 =	vld.idx.msk [tilespmem:v2+s29+$0x0], $0xffff  }
0x140: {  	s6 =	simm.s32 $0x144C0;
	s7 =	simm.s32 $0x60;
	v17 =	vshrl.u32 v8, $0x10;
	v1 =	vld.idx.msk [tilespmem:v1+s29+$0x0], $0xffff  }
0x141: {  	s7 =	sor.u32 $0x70, s7;
	[tilespmem:s6+$0x20] =	vst v9;
	v19 =	vld.idx.msk [tilespmem:v12+s29+$0x0], $0xffff;
	v12 =	vand.u32 $0xFFFF, v0  }
0x142: {  	v20 =	vld.idx.msk [tilespmem:v6+s29+$0x0], $0xffff;
	[tilespmem:s7+$0x14400] =	vst v13;
	v13 =	vand.u32 $0xFFFF, v15  }
0x143: {  	s14 =	simm.s32 $0x20;
	v8 =	vld.idx.msk [tilespmem:v3+s29+$0x0], $0xffff;
	[tilespmem:s5+$0x0] =	vst v5  }
0x144: {  	s8 =	simm.s32 $0x40;
	s10 =	sor.u32 $0x30, s14;
	[tilespmem:s6+$0xFFFFFFE0] =	vst v2;
	v2 =	vshrl.u32 v10, $0x10;
	v10 =	vld.idx.msk [tilespmem:v4+s29+$0x0], $0xffff  }
0x145: {  	s9 =	simm.s32 $0x80;
	s7 =	sor.u32 $0x50, s8;
	[tilespmem:s10+$0x14400] =	vst v1;
	s8 =	simm.s32 $0xE0;
	v9 =	vld.idx.msk [tilespmem:v17+s29+$0x0], $0xffff  }
0x146: {  	s11 =	simm.s32 $0xA0;
	v3 =	vshrl.u32 v15, $0x10;
	s13 =	simm.s32 $0xC0;
	v5 =	vshrl.u32 v18, $0x10;
	v1 =	vshrl.u32 v16, $0x10;
	s14 =	sor.u32 $0x70, s8;
	[tilespmem:s6+$0xFFFFFFC0] =	vst v19;
	v12 =	vld.idx.msk [tilespmem:v12+s29+$0x0], $0xffff  }
0x147: {  	s12 =	sor.u32 $0x30, s11;
	s11 =	sor.u32 $0x50, s13;
	v6 =	vand.u32 $0xFFFF, v16;
	s10 =	simm.s32 $0x4E0;
	v4 =	vshrl.u32 v11, $0x10;
	v11 =	vand.u32 $0xFFFF, v18;
	v13 =	vld.idx.msk [tilespmem:v13+s29+$0x0], $0xffff;
	[tilespmem:s14+$0x14400] =	vst v20  }
.LBB2_10:
0x148: {  	s9 =	sadd.s32 $0x40, s9;
	v14 =	vshrl.u32 v0, $0x10;
	v0 =	vld [tilespmem:s10+$0x10];
	[tilespmem:s6+$0x0] =	vst v7  }
0x149: {  	v7 =	vld [tilespmem:s10+$0xFFFFFFF0];
	p1 =	slt.u32 s9, $0xFC0;
	[tilespmem:s5+$0xFFFFFFD0] =	vst v8;
	s5 =	smov.u32 s6  }
0x14a: {  	v8 =	vld [tilespmem:s10+$0x0];
	[tilespmem:s12+$0x14400] =	vst v9  }
0x14b: {  	s6 =	sadd.s32 $0x80, s6;
	v9 =	vld [tilespmem:s10+$0xFFFFFFE0];
	[tilespmem:s7+$0x14400] =	vst v10;
	s7 =	smov.u32 s11  }
0x14c: {  	v15 =	vld.idx.msk [tilespmem:v11+s29+$0x0], $0xffff;
	[tilespmem:s6+$0x20] =	vst v12  }
0x14d: {  	v12 =	vand.u32 $0xFFFF, v0;
	[tilespmem:s6+$0xFFFFFFE0] =	vst v13;
	v14 =	vld.idx.msk [tilespmem:v14+s29+$0x0], $0xffff  }
0x14e: {  	v10 =	vshrl.u32 v7, $0x10;
	v13 =	vand.u32 $0xFFFF, v7;
	v7 =	vld.idx.msk [tilespmem:v6+s29+$0x0], $0xffff  }
.Ltmp4:
0x14f: {  	v16 =	vshrl.u32 v8, $0x10;
	v6 =	vand.u32 $0xFFFF, v8;
	v8 =	vld.idx.msk [tilespmem:v4+s29+$0x0], $0xffff;
	v4 =	vmov v5;
	(pc) =	sbr.rel @p1 .LBB2_10-.Ltmp4, $4  }
0x150: {  	v5 =	vshrl.u32 v9, $0x10;
	v11 =	vand.u32 $0xFFFF, v9;
	v9 =	vld.idx.msk [tilespmem:v3+s29+$0x0], $0xffff;
	v3 =	vmov v10  }
0x151: {  	s8 =	sadd.s32 $0x80, s8;
	v10 =	vld.idx.msk [tilespmem:v2+s29+$0x0], $0xffff;
	v2 =	vmov v1;
	v1 =	vmov v16  }
0x152: {  	s13 =	sadd.s32 $0xFFFFFFE0, s8;
	s14 =	sor.u32 $0x70, s8;
	s11 =	sadd.s32 $0xFFFFFFC0, s8;
	v12 =	vld.idx.msk [tilespmem:v12+s29+$0x0], $0xffff;
	[tilespmem:s6+$0xFFFFFFC0] =	vst v15  }
0x153: {  	s10 =	sadd.s32 $0x40, s10;
	s12 =	sor.u32 $0x30, s11;
	s11 =	sor.u32 $0x50, s13;
	v13 =	vld.idx.msk [tilespmem:v13+s29+$0x0], $0xffff;
	[tilespmem:s14+$0x14400] =	vst v14  }
0x154: {  	_ = 	snop  }
0x155: {  	v0 =	vshrl.u32 v0, $0x10;
	_ =	sdelay $0x1  }
0x156: {  	[tilespmem:s6+$0x0] =	vst v7  }
0x157: {  	[tilespmem:s5+$0xFFFFFFD0] =	vst v8;
	s10 =	sadd.s32 $0x80, s6;
	v7 =	vld.idx.msk [tilespmem:v11+s29+$0x0], $0xffff  }
0x158: {  	v6 =	vld.idx.msk [tilespmem:v6+s29+$0x0], $0xffff;
	[tilespmem:s10+$0x20] =	vst v12  }
0x159: {  	[tilespmem:s12+$0x14400] =	vst v9;
	v0 =	vld.idx.msk [tilespmem:v0+s29+$0x0], $0xffff  }
0x15a: {  	v4 =	vld.idx.msk [tilespmem:v4+s29+$0x0], $0xffff;
	[tilespmem:s7+$0x14400] =	vst v10  }
0x15b: {  	v2 =	vld.idx.msk [tilespmem:v2+s29+$0x0], $0xffff;
	[tilespmem:s10+$0xFFFFFFE0] =	vst v13  }
0x15c: {  	s13 =	sadd.s32 $0x80, s8;
	v3 =	vld.idx.msk [tilespmem:v3+s29+$0x0], $0xffff;
	[tilespmem:s10+$0xFFFFFFC0] =	vst v7  }
0x15d: {  	s8 =	sor.u32 $0x70, s13;
	[tilespmem:s10+$0x0] =	vst v6;
	v5 =	vld.idx.msk [tilespmem:v5+s29+$0x0], $0xffff  }
0x15e: {  	[tilespmem:s8+$0x14400] =	vst v0;
	v0 =	vld.idx.msk [tilespmem:v1+s29+$0x0], $0xffff  }
0x15f: {  	s9 =	sadd.s32 $0xFFFFFFC0, s13;
	[tilespmem:s6+$0xFFFFFFD0] =	vst v4  }
0x160: {  	s14 =	sor.u32 $0x30, s9;
	[tilespmem:s11+$0x14400] =	vst v2  }
0x161: {  	s9 =	sadd.s32 $0xFFFFFFE0, s13;
	[tilespmem:s14+$0x14400] =	vst v3  }
0x162: {  	s6 =	sor.u32 $0x50, s9;
	[tilespmem:s10+$0xFFFFFFD0] =	vst v5  }
0x163: {  	[tilespmem:s6+$0x14400] =	vst v0  }
0x164: {  	s5 =	rddreg [dreg:$0xc]  }
0x165: {  	[hbm4b:s5+s25] =	stream.strided.scatter [tilespmem:s0], [sflag:$0x4], $0x2000, s26, s25, $0x38;
	[tilespmem:$0x18400] =	vst v63  }
0x166: {  	_ =	swait.ge [sflag:s3], $0x2000  }
0x167: {  	s11 =	simm.s32 $0x0;
	[sflag:s3] =	ssyncset.done $0x0  }
0x168: {  	s6 =	sand.u32 $0xFC0, s11;
	[sflag:s3] =	ssyncadd.s32 $0xFFFFE000  }
0x169: {  	s10 =	simm.s32 $0x1430;
	v2 =	vld [tilespmem:s6+$0x1400]  }
0x16a: {  	v1 =	vld [tilespmem:s10+$0xFFFFFFE0];
	_ =	sdelay $0x1  }
0x16b: {  	v3 =	vld [tilespmem:s10+$0xFFFFFFF0]  }
0x16c: {  	v4 =	vld [tilespmem:s10+$0x0]  }
0x16d: {  	s12 =	simm.s32 $0x1470;
	v6 =	vand.u32 $0xFFFF, v2  }
0x16e: {  	s13 =	simm.s32 $0x40;
	v8 =	vld [tilespmem:s12+$0xFFFFFFE0];
	v5 =	vand.u32 $0xFFFF, v1  }
0x16f: {  	s5 =	sand.u32 $0xFC0, s13;
	v0 =	vld [tilespmem:s12+$0xFFFFFFF0]  }
0x170: {  	v10 =	vld [tilespmem:s5+$0x1400];
	s6 =	simm.s32 $0x14B0;
	v7 =	vand.u32 $0xFFFF, v3  }
0x171: {  	v9 =	vand.u32 $0xFFFF, v4;
	v62 =	vshrl.u32 v1, $0x10;
	v1 =	vld [tilespmem:s6+$0xFFFFFFE0]  }
0x172: {  	v6 =	vld.idx.msk [tilespmem:v6+s29+$0x0], $0xffff  }
0x173: {  	v14 =	vand.u32 $0xFFFF, v8;
	v5 =	vld.idx.msk [tilespmem:v5+s29+$0x0], $0xffff  }
0x174: {  	v11 =	vshrl.u32 v2, $0x10;
	v63 =	vshrl.u32 v3, $0x10;
	v3 =	vld [tilespmem:s12+$0x0]  }
0x175: {  	v7 =	vld.idx.msk [tilespmem:v7+s29+$0x0], $0xffff  }
0x176: {  	s5 =	simm.s32 $0x16440;
	v9 =	vld.idx.msk [tilespmem:v9+s29+$0x0], $0xffff  }
0x177: {  	v4 =	vshrl.u32 v4, $0x10;
	v2 =	vld [tilespmem:s6+$0xFFFFFFF0];
	[tilespmem:s5+$0xFFFFFFC0] =	vst v6  }
0x178: {  	[tilespmem:s5+$0xFFFFFFE0] =	vst v5;
	v5 =	vld.idx.msk [tilespmem:v14+s29+$0x0], $0xffff  }
0x179: {  	v6 =	vand.u32 $0xFFFF, v10;
	v11 =	vld.idx.msk [tilespmem:v11+s29+$0x0], $0xffff  }
0x17a: {  	v15 =	vand.u32 $0xFFFF, v0;
	[tilespmem:s5+$0x0] =	vst v7;
	v12 =	vld.idx.msk [tilespmem:v62+s29+$0x0], $0xffff  }
0x17b: {  	s7 =	simm.s32 $0x80;
	v16 =	vand.u32 $0xFFFF, v3;
	[tilespmem:s5+$0x20] =	vst v9;
	v13 =	vld.idx.msk [tilespmem:v63+s29+$0x0], $0xffff  }
0x17c: {  	s14 =	sand.u32 $0xFC0, s7;
	v7 =	vld.idx.msk [tilespmem:v4+s29+$0x0], $0xffff  }
0x17d: {  	v4 =	vld [tilespmem:s14+$0x1400]  }
0x17e: {  	v9 =	vld.idx.msk [tilespmem:v6+s29+$0x0], $0xffff;
	[tilespmem:s5+$0xFFFFFFD0] =	vst v11  }
0x17f: {  	v6 =	vld.idx.msk [tilespmem:v15+s29+$0x0], $0xffff;
	[tilespmem:s5+$0xFFFFFFF0] =	vst v12;
	v11 =	vshrl.u32 v10, $0x10  }
0x180: {  	s8 =	simm.s32 $0x14F0;
	v10 =	vshrl.u32 v8, $0x10;
	v8 =	vld.idx.msk [tilespmem:v16+s29+$0x0], $0xffff;
	[tilespmem:s5+$0x10] =	vst v13  }
.LBB2_12:
0x181: {  	v12 =	vld [tilespmem:s8+$0xFFFFFFE0];
	v13 =	vshrl.u32 v0, $0x10;
	[tilespmem:s5+$0x30] =	vst v7;
	v0 =	vmov v2  }
0x182: {  	v7 =	vshrl.u32 v3, $0x10;
	s5 =	sadd.s32 $0x80, s5;
	v3 =	vld [tilespmem:s6+$0x0];
	s6 =	smov.u32 s8  }
0x183: {  	v14 =	vand.u32 $0xFFFF, v1;
	v2 =	vld [tilespmem:s8+$0xFFFFFFF0];
	[tilespmem:s5+$0xFFFFFFC0] =	vst v9  }
0x184: {  	v9 =	vand.u32 $0xFFFF, v4;
	v11 =	vld.idx.msk [tilespmem:v11+s29+$0x0], $0xffff;
	[tilespmem:s5+$0xFFFFFFE0] =	vst v5  }
0x185: {  	v15 =	vand.u32 $0xFFFF, v0;
	v10 =	vld.idx.msk [tilespmem:v10+s29+$0x0], $0xffff;
	[tilespmem:s5+$0x0] =	vst v6  }
0x186: {  	s7 =	sadd.s32 $0x40, s7;
	v13 =	vld.idx.msk [tilespmem:v13+s29+$0x0], $0xffff;
	[tilespmem:s5+$0x20] =	vst v8  }
0x187: {  	p1 =	slt.u32 s7, $0xFC0;
	v8 =	vand.u32 $0xFFFF, v3;
	v7 =	vld.idx.msk [tilespmem:v7+s29+$0x0], $0xffff  }
.Ltmp5:
0x188: {  	v5 =	vld.idx.msk [tilespmem:v14+s29+$0x0], $0xffff;
	(pc) =	sbr.rel @p1 .LBB2_12-.Ltmp5, $4  }
0x189: {  	v9 =	vld.idx.msk [tilespmem:v9+s29+$0x0], $0xffff  }
0x18a: {  	s9 =	sand.u32 $0xFC0, s7;
	v6 =	vld.idx.msk [tilespmem:v15+s29+$0x0], $0xffff;
	[tilespmem:s5+$0xFFFFFFD0] =	vst v11  }
0x18b: {  	v11 =	vshrl.u32 v4, $0x10;
	v4 =	vld [tilespmem:s9+$0x1400];
	[tilespmem:s5+$0xFFFFFFF0] =	vst v10  }
0x18c: {  	s8 =	sadd.s32 $0x40, s8;
	v10 =	vshrl.u32 v1, $0x10;
	v1 =	vmov v12;
	v8 =	vld.idx.msk [tilespmem:v8+s29+$0x0], $0xffff;
	[tilespmem:s5+$0x10] =	vst v13  }
0x18d: {  	v12 =	vld [tilespmem:s6+$0x0];
	_ =	sdelay $0x1  }
0x18e: {  	s10 =	sadd.s32 $0x80, s5;
	v14 =	vand.u32 $0xFFFF, v1  }
0x18f: {  	[tilespmem:s10+$0xFFFFFFC0] =	vst v9;
	v9 =	vand.u32 $0xFFFF, v2  }
0x190: {  	v13 =	vand.u32 $0xFFFF, v4  }
0x191: {  	[tilespmem:s10+$0xFFFFFFE0] =	vst v5;
	v11 =	vld.idx.msk [tilespmem:v11+s29+$0x0], $0xffff;
	v5 =	vand.u32 $0xFFFF, v12  }
0x192: {  	v0 =	vshrl.u32 v0, $0x10;
	v10 =	vld.idx.msk [tilespmem:v10+s29+$0x0], $0xffff  }
0x193: {  	v3 =	vshrl.u32 v3, $0x10;
	[tilespmem:s10+$0x0] =	vst v6;
	v6 =	vld.idx.msk [tilespmem:v14+s29+$0x0], $0xffff  }
0x194: {  	v1 =	vshrl.u32 v1, $0x10;
	[tilespmem:s10+$0x20] =	vst v8;
	v8 =	vld.idx.msk [tilespmem:v9+s29+$0x0], $0xffff  }
0x195: {  	[tilespmem:s5+$0x30] =	vst v7;
	v2 =	vshrl.u32 v2, $0x10;
	v7 =	vld.idx.msk [tilespmem:v13+s29+$0x0], $0xffff  }
0x196: {  	v4 =	vshrl.u32 v4, $0x10;
	[tilespmem:s10+$0xFFFFFFD0] =	vst v11;
	v5 =	vld.idx.msk [tilespmem:v5+s29+$0x0], $0xffff  }
0x197: {  	s11 =	sadd.s32 $0x80, s10;
	v0 =	vld.idx.msk [tilespmem:v0+s29+$0x0], $0xffff;
	v9 =	vshrl.u32 v12, $0x10;
	[tilespmem:s10+$0xFFFFFFF0] =	vst v10  }
0x198: {  	v3 =	vld.idx.msk [tilespmem:v3+s29+$0x0], $0xffff;
	[tilespmem:s11+$0xFFFFFFE0] =	vst v6  }
0x199: {  	v1 =	vld.idx.msk [tilespmem:v1+s29+$0x0], $0xffff;
	[tilespmem:s11+$0x0] =	vst v8  }
0x19a: {  	v2 =	vld.idx.msk [tilespmem:v2+s29+$0x0], $0xffff;
	[tilespmem:s11+$0xFFFFFFC0] =	vst v7  }
0x19b: {  	v4 =	vld.idx.msk [tilespmem:v4+s29+$0x0], $0xffff;
	[tilespmem:s11+$0x20] =	vst v5  }
0x19c: {  	[tilespmem:s10+$0x10] =	vst v0;
	v0 =	vld.idx.msk [tilespmem:v9+s29+$0x0], $0xffff  }
0x19d: {  	[tilespmem:s10+$0x30] =	vst v3  }
0x19e: {  	[tilespmem:s11+$0xFFFFFFF0] =	vst v1  }
0x19f: {  	[tilespmem:s11+$0x10] =	vst v2  }
0x1a0: {  	[tilespmem:s11+$0xFFFFFFD0] =	vst v4  }
0x1a1: {  	[tilespmem:s11+$0x30] =	vst v0  }
0x1a2: {  	s5 =	rddreg [dreg:$0xd]  }
0x1a3: {  	[hbm4b:s5+s25] =	stream.strided.scatter [tilespmem:s1], [sflag:$0x5], $0x2000, s26, s25, $0x38;
	[tilespmem:$0x18400] =	vst v63  }
0x1a4: {  	_ =	swait.ge [sflag:s2], $0x2000  }
0x1a5: {  	s13 =	simm.s32 $0x0;
	[sflag:s2] =	ssyncset.done $0x0  }
0x1a6: {  	s6 =	sand.u32 $0xFC0, s13;
	[sflag:s2] =	ssyncadd.s32 $0xFFFFE000  }
0x1a7: {  	s12 =	simm.s32 $0x2430;
	v2 =	vld [tilespmem:s6+$0x2400]  }
0x1a8: {  	v1 =	vld [tilespmem:s12+$0xFFFFFFE0];
	_ =	sdelay $0x1  }
0x1a9: {  	v3 =	vld [tilespmem:s12+$0xFFFFFFF0]  }
0x1aa: {  	v4 =	vld [tilespmem:s12+$0x0]  }
0x1ab: {  	s7 =	simm.s32 $0x2470;
	v6 =	vand.u32 $0xFFFF, v2  }
0x1ac: {  	s14 =	simm.s32 $0x40;
	v8 =	vld [tilespmem:s7+$0xFFFFFFE0];
	v5 =	vand.u32 $0xFFFF, v1  }
0x1ad: {  	s5 =	sand.u32 $0xFC0, s14;
	v0 =	vld [tilespmem:s7+$0xFFFFFFF0]  }
0x1ae: {  	v10 =	vld [tilespmem:s5+$0x2400];
	s6 =	simm.s32 $0x24B0;
	v7 =	vand.u32 $0xFFFF, v3  }
0x1af: {  	v9 =	vand.u32 $0xFFFF, v4;
	v61 =	vshrl.u32 v1, $0x10;
	v1 =	vld [tilespmem:s6+$0xFFFFFFE0]  }
0x1b0: {  	v6 =	vld.idx.msk [tilespmem:v6+s29+$0x0], $0xffff  }
0x1b1: {  	v63 =	vand.u32 $0xFFFF, v8;
	v5 =	vld.idx.msk [tilespmem:v5+s29+$0x0], $0xffff  }
0x1b2: {  	v11 =	vshrl.u32 v2, $0x10;
	v62 =	vshrl.u32 v3, $0x10;
	v3 =	vld [tilespmem:s7+$0x0]  }
0x1b3: {  	v7 =	vld.idx.msk [tilespmem:v7+s29+$0x0], $0xffff  }
0x1b4: {  	s5 =	simm.s32 $0x14440;
	v9 =	vld.idx.msk [tilespmem:v9+s29+$0x0], $0xffff  }
0x1b5: {  	v4 =	vshrl.u32 v4, $0x10;
	v2 =	vld [tilespmem:s6+$0xFFFFFFF0];
	[tilespmem:s5+$0xFFFFFFC0] =	vst v6  }
0x1b6: {  	[tilespmem:s5+$0xFFFFFFE0] =	vst v5;
	v5 =	vld.idx.msk [tilespmem:v63+s29+$0x0], $0xffff  }
0x1b7: {  	v6 =	vand.u32 $0xFFFF, v10;
	v11 =	vld.idx.msk [tilespmem:v11+s29+$0x0], $0xffff  }
0x1b8: {  	v15 =	vand.u32 $0xFFFF, v0;
	[tilespmem:s5+$0x0] =	vst v7;
	v12 =	vld.idx.msk [tilespmem:v61+s29+$0x0], $0xffff  }
0x1b9: {  	s7 =	simm.s32 $0x80;
	v16 =	vand.u32 $0xFFFF, v3;
	[tilespmem:s5+$0x20] =	vst v9;
	v13 =	vld.idx.msk [tilespmem:v62+s29+$0x0], $0xffff  }
0x1ba: {  	s8 =	sand.u32 $0xFC0, s7;
	v7 =	vld.idx.msk [tilespmem:v4+s29+$0x0], $0xffff  }
0x1bb: {  	v4 =	vld [tilespmem:s8+$0x2400]  }
0x1bc: {  	v9 =	vld.idx.msk [tilespmem:v6+s29+$0x0], $0xffff;
	[tilespmem:s5+$0xFFFFFFD0] =	vst v11  }
0x1bd: {  	v6 =	vld.idx.msk [tilespmem:v15+s29+$0x0], $0xffff;
	[tilespmem:s5+$0xFFFFFFF0] =	vst v12;
	v11 =	vshrl.u32 v10, $0x10  }
0x1be: {  	s8 =	simm.s32 $0x24F0;
	v10 =	vshrl.u32 v8, $0x10;
	v8 =	vld.idx.msk [tilespmem:v16+s29+$0x0], $0xffff;
	[tilespmem:s5+$0x10] =	vst v13  }
.LBB2_14:
0x1bf: {  	v12 =	vld [tilespmem:s8+$0xFFFFFFE0];
	v13 =	vshrl.u32 v0, $0x10;
	[tilespmem:s5+$0x30] =	vst v7;
	v0 =	vmov v2  }
0x1c0: {  	v7 =	vshrl.u32 v3, $0x10;
	s5 =	sadd.s32 $0x80, s5;
	v3 =	vld [tilespmem:s6+$0x0];
	s6 =	smov.u32 s8  }
0x1c1: {  	v14 =	vand.u32 $0xFFFF, v1;
	v2 =	vld [tilespmem:s8+$0xFFFFFFF0];
	[tilespmem:s5+$0xFFFFFFC0] =	vst v9  }
0x1c2: {  	v9 =	vand.u32 $0xFFFF, v4;
	v11 =	vld.idx.msk [tilespmem:v11+s29+$0x0], $0xffff;
	[tilespmem:s5+$0xFFFFFFE0] =	vst v5  }
0x1c3: {  	v15 =	vand.u32 $0xFFFF, v0;
	v10 =	vld.idx.msk [tilespmem:v10+s29+$0x0], $0xffff;
	[tilespmem:s5+$0x0] =	vst v6  }
0x1c4: {  	s7 =	sadd.s32 $0x40, s7;
	v13 =	vld.idx.msk [tilespmem:v13+s29+$0x0], $0xffff;
	[tilespmem:s5+$0x20] =	vst v8  }
0x1c5: {  	p1 =	slt.u32 s7, $0xFC0;
	v8 =	vand.u32 $0xFFFF, v3;
	v7 =	vld.idx.msk [tilespmem:v7+s29+$0x0], $0xffff  }
.Ltmp6:
0x1c6: {  	v5 =	vld.idx.msk [tilespmem:v14+s29+$0x0], $0xffff;
	(pc) =	sbr.rel @p1 .LBB2_14-.Ltmp6, $4  }
0x1c7: {  	v9 =	vld.idx.msk [tilespmem:v9+s29+$0x0], $0xffff  }
0x1c8: {  	s9 =	sand.u32 $0xFC0, s7;
	v6 =	vld.idx.msk [tilespmem:v15+s29+$0x0], $0xffff;
	[tilespmem:s5+$0xFFFFFFD0] =	vst v11  }
0x1c9: {  	v11 =	vshrl.u32 v4, $0x10;
	v4 =	vld [tilespmem:s9+$0x2400];
	[tilespmem:s5+$0xFFFFFFF0] =	vst v10  }
0x1ca: {  	s8 =	sadd.s32 $0x40, s8;
	v10 =	vshrl.u32 v1, $0x10;
	v1 =	vmov v12;
	v8 =	vld.idx.msk [tilespmem:v8+s29+$0x0], $0xffff;
	[tilespmem:s5+$0x10] =	vst v13  }
0x1cb: {  	v12 =	vld [tilespmem:s6+$0x0];
	_ =	sdelay $0x1  }
0x1cc: {  	s10 =	sadd.s32 $0x80, s5;
	v14 =	vand.u32 $0xFFFF, v1  }
0x1cd: {  	[tilespmem:s10+$0xFFFFFFC0] =	vst v9;
	v9 =	vand.u32 $0xFFFF, v2  }
0x1ce: {  	v13 =	vand.u32 $0xFFFF, v4  }
0x1cf: {  	[tilespmem:s10+$0xFFFFFFE0] =	vst v5;
	v11 =	vld.idx.msk [tilespmem:v11+s29+$0x0], $0xffff;
	v5 =	vand.u32 $0xFFFF, v12  }
0x1d0: {  	v0 =	vshrl.u32 v0, $0x10;
	v10 =	vld.idx.msk [tilespmem:v10+s29+$0x0], $0xffff  }
0x1d1: {  	v3 =	vshrl.u32 v3, $0x10;
	[tilespmem:s10+$0x0] =	vst v6;
	v6 =	vld.idx.msk [tilespmem:v14+s29+$0x0], $0xffff  }
0x1d2: {  	v1 =	vshrl.u32 v1, $0x10;
	[tilespmem:s10+$0x20] =	vst v8;
	v8 =	vld.idx.msk [tilespmem:v9+s29+$0x0], $0xffff  }
0x1d3: {  	[tilespmem:s5+$0x30] =	vst v7;
	v2 =	vshrl.u32 v2, $0x10;
	v7 =	vld.idx.msk [tilespmem:v13+s29+$0x0], $0xffff  }
0x1d4: {  	v4 =	vshrl.u32 v4, $0x10;
	[tilespmem:s10+$0xFFFFFFD0] =	vst v11;
	v5 =	vld.idx.msk [tilespmem:v5+s29+$0x0], $0xffff  }
0x1d5: {  	s11 =	sadd.s32 $0x80, s10;
	v0 =	vld.idx.msk [tilespmem:v0+s29+$0x0], $0xffff;
	v9 =	vshrl.u32 v12, $0x10;
	[tilespmem:s10+$0xFFFFFFF0] =	vst v10  }
0x1d6: {  	v3 =	vld.idx.msk [tilespmem:v3+s29+$0x0], $0xffff;
	[tilespmem:s11+$0xFFFFFFE0] =	vst v6  }
0x1d7: {  	v1 =	vld.idx.msk [tilespmem:v1+s29+$0x0], $0xffff;
	[tilespmem:s11+$0x0] =	vst v8  }
0x1d8: {  	v2 =	vld.idx.msk [tilespmem:v2+s29+$0x0], $0xffff;
	[tilespmem:s11+$0xFFFFFFC0] =	vst v7  }
0x1d9: {  	v4 =	vld.idx.msk [tilespmem:v4+s29+$0x0], $0xffff;
	[tilespmem:s11+$0x20] =	vst v5  }
0x1da: {  	[tilespmem:s10+$0x10] =	vst v0;
	v0 =	vld.idx.msk [tilespmem:v9+s29+$0x0], $0xffff  }
0x1db: {  	[tilespmem:s10+$0x30] =	vst v3  }
0x1dc: {  	[tilespmem:s11+$0xFFFFFFF0] =	vst v1  }
0x1dd: {  	[tilespmem:s11+$0x10] =	vst v2  }
0x1de: {  	[tilespmem:s11+$0xFFFFFFD0] =	vst v4  }
0x1df: {  	[tilespmem:s11+$0x30] =	vst v0  }
0x1e0: {  	s5 =	rddreg [dreg:$0xe]  }
0x1e1: {  	[hbm4b:s5+s25] =	stream.strided.scatter [tilespmem:s0], [sflag:$0x4], $0x2000, s26, s25, $0x38;
	[tilespmem:$0x18400] =	vst v63  }
0x1e2: {  	_ =	swait.ge [sflag:s3], $0x2000  }
0x1e3: {  	s13 =	simm.s32 $0x0;
	[sflag:s3] =	ssyncset.done $0x0  }
0x1e4: {  	s6 =	sand.u32 $0xFC0, s13;
	[sflag:s3] =	ssyncadd.s32 $0xFFFFE000  }
0x1e5: {  	s12 =	simm.s32 $0x3430;
	v2 =	vld [tilespmem:s6+$0x3400]  }
0x1e6: {  	v1 =	vld [tilespmem:s12+$0xFFFFFFE0];
	_ =	sdelay $0x1  }
0x1e7: {  	v3 =	vld [tilespmem:s12+$0xFFFFFFF0]  }
0x1e8: {  	v4 =	vld [tilespmem:s12+$0x0]  }
0x1e9: {  	s7 =	simm.s32 $0x3470;
	v6 =	vand.u32 $0xFFFF, v2  }
0x1ea: {  	s14 =	simm.s32 $0x40;
	v8 =	vld [tilespmem:s7+$0xFFFFFFE0];
	v5 =	vand.u32 $0xFFFF, v1  }
0x1eb: {  	s5 =	sand.u32 $0xFC0, s14;
	v0 =	vld [tilespmem:s7+$0xFFFFFFF0]  }
0x1ec: {  	v10 =	vld [tilespmem:s5+$0x3400];
	s6 =	simm.s32 $0x34B0;
	v7 =	vand.u32 $0xFFFF, v3  }
0x1ed: {  	v9 =	vand.u32 $0xFFFF, v4;
	v61 =	vshrl.u32 v1, $0x10;
	v1 =	vld [tilespmem:s6+$0xFFFFFFE0]  }
0x1ee: {  	v6 =	vld.idx.msk [tilespmem:v6+s29+$0x0], $0xffff  }
0x1ef: {  	v63 =	vand.u32 $0xFFFF, v8;
	v5 =	vld.idx.msk [tilespmem:v5+s29+$0x0], $0xffff  }
0x1f0: {  	v11 =	vshrl.u32 v2, $0x10;
	v62 =	vshrl.u32 v3, $0x10;
	v3 =	vld [tilespmem:s7+$0x0]  }
0x1f1: {  	v7 =	vld.idx.msk [tilespmem:v7+s29+$0x0], $0xffff  }
0x1f2: {  	s5 =	simm.s32 $0x16440;
	v9 =	vld.idx.msk [tilespmem:v9+s29+$0x0], $0xffff  }
0x1f3: {  	v4 =	vshrl.u32 v4, $0x10;
	v2 =	vld [tilespmem:s6+$0xFFFFFFF0];
	[tilespmem:s5+$0xFFFFFFC0] =	vst v6  }
0x1f4: {  	[tilespmem:s5+$0xFFFFFFE0] =	vst v5;
	v5 =	vld.idx.msk [tilespmem:v63+s29+$0x0], $0xffff  }
0x1f5: {  	v6 =	vand.u32 $0xFFFF, v10;
	v11 =	vld.idx.msk [tilespmem:v11+s29+$0x0], $0xffff  }
0x1f6: {  	v15 =	vand.u32 $0xFFFF, v0;
	[tilespmem:s5+$0x0] =	vst v7;
	v12 =	vld.idx.msk [tilespmem:v61+s29+$0x0], $0xffff  }
0x1f7: {  	s7 =	simm.s32 $0x80;
	v16 =	vand.u32 $0xFFFF, v3;
	[tilespmem:s5+$0x20] =	vst v9;
	v13 =	vld.idx.msk [tilespmem:v62+s29+$0x0], $0xffff  }
0x1f8: {  	s8 =	sand.u32 $0xFC0, s7;
	v7 =	vld.idx.msk [tilespmem:v4+s29+$0x0], $0xffff  }
0x1f9: {  	v4 =	vld [tilespmem:s8+$0x3400]  }
0x1fa: {  	v9 =	vld.idx.msk [tilespmem:v6+s29+$0x0], $0xffff;
	[tilespmem:s5+$0xFFFFFFD0] =	vst v11  }
0x1fb: {  	v6 =	vld.idx.msk [tilespmem:v15+s29+$0x0], $0xffff;
	[tilespmem:s5+$0xFFFFFFF0] =	vst v12;
	v11 =	vshrl.u32 v10, $0x10  }
0x1fc: {  	s8 =	simm.s32 $0x34F0;
	v10 =	vshrl.u32 v8, $0x10;
	v8 =	vld.idx.msk [tilespmem:v16+s29+$0x0], $0xffff;
	[tilespmem:s5+$0x10] =	vst v13  }
.LBB2_16:
0x1fd: {  	v12 =	vld [tilespmem:s8+$0xFFFFFFE0];
	v13 =	vshrl.u32 v0, $0x10;
	[tilespmem:s5+$0x30] =	vst v7;
	v0 =	vmov v2  }
0x1fe: {  	v7 =	vshrl.u32 v3, $0x10;
	s5 =	sadd.s32 $0x80, s5;
	v3 =	vld [tilespmem:s6+$0x0];
	s6 =	smov.u32 s8  }
0x1ff: {  	v14 =	vand.u32 $0xFFFF, v1;
	v2 =	vld [tilespmem:s8+$0xFFFFFFF0];
	[tilespmem:s5+$0xFFFFFFC0] =	vst v9  }
0x200: {  	v9 =	vand.u32 $0xFFFF, v4;
	v11 =	vld.idx.msk [tilespmem:v11+s29+$0x0], $0xffff;
	[tilespmem:s5+$0xFFFFFFE0] =	vst v5  }
0x201: {  	v15 =	vand.u32 $0xFFFF, v0;
	v10 =	vld.idx.msk [tilespmem:v10+s29+$0x0], $0xffff;
	[tilespmem:s5+$0x0] =	vst v6  }
0x202: {  	s7 =	sadd.s32 $0x40, s7;
	v13 =	vld.idx.msk [tilespmem:v13+s29+$0x0], $0xffff;
	[tilespmem:s5+$0x20] =	vst v8  }
0x203: {  	p1 =	slt.u32 s7, $0xFC0;
	v8 =	vand.u32 $0xFFFF, v3;
	v7 =	vld.idx.msk [tilespmem:v7+s29+$0x0], $0xffff  }
.Ltmp7:
0x204: {  	v5 =	vld.idx.msk [tilespmem:v14+s29+$0x0], $0xffff;
	(pc) =	sbr.rel @p1 .LBB2_16-.Ltmp7, $4  }
0x205: {  	v9 =	vld.idx.msk [tilespmem:v9+s29+$0x0], $0xffff  }
0x206: {  	s9 =	sand.u32 $0xFC0, s7;
	v6 =	vld.idx.msk [tilespmem:v15+s29+$0x0], $0xffff;
	[tilespmem:s5+$0xFFFFFFD0] =	vst v11  }
0x207: {  	v11 =	vshrl.u32 v4, $0x10;
	v4 =	vld [tilespmem:s9+$0x3400];
	[tilespmem:s5+$0xFFFFFFF0] =	vst v10  }
0x208: {  	s8 =	sadd.s32 $0x40, s8;
	v10 =	vshrl.u32 v1, $0x10;
	v1 =	vmov v12;
	v8 =	vld.idx.msk [tilespmem:v8+s29+$0x0], $0xffff;
	[tilespmem:s5+$0x10] =	vst v13  }
0x209: {  	v12 =	vld [tilespmem:s6+$0x0];
	_ =	sdelay $0x1  }
0x20a: {  	s8 =	sadd.s32 $0x80, s5;
	v14 =	vand.u32 $0xFFFF, v1  }
0x20b: {  	[tilespmem:s8+$0xFFFFFFC0] =	vst v9;
	v9 =	vand.u32 $0xFFFF, v2  }
0x20c: {  	v13 =	vand.u32 $0xFFFF, v4  }
0x20d: {  	[tilespmem:s8+$0xFFFFFFE0] =	vst v5;
	v11 =	vld.idx.msk [tilespmem:v11+s29+$0x0], $0xffff;
	v5 =	vand.u32 $0xFFFF, v12  }
0x20e: {  	v0 =	vshrl.u32 v0, $0x10;
	v10 =	vld.idx.msk [tilespmem:v10+s29+$0x0], $0xffff  }
0x20f: {  	v3 =	vshrl.u32 v3, $0x10;
	[tilespmem:s8+$0x0] =	vst v6;
	v6 =	vld.idx.msk [tilespmem:v14+s29+$0x0], $0xffff  }
0x210: {  	v1 =	vshrl.u32 v1, $0x10;
	[tilespmem:s8+$0x20] =	vst v8;
	v8 =	vld.idx.msk [tilespmem:v9+s29+$0x0], $0xffff  }
0x211: {  	[tilespmem:s5+$0x30] =	vst v7;
	v2 =	vshrl.u32 v2, $0x10;
	v7 =	vld.idx.msk [tilespmem:v13+s29+$0x0], $0xffff  }
0x212: {  	v4 =	vshrl.u32 v4, $0x10;
	[tilespmem:s8+$0xFFFFFFD0] =	vst v11;
	v5 =	vld.idx.msk [tilespmem:v5+s29+$0x0], $0xffff  }
0x213: {  	s9 =	sadd.s32 $0x80, s8;
	v0 =	vld.idx.msk [tilespmem:v0+s29+$0x0], $0xffff;
	v9 =	vshrl.u32 v12, $0x10;
	[tilespmem:s8+$0xFFFFFFF0] =	vst v10  }
0x214: {  	v3 =	vld.idx.msk [tilespmem:v3+s29+$0x0], $0xffff;
	[tilespmem:s9+$0xFFFFFFE0] =	vst v6  }
0x215: {  	v1 =	vld.idx.msk [tilespmem:v1+s29+$0x0], $0xffff;
	[tilespmem:s9+$0x0] =	vst v8  }
0x216: {  	v2 =	vld.idx.msk [tilespmem:v2+s29+$0x0], $0xffff;
	[tilespmem:s9+$0xFFFFFFC0] =	vst v7  }
0x217: {  	v4 =	vld.idx.msk [tilespmem:v4+s29+$0x0], $0xffff;
	[tilespmem:s9+$0x20] =	vst v5  }
0x218: {  	[tilespmem:s8+$0x10] =	vst v0;
	v0 =	vld.idx.msk [tilespmem:v9+s29+$0x0], $0xffff  }
0x219: {  	[tilespmem:s8+$0x30] =	vst v3  }
0x21a: {  	[tilespmem:s9+$0xFFFFFFF0] =	vst v1  }
0x21b: {  	[tilespmem:s9+$0x10] =	vst v2  }
0x21c: {  	[tilespmem:s9+$0xFFFFFFD0] =	vst v4  }
0x21d: {  	[tilespmem:s9+$0x30] =	vst v0  }
0x21e: {  	s5 =	rddreg [dreg:$0xf]  }
0x21f: {  	[hbm4b:s5+s25] =	stream.strided.scatter [tilespmem:s1], [sflag:$0x5], $0x2000, s26, s25, $0x38;
	[tilespmem:$0x18400] =	vst v63  }
0x220: {  	s10 =	rddreg [dreg:$0x10]  }
0x221: {  	[tilespmem:s29], [sflag:$0x3] =	stream.strided.gather [hbm4b:s10+s25], $0x8000, s26, s25, $0x38;
	[tilespmem:$0x18400] =	vst v63  }
0x222: {  	_ =	swait.ge [sflag:s31], $0x8000  }
0x223: {  	[sflag:s31] =	ssyncset.done $0x0  }
0x224: {  	[sflag:s31] =	ssyncadd.s32 $0xFFFF8000  }
0x225: {  	_ =	swait.ge [sflag:s2], $0x2000  }
0x226: {  	[sflag:s2] =	ssyncset.done $0x0  }
0x227: {  	s11 =	simm.s32 $0x420;
	[sflag:s2] =	ssyncadd.s32 $0xFFFFE000  }
0x228: {  	v1 =	vld [tilespmem:s11+$0xFFFFFFF0]  }
0x229: {  	v0 =	vld [tilespmem:s11+$0x10];
	_ =	sdelay $0x2  }
0x22a: {  	v3 =	vld [tilespmem:s11+$0xFFFFFFE0]  }
0x22b: {  	s12 =	simm.s32 $0x460;
	v4 =	vld [tilespmem:s11+$0x0];
	v5 =	vand.u32 $0xFFFF, v1  }
0x22c: {  	v6 =	vld [tilespmem:s12+$0x10];
	v2 =	vand.u32 $0xFFFF, v0  }
0x22d: {  	v8 =	vld [tilespmem:s12+$0xFFFFFFF0]  }
0x22e: {  	v10 =	vld [tilespmem:s12+$0x0]  }
0x22f: {  	v11 =	vld [tilespmem:s12+$0xFFFFFFE0];
	v7 =	vand.u32 $0xFFFF, v3  }
0x230: {  	v9 =	vand.u32 $0xFFFF, v4;
	v5 =	vld.idx.msk [tilespmem:v5+s28+$0x0], $0xffff  }
0x231: {  	s13 =	simm.s32 $0x4A0;
	v12 =	vand.u32 $0xFFFF, v6;
	v2 =	vld.idx.msk [tilespmem:v2+s28+$0x0], $0xffff  }
0x232: {  	v15 =	vld [tilespmem:s13+$0xFFFFFFF0];
	v0 =	vshrl.u32 v0, $0x10  }
0x233: {  	v16 =	vld [tilespmem:s13+$0x0]  }
0x234: {  	s5 =	simm.s32 $0x14440;
	v7 =	vld.idx.msk [tilespmem:v7+s28+$0x0], $0xffff  }
0x235: {  	v14 =	vand.u32 $0xFFFF, v10;
	[tilespmem:s5+$0xFFFFFFE0] =	vst v5;
	v5 =	vld.idx.msk [tilespmem:v9+s28+$0x0], $0xffff  }
0x236: {  	[tilespmem:s5+$0x20] =	vst v2;
	v2 =	vand.u32 $0xFFFF, v8;
	v9 =	vld.idx.msk [tilespmem:v12+s28+$0x0], $0xffff  }
0x237: {  	v1 =	vshrl.u32 v1, $0x10;
	v13 =	vld.idx.msk [tilespmem:v0+s28+$0x0], $0xffff  }
0x238: {  	v12 =	vand.u32 $0xFFFF, v11;
	v0 =	vld [tilespmem:s13+$0x10]  }
0x239: {  	v18 =	vld [tilespmem:s13+$0xFFFFFFE0];
	v6 =	vshrl.u32 v6, $0x10  }
0x23a: {  	v3 =	vshrl.u32 v3, $0x10;
	[tilespmem:s5+$0xFFFFFFC0] =	vst v7;
	v7 =	vld.idx.msk [tilespmem:v14+s28+$0x0], $0xffff  }
0x23b: {  	v4 =	vshrl.u32 v4, $0x10;
	v2 =	vld.idx.msk [tilespmem:v2+s28+$0x0], $0xffff  }
0x23c: {  	s6 =	simm.s32 $0x144C0;
	s7 =	simm.s32 $0x60;
	v17 =	vshrl.u32 v8, $0x10;
	v1 =	vld.idx.msk [tilespmem:v1+s28+$0x0], $0xffff  }
0x23d: {  	s7 =	sor.u32 $0x70, s7;
	[tilespmem:s6+$0x20] =	vst v9;
	v19 =	vld.idx.msk [tilespmem:v12+s28+$0x0], $0xffff;
	v12 =	vand.u32 $0xFFFF, v0  }
0x23e: {  	v20 =	vld.idx.msk [tilespmem:v6+s28+$0x0], $0xffff;
	[tilespmem:s7+$0x14400] =	vst v13;
	v13 =	vand.u32 $0xFFFF, v15  }
0x23f: {  	s14 =	simm.s32 $0x20;
	v8 =	vld.idx.msk [tilespmem:v3+s28+$0x0], $0xffff;
	[tilespmem:s5+$0x0] =	vst v5  }
0x240: {  	s8 =	simm.s32 $0x40;
	s10 =	sor.u32 $0x30, s14;
	[tilespmem:s6+$0xFFFFFFE0] =	vst v2;
	v2 =	vshrl.u32 v10, $0x10;
	v10 =	vld.idx.msk [tilespmem:v4+s28+$0x0], $0xffff  }
0x241: {  	s9 =	simm.s32 $0x80;
	s7 =	sor.u32 $0x50, s8;
	[tilespmem:s10+$0x14400] =	vst v1;
	s8 =	simm.s32 $0xE0;
	v9 =	vld.idx.msk [tilespmem:v17+s28+$0x0], $0xffff  }
0x242: {  	s11 =	simm.s32 $0xA0;
	v3 =	vshrl.u32 v15, $0x10;
	s13 =	simm.s32 $0xC0;
	v5 =	vshrl.u32 v18, $0x10;
	v1 =	vshrl.u32 v16, $0x10;
	s14 =	sor.u32 $0x70, s8;
	[tilespmem:s6+$0xFFFFFFC0] =	vst v19;
	v12 =	vld.idx.msk [tilespmem:v12+s28+$0x0], $0xffff  }
0x243: {  	s12 =	sor.u32 $0x30, s11;
	s11 =	sor.u32 $0x50, s13;
	v6 =	vand.u32 $0xFFFF, v16;
	s10 =	simm.s32 $0x4E0;
	v4 =	vshrl.u32 v11, $0x10;
	v11 =	vand.u32 $0xFFFF, v18;
	v13 =	vld.idx.msk [tilespmem:v13+s28+$0x0], $0xffff;
	[tilespmem:s14+$0x14400] =	vst v20  }
.LBB2_18:
0x244: {  	s9 =	sadd.s32 $0x40, s9;
	v14 =	vshrl.u32 v0, $0x10;
	v0 =	vld [tilespmem:s10+$0x10];
	[tilespmem:s6+$0x0] =	vst v7  }
0x245: {  	v7 =	vld [tilespmem:s10+$0xFFFFFFF0];
	p1 =	slt.u32 s9, $0xFC0;
	[tilespmem:s5+$0xFFFFFFD0] =	vst v8;
	s5 =	smov.u32 s6  }
0x246: {  	v8 =	vld [tilespmem:s10+$0x0];
	[tilespmem:s12+$0x14400] =	vst v9  }
0x247: {  	s6 =	sadd.s32 $0x80, s6;
	v9 =	vld [tilespmem:s10+$0xFFFFFFE0];
	[tilespmem:s7+$0x14400] =	vst v10;
	s7 =	smov.u32 s11  }
0x248: {  	v15 =	vld.idx.msk [tilespmem:v11+s28+$0x0], $0xffff;
	[tilespmem:s6+$0x20] =	vst v12  }
0x249: {  	v12 =	vand.u32 $0xFFFF, v0;
	[tilespmem:s6+$0xFFFFFFE0] =	vst v13;
	v14 =	vld.idx.msk [tilespmem:v14+s28+$0x0], $0xffff  }
0x24a: {  	v10 =	vshrl.u32 v7, $0x10;
	v13 =	vand.u32 $0xFFFF, v7;
	v7 =	vld.idx.msk [tilespmem:v6+s28+$0x0], $0xffff  }
.Ltmp8:
0x24b: {  	v16 =	vshrl.u32 v8, $0x10;
	v6 =	vand.u32 $0xFFFF, v8;
	v8 =	vld.idx.msk [tilespmem:v4+s28+$0x0], $0xffff;
	v4 =	vmov v5;
	(pc) =	sbr.rel @p1 .LBB2_18-.Ltmp8, $4  }
0x24c: {  	v5 =	vshrl.u32 v9, $0x10;
	v11 =	vand.u32 $0xFFFF, v9;
	v9 =	vld.idx.msk [tilespmem:v3+s28+$0x0], $0xffff;
	v3 =	vmov v10  }
0x24d: {  	s8 =	sadd.s32 $0x80, s8;
	v10 =	vld.idx.msk [tilespmem:v2+s28+$0x0], $0xffff;
	v2 =	vmov v1;
	v1 =	vmov v16  }
0x24e: {  	s13 =	sadd.s32 $0xFFFFFFE0, s8;
	s14 =	sor.u32 $0x70, s8;
	s11 =	sadd.s32 $0xFFFFFFC0, s8;
	v12 =	vld.idx.msk [tilespmem:v12+s28+$0x0], $0xffff;
	[tilespmem:s6+$0xFFFFFFC0] =	vst v15  }
0x24f: {  	s10 =	sadd.s32 $0x40, s10;
	s12 =	sor.u32 $0x30, s11;
	s11 =	sor.u32 $0x50, s13;
	v13 =	vld.idx.msk [tilespmem:v13+s28+$0x0], $0xffff;
	[tilespmem:s14+$0x14400] =	vst v14  }
0x250: {  	_ = 	snop  }
0x251: {  	v0 =	vshrl.u32 v0, $0x10;
	_ =	sdelay $0x1  }
0x252: {  	[tilespmem:s6+$0x0] =	vst v7  }
0x253: {  	[tilespmem:s5+$0xFFFFFFD0] =	vst v8;
	s10 =	sadd.s32 $0x80, s6;
	v7 =	vld.idx.msk [tilespmem:v11+s28+$0x0], $0xffff  }
0x254: {  	v6 =	vld.idx.msk [tilespmem:v6+s28+$0x0], $0xffff;
	[tilespmem:s10+$0x20] =	vst v12  }
0x255: {  	[tilespmem:s12+$0x14400] =	vst v9;
	v0 =	vld.idx.msk [tilespmem:v0+s28+$0x0], $0xffff  }
0x256: {  	v4 =	vld.idx.msk [tilespmem:v4+s28+$0x0], $0xffff;
	[tilespmem:s7+$0x14400] =	vst v10  }
0x257: {  	v2 =	vld.idx.msk [tilespmem:v2+s28+$0x0], $0xffff;
	[tilespmem:s10+$0xFFFFFFE0] =	vst v13  }
0x258: {  	s13 =	sadd.s32 $0x80, s8;
	v3 =	vld.idx.msk [tilespmem:v3+s28+$0x0], $0xffff;
	[tilespmem:s10+$0xFFFFFFC0] =	vst v7  }
0x259: {  	s8 =	sor.u32 $0x70, s13;
	[tilespmem:s10+$0x0] =	vst v6;
	v5 =	vld.idx.msk [tilespmem:v5+s28+$0x0], $0xffff  }
0x25a: {  	[tilespmem:s8+$0x14400] =	vst v0;
	v0 =	vld.idx.msk [tilespmem:v1+s28+$0x0], $0xffff  }
0x25b: {  	s9 =	sadd.s32 $0xFFFFFFC0, s13;
	[tilespmem:s6+$0xFFFFFFD0] =	vst v4  }
0x25c: {  	s14 =	sor.u32 $0x30, s9;
	[tilespmem:s11+$0x14400] =	vst v2  }
0x25d: {  	s9 =	sadd.s32 $0xFFFFFFE0, s13;
	[tilespmem:s14+$0x14400] =	vst v3  }
0x25e: {  	s6 =	sor.u32 $0x50, s9;
	[tilespmem:s10+$0xFFFFFFD0] =	vst v5  }
0x25f: {  	[tilespmem:s6+$0x14400] =	vst v0  }
0x260: {  	s5 =	rddreg [dreg:$0x11]  }
0x261: {  	[hbm4b:s5+s25] =	stream.strided.scatter [tilespmem:s0], [sflag:$0x4], $0x2000, s26, s25, $0x38;
	[tilespmem:$0x18400] =	vst v63  }
0x262: {  	_ =	swait.ge [sflag:s3], $0x2000  }
0x263: {  	s11 =	simm.s32 $0x0;
	[sflag:s3] =	ssyncset.done $0x0  }
0x264: {  	s6 =	sand.u32 $0xFC0, s11;
	[sflag:s3] =	ssyncadd.s32 $0xFFFFE000  }
0x265: {  	s10 =	simm.s32 $0x1430;
	v2 =	vld [tilespmem:s6+$0x1400]  }
0x266: {  	v1 =	vld [tilespmem:s10+$0xFFFFFFE0];
	_ =	sdelay $0x1  }
0x267: {  	v3 =	vld [tilespmem:s10+$0xFFFFFFF0]  }
0x268: {  	v4 =	vld [tilespmem:s10+$0x0]  }
0x269: {  	s12 =	simm.s32 $0x1470;
	v6 =	vand.u32 $0xFFFF, v2  }
0x26a: {  	s13 =	simm.s32 $0x40;
	v8 =	vld [tilespmem:s12+$0xFFFFFFE0];
	v5 =	vand.u32 $0xFFFF, v1  }
0x26b: {  	s5 =	sand.u32 $0xFC0, s13;
	v0 =	vld [tilespmem:s12+$0xFFFFFFF0]  }
0x26c: {  	v10 =	vld [tilespmem:s5+$0x1400];
	s6 =	simm.s32 $0x14B0;
	v7 =	vand.u32 $0xFFFF, v3  }
0x26d: {  	v9 =	vand.u32 $0xFFFF, v4;
	v62 =	vshrl.u32 v1, $0x10;
	v1 =	vld [tilespmem:s6+$0xFFFFFFE0]  }
0x26e: {  	v6 =	vld.idx.msk [tilespmem:v6+s28+$0x0], $0xffff  }
0x26f: {  	v14 =	vand.u32 $0xFFFF, v8;
	v5 =	vld.idx.msk [tilespmem:v5+s28+$0x0], $0xffff  }
0x270: {  	v11 =	vshrl.u32 v2, $0x10;
	v63 =	vshrl.u32 v3, $0x10;
	v3 =	vld [tilespmem:s12+$0x0]  }
0x271: {  	v7 =	vld.idx.msk [tilespmem:v7+s28+$0x0], $0xffff  }
0x272: {  	s5 =	simm.s32 $0x16440;
	v9 =	vld.idx.msk [tilespmem:v9+s28+$0x0], $0xffff  }
0x273: {  	v4 =	vshrl.u32 v4, $0x10;
	v2 =	vld [tilespmem:s6+$0xFFFFFFF0];
	[tilespmem:s5+$0xFFFFFFC0] =	vst v6  }
0x274: {  	[tilespmem:s5+$0xFFFFFFE0] =	vst v5;
	v5 =	vld.idx.msk [tilespmem:v14+s28+$0x0], $0xffff  }
0x275: {  	v6 =	vand.u32 $0xFFFF, v10;
	v11 =	vld.idx.msk [tilespmem:v11+s28+$0x0], $0xffff  }
0x276: {  	v15 =	vand.u32 $0xFFFF, v0;
	[tilespmem:s5+$0x0] =	vst v7;
	v12 =	vld.idx.msk [tilespmem:v62+s28+$0x0], $0xffff  }
0x277: {  	s7 =	simm.s32 $0x80;
	v16 =	vand.u32 $0xFFFF, v3;
	[tilespmem:s5+$0x20] =	vst v9;
	v13 =	vld.idx.msk [tilespmem:v63+s28+$0x0], $0xffff  }
0x278: {  	s14 =	sand.u32 $0xFC0, s7;
	v7 =	vld.idx.msk [tilespmem:v4+s28+$0x0], $0xffff  }
0x279: {  	v4 =	vld [tilespmem:s14+$0x1400]  }
0x27a: {  	v9 =	vld.idx.msk [tilespmem:v6+s28+$0x0], $0xffff;
	[tilespmem:s5+$0xFFFFFFD0] =	vst v11  }
0x27b: {  	v6 =	vld.idx.msk [tilespmem:v15+s28+$0x0], $0xffff;
	[tilespmem:s5+$0xFFFFFFF0] =	vst v12;
	v11 =	vshrl.u32 v10, $0x10  }
0x27c: {  	s8 =	simm.s32 $0x14F0;
	v10 =	vshrl.u32 v8, $0x10;
	v8 =	vld.idx.msk [tilespmem:v16+s28+$0x0], $0xffff;
	[tilespmem:s5+$0x10] =	vst v13  }
.LBB2_20:
0x27d: {  	v12 =	vld [tilespmem:s8+$0xFFFFFFE0];
	v13 =	vshrl.u32 v0, $0x10;
	[tilespmem:s5+$0x30] =	vst v7;
	v0 =	vmov v2  }
0x27e: {  	v7 =	vshrl.u32 v3, $0x10;
	s5 =	sadd.s32 $0x80, s5;
	v3 =	vld [tilespmem:s6+$0x0];
	s6 =	smov.u32 s8  }
0x27f: {  	v14 =	vand.u32 $0xFFFF, v1;
	v2 =	vld [tilespmem:s8+$0xFFFFFFF0];
	[tilespmem:s5+$0xFFFFFFC0] =	vst v9  }
0x280: {  	v9 =	vand.u32 $0xFFFF, v4;
	v11 =	vld.idx.msk [tilespmem:v11+s28+$0x0], $0xffff;
	[tilespmem:s5+$0xFFFFFFE0] =	vst v5  }
0x281: {  	v15 =	vand.u32 $0xFFFF, v0;
	v10 =	vld.idx.msk [tilespmem:v10+s28+$0x0], $0xffff;
	[tilespmem:s5+$0x0] =	vst v6  }
0x282: {  	s7 =	sadd.s32 $0x40, s7;
	v13 =	vld.idx.msk [tilespmem:v13+s28+$0x0], $0xffff;
	[tilespmem:s5+$0x20] =	vst v8  }
0x283: {  	p1 =	slt.u32 s7, $0xFC0;
	v8 =	vand.u32 $0xFFFF, v3;
	v7 =	vld.idx.msk [tilespmem:v7+s28+$0x0], $0xffff  }
.Ltmp9:
0x284: {  	v5 =	vld.idx.msk [tilespmem:v14+s28+$0x0], $0xffff;
	(pc) =	sbr.rel @p1 .LBB2_20-.Ltmp9, $4  }
0x285: {  	v9 =	vld.idx.msk [tilespmem:v9+s28+$0x0], $0xffff  }
0x286: {  	s9 =	sand.u32 $0xFC0, s7;
	v6 =	vld.idx.msk [tilespmem:v15+s28+$0x0], $0xffff;
	[tilespmem:s5+$0xFFFFFFD0] =	vst v11  }
0x287: {  	v11 =	vshrl.u32 v4, $0x10;
	v4 =	vld [tilespmem:s9+$0x1400];
	[tilespmem:s5+$0xFFFFFFF0] =	vst v10  }
0x288: {  	s8 =	sadd.s32 $0x40, s8;
	v10 =	vshrl.u32 v1, $0x10;
	v1 =	vmov v12;
	v8 =	vld.idx.msk [tilespmem:v8+s28+$0x0], $0xffff;
	[tilespmem:s5+$0x10] =	vst v13  }
0x289: {  	v12 =	vld [tilespmem:s6+$0x0];
	_ =	sdelay $0x1  }
0x28a: {  	s10 =	sadd.s32 $0x80, s5;
	v14 =	vand.u32 $0xFFFF, v1  }
0x28b: {  	[tilespmem:s10+$0xFFFFFFC0] =	vst v9;
	v9 =	vand.u32 $0xFFFF, v2  }
0x28c: {  	v13 =	vand.u32 $0xFFFF, v4  }
0x28d: {  	[tilespmem:s10+$0xFFFFFFE0] =	vst v5;
	v11 =	vld.idx.msk [tilespmem:v11+s28+$0x0], $0xffff;
	v5 =	vand.u32 $0xFFFF, v12  }
0x28e: {  	v0 =	vshrl.u32 v0, $0x10;
	v10 =	vld.idx.msk [tilespmem:v10+s28+$0x0], $0xffff  }
0x28f: {  	v3 =	vshrl.u32 v3, $0x10;
	[tilespmem:s10+$0x0] =	vst v6;
	v6 =	vld.idx.msk [tilespmem:v14+s28+$0x0], $0xffff  }
0x290: {  	v1 =	vshrl.u32 v1, $0x10;
	[tilespmem:s10+$0x20] =	vst v8;
	v8 =	vld.idx.msk [tilespmem:v9+s28+$0x0], $0xffff  }
0x291: {  	[tilespmem:s5+$0x30] =	vst v7;
	v2 =	vshrl.u32 v2, $0x10;
	v7 =	vld.idx.msk [tilespmem:v13+s28+$0x0], $0xffff  }
0x292: {  	v4 =	vshrl.u32 v4, $0x10;
	[tilespmem:s10+$0xFFFFFFD0] =	vst v11;
	v5 =	vld.idx.msk [tilespmem:v5+s28+$0x0], $0xffff  }
0x293: {  	s11 =	sadd.s32 $0x80, s10;
	v0 =	vld.idx.msk [tilespmem:v0+s28+$0x0], $0xffff;
	v9 =	vshrl.u32 v12, $0x10;
	[tilespmem:s10+$0xFFFFFFF0] =	vst v10  }
0x294: {  	v3 =	vld.idx.msk [tilespmem:v3+s28+$0x0], $0xffff;
	[tilespmem:s11+$0xFFFFFFE0] =	vst v6  }
0x295: {  	v1 =	vld.idx.msk [tilespmem:v1+s28+$0x0], $0xffff;
	[tilespmem:s11+$0x0] =	vst v8  }
0x296: {  	v2 =	vld.idx.msk [tilespmem:v2+s28+$0x0], $0xffff;
	[tilespmem:s11+$0xFFFFFFC0] =	vst v7  }
0x297: {  	v4 =	vld.idx.msk [tilespmem:v4+s28+$0x0], $0xffff;
	[tilespmem:s11+$0x20] =	vst v5  }
0x298: {  	[tilespmem:s10+$0x10] =	vst v0;
	v0 =	vld.idx.msk [tilespmem:v9+s28+$0x0], $0xffff  }
0x299: {  	[tilespmem:s10+$0x30] =	vst v3  }
0x29a: {  	[tilespmem:s11+$0xFFFFFFF0] =	vst v1  }
0x29b: {  	[tilespmem:s11+$0x10] =	vst v2  }
0x29c: {  	[tilespmem:s11+$0xFFFFFFD0] =	vst v4  }
0x29d: {  	[tilespmem:s11+$0x30] =	vst v0  }
0x29e: {  	[hbm4b:s15+s25] =	stream.strided.scatter [tilespmem:s1], [sflag:$0x5], $0x2000, s26, s25, $0x38;
	[tilespmem:$0x18400] =	vst v63  }
0x29f: {  	_ =	swait.ge [sflag:s2], $0x2000  }
0x2a0: {  	s13 =	simm.s32 $0x0;
	[sflag:s2] =	ssyncset.done $0x0  }
0x2a1: {  	s6 =	sand.u32 $0xFC0, s13;
	[sflag:s2] =	ssyncadd.s32 $0xFFFFE000  }
0x2a2: {  	s12 =	simm.s32 $0x2430;
	v2 =	vld [tilespmem:s6+$0x2400]  }
0x2a3: {  	v1 =	vld [tilespmem:s12+$0xFFFFFFE0];
	_ =	sdelay $0x1  }
0x2a4: {  	v3 =	vld [tilespmem:s12+$0xFFFFFFF0]  }
0x2a5: {  	v4 =	vld [tilespmem:s12+$0x0]  }
0x2a6: {  	s7 =	simm.s32 $0x2470;
	v6 =	vand.u32 $0xFFFF, v2  }
0x2a7: {  	s14 =	simm.s32 $0x40;
	v8 =	vld [tilespmem:s7+$0xFFFFFFE0];
	v5 =	vand.u32 $0xFFFF, v1  }
0x2a8: {  	s5 =	sand.u32 $0xFC0, s14;
	v0 =	vld [tilespmem:s7+$0xFFFFFFF0]  }
0x2a9: {  	v10 =	vld [tilespmem:s5+$0x2400];
	s6 =	simm.s32 $0x24B0;
	v7 =	vand.u32 $0xFFFF, v3  }
0x2aa: {  	v9 =	vand.u32 $0xFFFF, v4;
	v61 =	vshrl.u32 v1, $0x10;
	v1 =	vld [tilespmem:s6+$0xFFFFFFE0]  }
0x2ab: {  	v6 =	vld.idx.msk [tilespmem:v6+s28+$0x0], $0xffff  }
0x2ac: {  	v63 =	vand.u32 $0xFFFF, v8;
	v5 =	vld.idx.msk [tilespmem:v5+s28+$0x0], $0xffff  }
0x2ad: {  	v11 =	vshrl.u32 v2, $0x10;
	v62 =	vshrl.u32 v3, $0x10;
	v3 =	vld [tilespmem:s7+$0x0]  }
0x2ae: {  	v7 =	vld.idx.msk [tilespmem:v7+s28+$0x0], $0xffff  }
0x2af: {  	s5 =	simm.s32 $0x14440;
	v9 =	vld.idx.msk [tilespmem:v9+s28+$0x0], $0xffff  }
0x2b0: {  	v4 =	vshrl.u32 v4, $0x10;
	v2 =	vld [tilespmem:s6+$0xFFFFFFF0];
	[tilespmem:s5+$0xFFFFFFC0] =	vst v6  }
0x2b1: {  	[tilespmem:s5+$0xFFFFFFE0] =	vst v5;
	v5 =	vld.idx.msk [tilespmem:v63+s28+$0x0], $0xffff  }
0x2b2: {  	v6 =	vand.u32 $0xFFFF, v10;
	v11 =	vld.idx.msk [tilespmem:v11+s28+$0x0], $0xffff  }
0x2b3: {  	v15 =	vand.u32 $0xFFFF, v0;
	[tilespmem:s5+$0x0] =	vst v7;
	v12 =	vld.idx.msk [tilespmem:v61+s28+$0x0], $0xffff  }
0x2b4: {  	s7 =	simm.s32 $0x80;
	v16 =	vand.u32 $0xFFFF, v3;
	[tilespmem:s5+$0x20] =	vst v9;
	v13 =	vld.idx.msk [tilespmem:v62+s28+$0x0], $0xffff  }
0x2b5: {  	s8 =	sand.u32 $0xFC0, s7;
	v7 =	vld.idx.msk [tilespmem:v4+s28+$0x0], $0xffff  }
0x2b6: {  	v4 =	vld [tilespmem:s8+$0x2400]  }
0x2b7: {  	v9 =	vld.idx.msk [tilespmem:v6+s28+$0x0], $0xffff;
	[tilespmem:s5+$0xFFFFFFD0] =	vst v11  }
0x2b8: {  	v6 =	vld.idx.msk [tilespmem:v15+s28+$0x0], $0xffff;
	[tilespmem:s5+$0xFFFFFFF0] =	vst v12;
	v11 =	vshrl.u32 v10, $0x10  }
0x2b9: {  	s8 =	simm.s32 $0x24F0;
	v10 =	vshrl.u32 v8, $0x10;
	v8 =	vld.idx.msk [tilespmem:v16+s28+$0x0], $0xffff;
	[tilespmem:s5+$0x10] =	vst v13  }
.LBB2_22:
0x2ba: {  	v12 =	vld [tilespmem:s8+$0xFFFFFFE0];
	v13 =	vshrl.u32 v0, $0x10;
	[tilespmem:s5+$0x30] =	vst v7;
	v0 =	vmov v2  }
0x2bb: {  	v7 =	vshrl.u32 v3, $0x10;
	s5 =	sadd.s32 $0x80, s5;
	v3 =	vld [tilespmem:s6+$0x0];
	s6 =	smov.u32 s8  }
0x2bc: {  	v14 =	vand.u32 $0xFFFF, v1;
	v2 =	vld [tilespmem:s8+$0xFFFFFFF0];
	[tilespmem:s5+$0xFFFFFFC0] =	vst v9  }
0x2bd: {  	v9 =	vand.u32 $0xFFFF, v4;
	v11 =	vld.idx.msk [tilespmem:v11+s28+$0x0], $0xffff;
	[tilespmem:s5+$0xFFFFFFE0] =	vst v5  }
0x2be: {  	v15 =	vand.u32 $0xFFFF, v0;
	v10 =	vld.idx.msk [tilespmem:v10+s28+$0x0], $0xffff;
	[tilespmem:s5+$0x0] =	vst v6  }
0x2bf: {  	s7 =	sadd.s32 $0x40, s7;
	v13 =	vld.idx.msk [tilespmem:v13+s28+$0x0], $0xffff;
	[tilespmem:s5+$0x20] =	vst v8  }
0x2c0: {  	p1 =	slt.u32 s7, $0xFC0;
	v8 =	vand.u32 $0xFFFF, v3;
	v7 =	vld.idx.msk [tilespmem:v7+s28+$0x0], $0xffff  }
.Ltmp10:
0x2c1: {  	v5 =	vld.idx.msk [tilespmem:v14+s28+$0x0], $0xffff;
	(pc) =	sbr.rel @p1 .LBB2_22-.Ltmp10, $4  }
0x2c2: {  	v9 =	vld.idx.msk [tilespmem:v9+s28+$0x0], $0xffff  }
0x2c3: {  	s9 =	sand.u32 $0xFC0, s7;
	v6 =	vld.idx.msk [tilespmem:v15+s28+$0x0], $0xffff;
	[tilespmem:s5+$0xFFFFFFD0] =	vst v11  }
0x2c4: {  	v11 =	vshrl.u32 v4, $0x10;
	v4 =	vld [tilespmem:s9+$0x2400];
	[tilespmem:s5+$0xFFFFFFF0] =	vst v10  }
0x2c5: {  	s8 =	sadd.s32 $0x40, s8;
	v10 =	vshrl.u32 v1, $0x10;
	v1 =	vmov v12;
	v8 =	vld.idx.msk [tilespmem:v8+s28+$0x0], $0xffff;
	[tilespmem:s5+$0x10] =	vst v13  }
0x2c6: {  	v12 =	vld [tilespmem:s6+$0x0];
	_ =	sdelay $0x1  }
0x2c7: {  	s10 =	sadd.s32 $0x80, s5;
	v14 =	vand.u32 $0xFFFF, v1  }
0x2c8: {  	[tilespmem:s10+$0xFFFFFFC0] =	vst v9;
	v9 =	vand.u32 $0xFFFF, v2  }
0x2c9: {  	v13 =	vand.u32 $0xFFFF, v4  }
0x2ca: {  	[tilespmem:s10+$0xFFFFFFE0] =	vst v5;
	v11 =	vld.idx.msk [tilespmem:v11+s28+$0x0], $0xffff;
	v5 =	vand.u32 $0xFFFF, v12  }
0x2cb: {  	v0 =	vshrl.u32 v0, $0x10;
	v10 =	vld.idx.msk [tilespmem:v10+s28+$0x0], $0xffff  }
0x2cc: {  	v3 =	vshrl.u32 v3, $0x10;
	[tilespmem:s10+$0x0] =	vst v6;
	v6 =	vld.idx.msk [tilespmem:v14+s28+$0x0], $0xffff  }
0x2cd: {  	v1 =	vshrl.u32 v1, $0x10;
	[tilespmem:s10+$0x20] =	vst v8;
	v8 =	vld.idx.msk [tilespmem:v9+s28+$0x0], $0xffff  }
0x2ce: {  	[tilespmem:s5+$0x30] =	vst v7;
	v2 =	vshrl.u32 v2, $0x10;
	v7 =	vld.idx.msk [tilespmem:v13+s28+$0x0], $0xffff  }
0x2cf: {  	v4 =	vshrl.u32 v4, $0x10;
	[tilespmem:s10+$0xFFFFFFD0] =	vst v11;
	v5 =	vld.idx.msk [tilespmem:v5+s28+$0x0], $0xffff  }
0x2d0: {  	s11 =	sadd.s32 $0x80, s10;
	v0 =	vld.idx.msk [tilespmem:v0+s28+$0x0], $0xffff;
	v9 =	vshrl.u32 v12, $0x10;
	[tilespmem:s10+$0xFFFFFFF0] =	vst v10  }
0x2d1: {  	v3 =	vld.idx.msk [tilespmem:v3+s28+$0x0], $0xffff;
	[tilespmem:s11+$0xFFFFFFE0] =	vst v6  }
0x2d2: {  	v1 =	vld.idx.msk [tilespmem:v1+s28+$0x0], $0xffff;
	[tilespmem:s11+$0x0] =	vst v8  }
0x2d3: {  	v2 =	vld.idx.msk [tilespmem:v2+s28+$0x0], $0xffff;
	[tilespmem:s11+$0xFFFFFFC0] =	vst v7  }
0x2d4: {  	v4 =	vld.idx.msk [tilespmem:v4+s28+$0x0], $0xffff;
	[tilespmem:s11+$0x20] =	vst v5  }
0x2d5: {  	[tilespmem:s10+$0x10] =	vst v0;
	v0 =	vld.idx.msk [tilespmem:v9+s28+$0x0], $0xffff  }
0x2d6: {  	[tilespmem:s10+$0x30] =	vst v3  }
0x2d7: {  	[tilespmem:s11+$0xFFFFFFF0] =	vst v1  }
0x2d8: {  	[tilespmem:s11+$0x10] =	vst v2  }
0x2d9: {  	[tilespmem:s11+$0xFFFFFFD0] =	vst v4  }
0x2da: {  	[tilespmem:s11+$0x30] =	vst v0  }
0x2db: {  	[hbm4b:s16+s25] =	stream.strided.scatter [tilespmem:s0], [sflag:$0x4], $0x2000, s26, s25, $0x38;
	[tilespmem:$0x18400] =	vst v63  }
0x2dc: {  	_ =	swait.ge [sflag:s3], $0x2000  }
0x2dd: {  	s13 =	simm.s32 $0x0;
	[sflag:s3] =	ssyncset.done $0x0  }
0x2de: {  	s6 =	sand.u32 $0xFC0, s13;
	[sflag:s3] =	ssyncadd.s32 $0xFFFFE000  }
0x2df: {  	s12 =	simm.s32 $0x3430;
	v2 =	vld [tilespmem:s6+$0x3400]  }
0x2e0: {  	v1 =	vld [tilespmem:s12+$0xFFFFFFE0];
	_ =	sdelay $0x1  }
0x2e1: {  	v3 =	vld [tilespmem:s12+$0xFFFFFFF0]  }
0x2e2: {  	v4 =	vld [tilespmem:s12+$0x0]  }
0x2e3: {  	s7 =	simm.s32 $0x3470;
	v6 =	vand.u32 $0xFFFF, v2  }
0x2e4: {  	s14 =	simm.s32 $0x40;
	v8 =	vld [tilespmem:s7+$0xFFFFFFE0];
	v5 =	vand.u32 $0xFFFF, v1  }
0x2e5: {  	s5 =	sand.u32 $0xFC0, s14;
	v0 =	vld [tilespmem:s7+$0xFFFFFFF0]  }
0x2e6: {  	v10 =	vld [tilespmem:s5+$0x3400];
	s6 =	simm.s32 $0x34B0;
	v7 =	vand.u32 $0xFFFF, v3  }
0x2e7: {  	v9 =	vand.u32 $0xFFFF, v4;
	v61 =	vshrl.u32 v1, $0x10;
	v1 =	vld [tilespmem:s6+$0xFFFFFFE0]  }
0x2e8: {  	v6 =	vld.idx.msk [tilespmem:v6+s28+$0x0], $0xffff  }
0x2e9: {  	v63 =	vand.u32 $0xFFFF, v8;
	v5 =	vld.idx.msk [tilespmem:v5+s28+$0x0], $0xffff  }
0x2ea: {  	v11 =	vshrl.u32 v2, $0x10;
	v62 =	vshrl.u32 v3, $0x10;
	v3 =	vld [tilespmem:s7+$0x0]  }
0x2eb: {  	v7 =	vld.idx.msk [tilespmem:v7+s28+$0x0], $0xffff  }
0x2ec: {  	s5 =	simm.s32 $0x16440;
	v9 =	vld.idx.msk [tilespmem:v9+s28+$0x0], $0xffff  }
0x2ed: {  	v4 =	vshrl.u32 v4, $0x10;
	v2 =	vld [tilespmem:s6+$0xFFFFFFF0];
	[tilespmem:s5+$0xFFFFFFC0] =	vst v6  }
0x2ee: {  	[tilespmem:s5+$0xFFFFFFE0] =	vst v5;
	v5 =	vld.idx.msk [tilespmem:v63+s28+$0x0], $0xffff  }
0x2ef: {  	v6 =	vand.u32 $0xFFFF, v10;
	v11 =	vld.idx.msk [tilespmem:v11+s28+$0x0], $0xffff  }
0x2f0: {  	v15 =	vand.u32 $0xFFFF, v0;
	[tilespmem:s5+$0x0] =	vst v7;
	v12 =	vld.idx.msk [tilespmem:v61+s28+$0x0], $0xffff  }
0x2f1: {  	s7 =	simm.s32 $0x80;
	v16 =	vand.u32 $0xFFFF, v3;
	[tilespmem:s5+$0x20] =	vst v9;
	v13 =	vld.idx.msk [tilespmem:v62+s28+$0x0], $0xffff  }
0x2f2: {  	s8 =	sand.u32 $0xFC0, s7;
	v7 =	vld.idx.msk [tilespmem:v4+s28+$0x0], $0xffff  }
0x2f3: {  	v4 =	vld [tilespmem:s8+$0x3400]  }
0x2f4: {  	v9 =	vld.idx.msk [tilespmem:v6+s28+$0x0], $0xffff;
	[tilespmem:s5+$0xFFFFFFD0] =	vst v11  }
0x2f5: {  	v6 =	vld.idx.msk [tilespmem:v15+s28+$0x0], $0xffff;
	[tilespmem:s5+$0xFFFFFFF0] =	vst v12;
	v11 =	vshrl.u32 v10, $0x10  }
0x2f6: {  	s8 =	simm.s32 $0x34F0;
	v10 =	vshrl.u32 v8, $0x10;
	v8 =	vld.idx.msk [tilespmem:v16+s28+$0x0], $0xffff;
	[tilespmem:s5+$0x10] =	vst v13  }
.LBB2_24:
0x2f7: {  	v12 =	vld [tilespmem:s8+$0xFFFFFFE0];
	v13 =	vshrl.u32 v0, $0x10;
	[tilespmem:s5+$0x30] =	vst v7;
	v0 =	vmov v2  }
0x2f8: {  	v7 =	vshrl.u32 v3, $0x10;
	s5 =	sadd.s32 $0x80, s5;
	v3 =	vld [tilespmem:s6+$0x0];
	s6 =	smov.u32 s8  }
0x2f9: {  	v14 =	vand.u32 $0xFFFF, v1;
	v2 =	vld [tilespmem:s8+$0xFFFFFFF0];
	[tilespmem:s5+$0xFFFFFFC0] =	vst v9  }
0x2fa: {  	v9 =	vand.u32 $0xFFFF, v4;
	v11 =	vld.idx.msk [tilespmem:v11+s28+$0x0], $0xffff;
	[tilespmem:s5+$0xFFFFFFE0] =	vst v5  }
0x2fb: {  	v15 =	vand.u32 $0xFFFF, v0;
	v10 =	vld.idx.msk [tilespmem:v10+s28+$0x0], $0xffff;
	[tilespmem:s5+$0x0] =	vst v6  }
0x2fc: {  	s7 =	sadd.s32 $0x40, s7;
	v13 =	vld.idx.msk [tilespmem:v13+s28+$0x0], $0xffff;
	[tilespmem:s5+$0x20] =	vst v8  }
0x2fd: {  	p1 =	slt.u32 s7, $0xFC0;
	v8 =	vand.u32 $0xFFFF, v3;
	v7 =	vld.idx.msk [tilespmem:v7+s28+$0x0], $0xffff  }
.Ltmp11:
0x2fe: {  	v5 =	vld.idx.msk [tilespmem:v14+s28+$0x0], $0xffff;
	(pc) =	sbr.rel @p1 .LBB2_24-.Ltmp11, $4  }
0x2ff: {  	v9 =	vld.idx.msk [tilespmem:v9+s28+$0x0], $0xffff  }
0x300: {  	s9 =	sand.u32 $0xFC0, s7;
	v6 =	vld.idx.msk [tilespmem:v15+s28+$0x0], $0xffff;
	[tilespmem:s5+$0xFFFFFFD0] =	vst v11  }
0x301: {  	v11 =	vshrl.u32 v4, $0x10;
	v4 =	vld [tilespmem:s9+$0x3400];
	[tilespmem:s5+$0xFFFFFFF0] =	vst v10  }
0x302: {  	s8 =	sadd.s32 $0x40, s8;
	v10 =	vshrl.u32 v1, $0x10;
	v1 =	vmov v12;
	v8 =	vld.idx.msk [tilespmem:v8+s28+$0x0], $0xffff;
	[tilespmem:s5+$0x10] =	vst v13  }
0x303: {  	v12 =	vld [tilespmem:s6+$0x0];
	_ =	sdelay $0x1  }
0x304: {  	s9 =	sadd.s32 $0x80, s5;
	v14 =	vand.u32 $0xFFFF, v1  }
0x305: {  	[tilespmem:s9+$0xFFFFFFC0] =	vst v9;
	v9 =	vand.u32 $0xFFFF, v2  }
0x306: {  	v13 =	vand.u32 $0xFFFF, v4  }
0x307: {  	[tilespmem:s9+$0xFFFFFFE0] =	vst v5;
	v11 =	vld.idx.msk [tilespmem:v11+s28+$0x0], $0xffff;
	v5 =	vand.u32 $0xFFFF, v12  }
0x308: {  	v0 =	vshrl.u32 v0, $0x10;
	v10 =	vld.idx.msk [tilespmem:v10+s28+$0x0], $0xffff  }
0x309: {  	v3 =	vshrl.u32 v3, $0x10;
	[tilespmem:s9+$0x0] =	vst v6;
	v6 =	vld.idx.msk [tilespmem:v14+s28+$0x0], $0xffff  }
0x30a: {  	v1 =	vshrl.u32 v1, $0x10;
	[tilespmem:s9+$0x20] =	vst v8;
	v8 =	vld.idx.msk [tilespmem:v9+s28+$0x0], $0xffff  }
0x30b: {  	[tilespmem:s5+$0x30] =	vst v7;
	v2 =	vshrl.u32 v2, $0x10;
	v7 =	vld.idx.msk [tilespmem:v13+s28+$0x0], $0xffff  }
0x30c: {  	v4 =	vshrl.u32 v4, $0x10;
	[tilespmem:s9+$0xFFFFFFD0] =	vst v11;
	v5 =	vld.idx.msk [tilespmem:v5+s28+$0x0], $0xffff  }
0x30d: {  	s10 =	sadd.s32 $0x80, s9;
	v0 =	vld.idx.msk [tilespmem:v0+s28+$0x0], $0xffff;
	v9 =	vshrl.u32 v12, $0x10;
	[tilespmem:s9+$0xFFFFFFF0] =	vst v10  }
0x30e: {  	v3 =	vld.idx.msk [tilespmem:v3+s28+$0x0], $0xffff;
	[tilespmem:s10+$0xFFFFFFE0] =	vst v6  }
0x30f: {  	v1 =	vld.idx.msk [tilespmem:v1+s28+$0x0], $0xffff;
	[tilespmem:s10+$0x0] =	vst v8  }
0x310: {  	v2 =	vld.idx.msk [tilespmem:v2+s28+$0x0], $0xffff;
	[tilespmem:s10+$0xFFFFFFC0] =	vst v7  }
0x311: {  	v4 =	vld.idx.msk [tilespmem:v4+s28+$0x0], $0xffff;
	[tilespmem:s10+$0x20] =	vst v5  }
0x312: {  	[tilespmem:s9+$0x10] =	vst v0;
	v0 =	vld.idx.msk [tilespmem:v9+s28+$0x0], $0xffff  }
0x313: {  	[tilespmem:s9+$0x30] =	vst v3  }
0x314: {  	[tilespmem:s10+$0xFFFFFFF0] =	vst v1  }
0x315: {  	[tilespmem:s10+$0x10] =	vst v2  }
0x316: {  	[tilespmem:s10+$0xFFFFFFD0] =	vst v4  }
0x317: {  	[tilespmem:s10+$0x30] =	vst v0  }
0x318: {  	[hbm4b:s17+s25] =	stream.strided.scatter [tilespmem:s1], [sflag:$0x5], $0x2000, s26, s25, $0x38;
	[tilespmem:$0x18400] =	vst v63  }
0x319: {  	_ =	swait.ge [sflag:s4], $0x8000  }
0x31a: {  	[sflag:s4] =	ssyncset.done $0x0  }
0x31b: {  	[sflag:s4] =	ssyncadd.s32 $0xFFFF8000  }
0x31c: {  	_ =	swait.ge [sflag:s2], $0x2000  }
0x31d: {  	[sflag:s2] =	ssyncset.done $0x0  }
0x31e: {  	s11 =	simm.s32 $0x420;
	[sflag:s2] =	ssyncadd.s32 $0xFFFFE000  }
0x31f: {  	v1 =	vld [tilespmem:s11+$0xFFFFFFF0]  }
0x320: {  	v0 =	vld [tilespmem:s11+$0x10];
	_ =	sdelay $0x2  }
0x321: {  	v3 =	vld [tilespmem:s11+$0xFFFFFFE0]  }
0x322: {  	s12 =	simm.s32 $0x460;
	v4 =	vld [tilespmem:s11+$0x0];
	v5 =	vand.u32 $0xFFFF, v1  }
0x323: {  	v6 =	vld [tilespmem:s12+$0x10];
	v2 =	vand.u32 $0xFFFF, v0  }
0x324: {  	v8 =	vld [tilespmem:s12+$0xFFFFFFF0]  }
0x325: {  	v10 =	vld [tilespmem:s12+$0x0]  }
0x326: {  	v11 =	vld [tilespmem:s12+$0xFFFFFFE0];
	v7 =	vand.u32 $0xFFFF, v3  }
0x327: {  	v9 =	vand.u32 $0xFFFF, v4;
	v5 =	vld.idx.msk [tilespmem:v5+s29+$0x0], $0xffff  }
0x328: {  	s13 =	simm.s32 $0x4A0;
	v12 =	vand.u32 $0xFFFF, v6;
	v2 =	vld.idx.msk [tilespmem:v2+s29+$0x0], $0xffff  }
0x329: {  	v15 =	vld [tilespmem:s13+$0xFFFFFFF0];
	v0 =	vshrl.u32 v0, $0x10  }
0x32a: {  	v16 =	vld [tilespmem:s13+$0x0]  }
0x32b: {  	s5 =	simm.s32 $0x14440;
	v7 =	vld.idx.msk [tilespmem:v7+s29+$0x0], $0xffff  }
0x32c: {  	v14 =	vand.u32 $0xFFFF, v10;
	[tilespmem:s5+$0xFFFFFFE0] =	vst v5;
	v5 =	vld.idx.msk [tilespmem:v9+s29+$0x0], $0xffff  }
0x32d: {  	[tilespmem:s5+$0x20] =	vst v2;
	v2 =	vand.u32 $0xFFFF, v8;
	v9 =	vld.idx.msk [tilespmem:v12+s29+$0x0], $0xffff  }
0x32e: {  	v1 =	vshrl.u32 v1, $0x10;
	v13 =	vld.idx.msk [tilespmem:v0+s29+$0x0], $0xffff  }
0x32f: {  	v12 =	vand.u32 $0xFFFF, v11;
	v0 =	vld [tilespmem:s13+$0x10]  }
0x330: {  	v18 =	vld [tilespmem:s13+$0xFFFFFFE0];
	v6 =	vshrl.u32 v6, $0x10  }
0x331: {  	v3 =	vshrl.u32 v3, $0x10;
	[tilespmem:s5+$0xFFFFFFC0] =	vst v7;
	v7 =	vld.idx.msk [tilespmem:v14+s29+$0x0], $0xffff  }
0x332: {  	v4 =	vshrl.u32 v4, $0x10;
	v2 =	vld.idx.msk [tilespmem:v2+s29+$0x0], $0xffff  }
0x333: {  	s6 =	simm.s32 $0x144C0;
	s7 =	simm.s32 $0x60;
	v17 =	vshrl.u32 v8, $0x10;
	v1 =	vld.idx.msk [tilespmem:v1+s29+$0x0], $0xffff  }
0x334: {  	s7 =	sor.u32 $0x70, s7;
	[tilespmem:s6+$0x20] =	vst v9;
	v19 =	vld.idx.msk [tilespmem:v12+s29+$0x0], $0xffff;
	v12 =	vand.u32 $0xFFFF, v0  }
0x335: {  	v20 =	vld.idx.msk [tilespmem:v6+s29+$0x0], $0xffff;
	[tilespmem:s7+$0x14400] =	vst v13;
	v13 =	vand.u32 $0xFFFF, v15  }
0x336: {  	s14 =	simm.s32 $0x20;
	v8 =	vld.idx.msk [tilespmem:v3+s29+$0x0], $0xffff;
	[tilespmem:s5+$0x0] =	vst v5  }
0x337: {  	s8 =	simm.s32 $0x40;
	s10 =	sor.u32 $0x30, s14;
	[tilespmem:s6+$0xFFFFFFE0] =	vst v2;
	v2 =	vshrl.u32 v10, $0x10;
	v10 =	vld.idx.msk [tilespmem:v4+s29+$0x0], $0xffff  }
0x338: {  	s9 =	simm.s32 $0x80;
	s7 =	sor.u32 $0x50, s8;
	[tilespmem:s10+$0x14400] =	vst v1;
	s8 =	simm.s32 $0xE0;
	v9 =	vld.idx.msk [tilespmem:v17+s29+$0x0], $0xffff  }
0x339: {  	s11 =	simm.s32 $0xA0;
	v3 =	vshrl.u32 v15, $0x10;
	s13 =	simm.s32 $0xC0;
	v5 =	vshrl.u32 v18, $0x10;
	v1 =	vshrl.u32 v16, $0x10;
	s14 =	sor.u32 $0x70, s8;
	[tilespmem:s6+$0xFFFFFFC0] =	vst v19;
	v12 =	vld.idx.msk [tilespmem:v12+s29+$0x0], $0xffff  }
0x33a: {  	s12 =	sor.u32 $0x30, s11;
	s11 =	sor.u32 $0x50, s13;
	v6 =	vand.u32 $0xFFFF, v16;
	s10 =	simm.s32 $0x4E0;
	v4 =	vshrl.u32 v11, $0x10;
	v11 =	vand.u32 $0xFFFF, v18;
	v13 =	vld.idx.msk [tilespmem:v13+s29+$0x0], $0xffff;
	[tilespmem:s14+$0x14400] =	vst v20  }
.LBB2_26:
0x33b: {  	s9 =	sadd.s32 $0x40, s9;
	v14 =	vshrl.u32 v0, $0x10;
	v0 =	vld [tilespmem:s10+$0x10];
	[tilespmem:s6+$0x0] =	vst v7  }
0x33c: {  	v7 =	vld [tilespmem:s10+$0xFFFFFFF0];
	p1 =	slt.u32 s9, $0xFC0;
	[tilespmem:s5+$0xFFFFFFD0] =	vst v8;
	s5 =	smov.u32 s6  }
0x33d: {  	v8 =	vld [tilespmem:s10+$0x0];
	[tilespmem:s12+$0x14400] =	vst v9  }
0x33e: {  	s6 =	sadd.s32 $0x80, s6;
	v9 =	vld [tilespmem:s10+$0xFFFFFFE0];
	[tilespmem:s7+$0x14400] =	vst v10;
	s7 =	smov.u32 s11  }
0x33f: {  	v15 =	vld.idx.msk [tilespmem:v11+s29+$0x0], $0xffff;
	[tilespmem:s6+$0x20] =	vst v12  }
0x340: {  	v12 =	vand.u32 $0xFFFF, v0;
	[tilespmem:s6+$0xFFFFFFE0] =	vst v13;
	v14 =	vld.idx.msk [tilespmem:v14+s29+$0x0], $0xffff  }
0x341: {  	v10 =	vshrl.u32 v7, $0x10;
	v13 =	vand.u32 $0xFFFF, v7;
	v7 =	vld.idx.msk [tilespmem:v6+s29+$0x0], $0xffff  }
.Ltmp12:
0x342: {  	v16 =	vshrl.u32 v8, $0x10;
	v6 =	vand.u32 $0xFFFF, v8;
	v8 =	vld.idx.msk [tilespmem:v4+s29+$0x0], $0xffff;
	v4 =	vmov v5;
	(pc) =	sbr.rel @p1 .LBB2_26-.Ltmp12, $4  }
0x343: {  	v5 =	vshrl.u32 v9, $0x10;
	v11 =	vand.u32 $0xFFFF, v9;
	v9 =	vld.idx.msk [tilespmem:v3+s29+$0x0], $0xffff;
	v3 =	vmov v10  }
0x344: {  	s8 =	sadd.s32 $0x80, s8;
	v10 =	vld.idx.msk [tilespmem:v2+s29+$0x0], $0xffff;
	v2 =	vmov v1;
	v1 =	vmov v16  }
0x345: {  	s13 =	sadd.s32 $0xFFFFFFE0, s8;
	s14 =	sor.u32 $0x70, s8;
	s11 =	sadd.s32 $0xFFFFFFC0, s8;
	v12 =	vld.idx.msk [tilespmem:v12+s29+$0x0], $0xffff;
	[tilespmem:s6+$0xFFFFFFC0] =	vst v15  }
0x346: {  	s10 =	sadd.s32 $0x40, s10;
	s12 =	sor.u32 $0x30, s11;
	s11 =	sor.u32 $0x50, s13;
	v13 =	vld.idx.msk [tilespmem:v13+s29+$0x0], $0xffff;
	[tilespmem:s14+$0x14400] =	vst v14  }
0x347: {  	_ = 	snop  }
0x348: {  	v0 =	vshrl.u32 v0, $0x10;
	_ =	sdelay $0x1  }
0x349: {  	[tilespmem:s6+$0x0] =	vst v7  }
0x34a: {  	[tilespmem:s5+$0xFFFFFFD0] =	vst v8;
	s10 =	sadd.s32 $0x80, s6;
	v7 =	vld.idx.msk [tilespmem:v11+s29+$0x0], $0xffff  }
0x34b: {  	v6 =	vld.idx.msk [tilespmem:v6+s29+$0x0], $0xffff;
	[tilespmem:s10+$0x20] =	vst v12  }
0x34c: {  	[tilespmem:s12+$0x14400] =	vst v9;
	v0 =	vld.idx.msk [tilespmem:v0+s29+$0x0], $0xffff  }
0x34d: {  	v4 =	vld.idx.msk [tilespmem:v4+s29+$0x0], $0xffff;
	[tilespmem:s7+$0x14400] =	vst v10  }
0x34e: {  	v2 =	vld.idx.msk [tilespmem:v2+s29+$0x0], $0xffff;
	[tilespmem:s10+$0xFFFFFFE0] =	vst v13  }
0x34f: {  	s13 =	sadd.s32 $0x80, s8;
	v3 =	vld.idx.msk [tilespmem:v3+s29+$0x0], $0xffff;
	[tilespmem:s10+$0xFFFFFFC0] =	vst v7  }
0x350: {  	s8 =	sor.u32 $0x70, s13;
	[tilespmem:s10+$0x0] =	vst v6;
	v5 =	vld.idx.msk [tilespmem:v5+s29+$0x0], $0xffff  }
0x351: {  	[tilespmem:s8+$0x14400] =	vst v0;
	v0 =	vld.idx.msk [tilespmem:v1+s29+$0x0], $0xffff  }
0x352: {  	s9 =	sadd.s32 $0xFFFFFFC0, s13;
	[tilespmem:s6+$0xFFFFFFD0] =	vst v4  }
0x353: {  	s14 =	sor.u32 $0x30, s9;
	[tilespmem:s11+$0x14400] =	vst v2  }
0x354: {  	s9 =	sadd.s32 $0xFFFFFFE0, s13;
	[tilespmem:s14+$0x14400] =	vst v3  }
0x355: {  	s6 =	sor.u32 $0x50, s9;
	[tilespmem:s10+$0xFFFFFFD0] =	vst v5  }
0x356: {  	[tilespmem:s6+$0x14400] =	vst v0  }
0x357: {  	[hbm4b:s18+s25] =	stream.strided.scatter [tilespmem:s0], [sflag:$0x4], $0x2000, s26, s25, $0x38;
	[tilespmem:$0x18400] =	vst v63  }
0x358: {  	_ =	swait.ge [sflag:s3], $0x2000  }
0x359: {  	s11 =	simm.s32 $0x0;
	[sflag:s3] =	ssyncset.done $0x0  }
0x35a: {  	s6 =	sand.u32 $0xFC0, s11;
	[sflag:s3] =	ssyncadd.s32 $0xFFFFE000  }
0x35b: {  	s10 =	simm.s32 $0x1430;
	v2 =	vld [tilespmem:s6+$0x1400]  }
0x35c: {  	v1 =	vld [tilespmem:s10+$0xFFFFFFE0];
	_ =	sdelay $0x1  }
0x35d: {  	v3 =	vld [tilespmem:s10+$0xFFFFFFF0]  }
0x35e: {  	v4 =	vld [tilespmem:s10+$0x0]  }
0x35f: {  	s12 =	simm.s32 $0x1470;
	v6 =	vand.u32 $0xFFFF, v2  }
0x360: {  	s13 =	simm.s32 $0x40;
	v8 =	vld [tilespmem:s12+$0xFFFFFFE0];
	v5 =	vand.u32 $0xFFFF, v1  }
0x361: {  	s5 =	sand.u32 $0xFC0, s13;
	v0 =	vld [tilespmem:s12+$0xFFFFFFF0]  }
0x362: {  	v10 =	vld [tilespmem:s5+$0x1400];
	s6 =	simm.s32 $0x14B0;
	v7 =	vand.u32 $0xFFFF, v3  }
0x363: {  	v9 =	vand.u32 $0xFFFF, v4;
	v62 =	vshrl.u32 v1, $0x10;
	v1 =	vld [tilespmem:s6+$0xFFFFFFE0]  }
0x364: {  	v6 =	vld.idx.msk [tilespmem:v6+s29+$0x0], $0xffff  }
0x365: {  	v14 =	vand.u32 $0xFFFF, v8;
	v5 =	vld.idx.msk [tilespmem:v5+s29+$0x0], $0xffff  }
0x366: {  	v11 =	vshrl.u32 v2, $0x10;
	v63 =	vshrl.u32 v3, $0x10;
	v3 =	vld [tilespmem:s12+$0x0]  }
0x367: {  	v7 =	vld.idx.msk [tilespmem:v7+s29+$0x0], $0xffff  }
0x368: {  	s5 =	simm.s32 $0x16440;
	v9 =	vld.idx.msk [tilespmem:v9+s29+$0x0], $0xffff  }
0x369: {  	v4 =	vshrl.u32 v4, $0x10;
	v2 =	vld [tilespmem:s6+$0xFFFFFFF0];
	[tilespmem:s5+$0xFFFFFFC0] =	vst v6  }
0x36a: {  	[tilespmem:s5+$0xFFFFFFE0] =	vst v5;
	v5 =	vld.idx.msk [tilespmem:v14+s29+$0x0], $0xffff  }
0x36b: {  	v6 =	vand.u32 $0xFFFF, v10;
	v11 =	vld.idx.msk [tilespmem:v11+s29+$0x0], $0xffff  }
0x36c: {  	v15 =	vand.u32 $0xFFFF, v0;
	[tilespmem:s5+$0x0] =	vst v7;
	v12 =	vld.idx.msk [tilespmem:v62+s29+$0x0], $0xffff  }
0x36d: {  	s7 =	simm.s32 $0x80;
	v16 =	vand.u32 $0xFFFF, v3;
	[tilespmem:s5+$0x20] =	vst v9;
	v13 =	vld.idx.msk [tilespmem:v63+s29+$0x0], $0xffff  }
0x36e: {  	s14 =	sand.u32 $0xFC0, s7;
	v7 =	vld.idx.msk [tilespmem:v4+s29+$0x0], $0xffff  }
0x36f: {  	v4 =	vld [tilespmem:s14+$0x1400]  }
0x370: {  	v9 =	vld.idx.msk [tilespmem:v6+s29+$0x0], $0xffff;
	[tilespmem:s5+$0xFFFFFFD0] =	vst v11  }
0x371: {  	v6 =	vld.idx.msk [tilespmem:v15+s29+$0x0], $0xffff;
	[tilespmem:s5+$0xFFFFFFF0] =	vst v12;
	v11 =	vshrl.u32 v10, $0x10  }
0x372: {  	s8 =	simm.s32 $0x14F0;
	v10 =	vshrl.u32 v8, $0x10;
	v8 =	vld.idx.msk [tilespmem:v16+s29+$0x0], $0xffff;
	[tilespmem:s5+$0x10] =	vst v13  }
.LBB2_28:
0x373: {  	v12 =	vld [tilespmem:s8+$0xFFFFFFE0];
	v13 =	vshrl.u32 v0, $0x10;
	[tilespmem:s5+$0x30] =	vst v7;
	v0 =	vmov v2  }
0x374: {  	v7 =	vshrl.u32 v3, $0x10;
	s5 =	sadd.s32 $0x80, s5;
	v3 =	vld [tilespmem:s6+$0x0];
	s6 =	smov.u32 s8  }
0x375: {  	v14 =	vand.u32 $0xFFFF, v1;
	v2 =	vld [tilespmem:s8+$0xFFFFFFF0];
	[tilespmem:s5+$0xFFFFFFC0] =	vst v9  }
0x376: {  	v9 =	vand.u32 $0xFFFF, v4;
	v11 =	vld.idx.msk [tilespmem:v11+s29+$0x0], $0xffff;
	[tilespmem:s5+$0xFFFFFFE0] =	vst v5  }
0x377: {  	v15 =	vand.u32 $0xFFFF, v0;
	v10 =	vld.idx.msk [tilespmem:v10+s29+$0x0], $0xffff;
	[tilespmem:s5+$0x0] =	vst v6  }
0x378: {  	s7 =	sadd.s32 $0x40, s7;
	v13 =	vld.idx.msk [tilespmem:v13+s29+$0x0], $0xffff;
	[tilespmem:s5+$0x20] =	vst v8  }
0x379: {  	p1 =	slt.u32 s7, $0xFC0;
	v8 =	vand.u32 $0xFFFF, v3;
	v7 =	vld.idx.msk [tilespmem:v7+s29+$0x0], $0xffff  }
.Ltmp13:
0x37a: {  	v5 =	vld.idx.msk [tilespmem:v14+s29+$0x0], $0xffff;
	(pc) =	sbr.rel @p1 .LBB2_28-.Ltmp13, $4  }
0x37b: {  	v9 =	vld.idx.msk [tilespmem:v9+s29+$0x0], $0xffff  }
0x37c: {  	s9 =	sand.u32 $0xFC0, s7;
	v6 =	vld.idx.msk [tilespmem:v15+s29+$0x0], $0xffff;
	[tilespmem:s5+$0xFFFFFFD0] =	vst v11  }
0x37d: {  	v11 =	vshrl.u32 v4, $0x10;
	v4 =	vld [tilespmem:s9+$0x1400];
	[tilespmem:s5+$0xFFFFFFF0] =	vst v10  }
0x37e: {  	s8 =	sadd.s32 $0x40, s8;
	v10 =	vshrl.u32 v1, $0x10;
	v1 =	vmov v12;
	v8 =	vld.idx.msk [tilespmem:v8+s29+$0x0], $0xffff;
	[tilespmem:s5+$0x10] =	vst v13  }
0x37f: {  	v12 =	vld [tilespmem:s6+$0x0];
	_ =	sdelay $0x1  }
0x380: {  	s10 =	sadd.s32 $0x80, s5;
	v14 =	vand.u32 $0xFFFF, v1  }
0x381: {  	[tilespmem:s10+$0xFFFFFFC0] =	vst v9;
	v9 =	vand.u32 $0xFFFF, v2  }
0x382: {  	v13 =	vand.u32 $0xFFFF, v4  }
0x383: {  	[tilespmem:s10+$0xFFFFFFE0] =	vst v5;
	v11 =	vld.idx.msk [tilespmem:v11+s29+$0x0], $0xffff;
	v5 =	vand.u32 $0xFFFF, v12  }
0x384: {  	v0 =	vshrl.u32 v0, $0x10;
	v10 =	vld.idx.msk [tilespmem:v10+s29+$0x0], $0xffff  }
0x385: {  	v3 =	vshrl.u32 v3, $0x10;
	[tilespmem:s10+$0x0] =	vst v6;
	v6 =	vld.idx.msk [tilespmem:v14+s29+$0x0], $0xffff  }
0x386: {  	v1 =	vshrl.u32 v1, $0x10;
	[tilespmem:s10+$0x20] =	vst v8;
	v8 =	vld.idx.msk [tilespmem:v9+s29+$0x0], $0xffff  }
0x387: {  	[tilespmem:s5+$0x30] =	vst v7;
	v2 =	vshrl.u32 v2, $0x10;
	v7 =	vld.idx.msk [tilespmem:v13+s29+$0x0], $0xffff  }
0x388: {  	v4 =	vshrl.u32 v4, $0x10;
	[tilespmem:s10+$0xFFFFFFD0] =	vst v11;
	v5 =	vld.idx.msk [tilespmem:v5+s29+$0x0], $0xffff  }
0x389: {  	s11 =	sadd.s32 $0x80, s10;
	v0 =	vld.idx.msk [tilespmem:v0+s29+$0x0], $0xffff;
	v9 =	vshrl.u32 v12, $0x10;
	[tilespmem:s10+$0xFFFFFFF0] =	vst v10  }
0x38a: {  	v3 =	vld.idx.msk [tilespmem:v3+s29+$0x0], $0xffff;
	[tilespmem:s11+$0xFFFFFFE0] =	vst v6  }
0x38b: {  	v1 =	vld.idx.msk [tilespmem:v1+s29+$0x0], $0xffff;
	[tilespmem:s11+$0x0] =	vst v8  }
0x38c: {  	v2 =	vld.idx.msk [tilespmem:v2+s29+$0x0], $0xffff;
	[tilespmem:s11+$0xFFFFFFC0] =	vst v7  }
0x38d: {  	v4 =	vld.idx.msk [tilespmem:v4+s29+$0x0], $0xffff;
	[tilespmem:s11+$0x20] =	vst v5  }
0x38e: {  	[tilespmem:s10+$0x10] =	vst v0;
	v0 =	vld.idx.msk [tilespmem:v9+s29+$0x0], $0xffff  }
0x38f: {  	[tilespmem:s10+$0x30] =	vst v3  }
0x390: {  	[tilespmem:s11+$0xFFFFFFF0] =	vst v1  }
0x391: {  	[tilespmem:s11+$0x10] =	vst v2  }
0x392: {  	[tilespmem:s11+$0xFFFFFFD0] =	vst v4  }
0x393: {  	[tilespmem:s11+$0x30] =	vst v0  }
0x394: {  	[hbm4b:s19+s25] =	stream.strided.scatter [tilespmem:s1], [sflag:$0x5], $0x2000, s26, s25, $0x38;
	[tilespmem:$0x18400] =	vst v63  }
0x395: {  	_ =	swait.ge [sflag:s2], $0x2000  }
0x396: {  	s13 =	simm.s32 $0x0;
	[sflag:s2] =	ssyncset.done $0x0  }
0x397: {  	s6 =	sand.u32 $0xFC0, s13;
	[sflag:s2] =	ssyncadd.s32 $0xFFFFE000  }
0x398: {  	s12 =	simm.s32 $0x2430;
	v2 =	vld [tilespmem:s6+$0x2400]  }
0x399: {  	v1 =	vld [tilespmem:s12+$0xFFFFFFE0];
	_ =	sdelay $0x1  }
0x39a: {  	v3 =	vld [tilespmem:s12+$0xFFFFFFF0]  }
0x39b: {  	v4 =	vld [tilespmem:s12+$0x0]  }
0x39c: {  	s7 =	simm.s32 $0x2470;
	v6 =	vand.u32 $0xFFFF, v2  }
0x39d: {  	s14 =	simm.s32 $0x40;
	v8 =	vld [tilespmem:s7+$0xFFFFFFE0];
	v5 =	vand.u32 $0xFFFF, v1  }
0x39e: {  	s5 =	sand.u32 $0xFC0, s14;
	v0 =	vld [tilespmem:s7+$0xFFFFFFF0]  }
0x39f: {  	v10 =	vld [tilespmem:s5+$0x2400];
	s6 =	simm.s32 $0x24B0;
	v7 =	vand.u32 $0xFFFF, v3  }
0x3a0: {  	v9 =	vand.u32 $0xFFFF, v4;
	v61 =	vshrl.u32 v1, $0x10;
	v1 =	vld [tilespmem:s6+$0xFFFFFFE0]  }
0x3a1: {  	v6 =	vld.idx.msk [tilespmem:v6+s29+$0x0], $0xffff  }
0x3a2: {  	v63 =	vand.u32 $0xFFFF, v8;
	v5 =	vld.idx.msk [tilespmem:v5+s29+$0x0], $0xffff  }
0x3a3: {  	v11 =	vshrl.u32 v2, $0x10;
	v62 =	vshrl.u32 v3, $0x10;
	v3 =	vld [tilespmem:s7+$0x0]  }
0x3a4: {  	v7 =	vld.idx.msk [tilespmem:v7+s29+$0x0], $0xffff  }
0x3a5: {  	s5 =	simm.s32 $0x14440;
	v9 =	vld.idx.msk [tilespmem:v9+s29+$0x0], $0xffff  }
0x3a6: {  	v4 =	vshrl.u32 v4, $0x10;
	v2 =	vld [tilespmem:s6+$0xFFFFFFF0];
	[tilespmem:s5+$0xFFFFFFC0] =	vst v6  }
0x3a7: {  	[tilespmem:s5+$0xFFFFFFE0] =	vst v5;
	v5 =	vld.idx.msk [tilespmem:v63+s29+$0x0], $0xffff  }
0x3a8: {  	v6 =	vand.u32 $0xFFFF, v10;
	v11 =	vld.idx.msk [tilespmem:v11+s29+$0x0], $0xffff  }
0x3a9: {  	v15 =	vand.u32 $0xFFFF, v0;
	[tilespmem:s5+$0x0] =	vst v7;
	v12 =	vld.idx.msk [tilespmem:v61+s29+$0x0], $0xffff  }
0x3aa: {  	s7 =	simm.s32 $0x80;
	v16 =	vand.u32 $0xFFFF, v3;
	[tilespmem:s5+$0x20] =	vst v9;
	v13 =	vld.idx.msk [tilespmem:v62+s29+$0x0], $0xffff  }
0x3ab: {  	s8 =	sand.u32 $0xFC0, s7;
	v7 =	vld.idx.msk [tilespmem:v4+s29+$0x0], $0xffff  }
0x3ac: {  	v4 =	vld [tilespmem:s8+$0x2400]  }
0x3ad: {  	v9 =	vld.idx.msk [tilespmem:v6+s29+$0x0], $0xffff;
	[tilespmem:s5+$0xFFFFFFD0] =	vst v11  }
0x3ae: {  	v6 =	vld.idx.msk [tilespmem:v15+s29+$0x0], $0xffff;
	[tilespmem:s5+$0xFFFFFFF0] =	vst v12;
	v11 =	vshrl.u32 v10, $0x10  }
0x3af: {  	s8 =	simm.s32 $0x24F0;
	v10 =	vshrl.u32 v8, $0x10;
	v8 =	vld.idx.msk [tilespmem:v16+s29+$0x0], $0xffff;
	[tilespmem:s5+$0x10] =	vst v13  }
.LBB2_30:
0x3b0: {  	v12 =	vld [tilespmem:s8+$0xFFFFFFE0];
	v13 =	vshrl.u32 v0, $0x10;
	[tilespmem:s5+$0x30] =	vst v7;
	v0 =	vmov v2  }
0x3b1: {  	v7 =	vshrl.u32 v3, $0x10;
	s5 =	sadd.s32 $0x80, s5;
	v3 =	vld [tilespmem:s6+$0x0];
	s6 =	smov.u32 s8  }
0x3b2: {  	v14 =	vand.u32 $0xFFFF, v1;
	v2 =	vld [tilespmem:s8+$0xFFFFFFF0];
	[tilespmem:s5+$0xFFFFFFC0] =	vst v9  }
0x3b3: {  	v9 =	vand.u32 $0xFFFF, v4;
	v11 =	vld.idx.msk [tilespmem:v11+s29+$0x0], $0xffff;
	[tilespmem:s5+$0xFFFFFFE0] =	vst v5  }
0x3b4: {  	v15 =	vand.u32 $0xFFFF, v0;
	v10 =	vld.idx.msk [tilespmem:v10+s29+$0x0], $0xffff;
	[tilespmem:s5+$0x0] =	vst v6  }
0x3b5: {  	s7 =	sadd.s32 $0x40, s7;
	v13 =	vld.idx.msk [tilespmem:v13+s29+$0x0], $0xffff;
	[tilespmem:s5+$0x20] =	vst v8  }
0x3b6: {  	p1 =	slt.u32 s7, $0xFC0;
	v8 =	vand.u32 $0xFFFF, v3;
	v7 =	vld.idx.msk [tilespmem:v7+s29+$0x0], $0xffff  }
.Ltmp14:
0x3b7: {  	v5 =	vld.idx.msk [tilespmem:v14+s29+$0x0], $0xffff;
	(pc) =	sbr.rel @p1 .LBB2_30-.Ltmp14, $4  }
0x3b8: {  	v9 =	vld.idx.msk [tilespmem:v9+s29+$0x0], $0xffff  }
0x3b9: {  	s9 =	sand.u32 $0xFC0, s7;
	v6 =	vld.idx.msk [tilespmem:v15+s29+$0x0], $0xffff;
	[tilespmem:s5+$0xFFFFFFD0] =	vst v11  }
0x3ba: {  	v11 =	vshrl.u32 v4, $0x10;
	v4 =	vld [tilespmem:s9+$0x2400];
	[tilespmem:s5+$0xFFFFFFF0] =	vst v10  }
0x3bb: {  	s8 =	sadd.s32 $0x40, s8;
	v10 =	vshrl.u32 v1, $0x10;
	v1 =	vmov v12;
	v8 =	vld.idx.msk [tilespmem:v8+s29+$0x0], $0xffff;
	[tilespmem:s5+$0x10] =	vst v13  }
0x3bc: {  	v12 =	vld [tilespmem:s6+$0x0];
	_ =	sdelay $0x1  }
0x3bd: {  	s10 =	sadd.s32 $0x80, s5;
	v14 =	vand.u32 $0xFFFF, v1  }
0x3be: {  	[tilespmem:s10+$0xFFFFFFC0] =	vst v9;
	v9 =	vand.u32 $0xFFFF, v2  }
0x3bf: {  	v13 =	vand.u32 $0xFFFF, v4  }
0x3c0: {  	[tilespmem:s10+$0xFFFFFFE0] =	vst v5;
	v11 =	vld.idx.msk [tilespmem:v11+s29+$0x0], $0xffff;
	v5 =	vand.u32 $0xFFFF, v12  }
0x3c1: {  	v0 =	vshrl.u32 v0, $0x10;
	v10 =	vld.idx.msk [tilespmem:v10+s29+$0x0], $0xffff  }
0x3c2: {  	v3 =	vshrl.u32 v3, $0x10;
	[tilespmem:s10+$0x0] =	vst v6;
	v6 =	vld.idx.msk [tilespmem:v14+s29+$0x0], $0xffff  }
0x3c3: {  	v1 =	vshrl.u32 v1, $0x10;
	[tilespmem:s10+$0x20] =	vst v8;
	v8 =	vld.idx.msk [tilespmem:v9+s29+$0x0], $0xffff  }
0x3c4: {  	[tilespmem:s5+$0x30] =	vst v7;
	v2 =	vshrl.u32 v2, $0x10;
	v7 =	vld.idx.msk [tilespmem:v13+s29+$0x0], $0xffff  }
0x3c5: {  	v4 =	vshrl.u32 v4, $0x10;
	[tilespmem:s10+$0xFFFFFFD0] =	vst v11;
	v5 =	vld.idx.msk [tilespmem:v5+s29+$0x0], $0xffff  }
0x3c6: {  	s11 =	sadd.s32 $0x80, s10;
	v0 =	vld.idx.msk [tilespmem:v0+s29+$0x0], $0xffff;
	v9 =	vshrl.u32 v12, $0x10;
	[tilespmem:s10+$0xFFFFFFF0] =	vst v10  }
0x3c7: {  	v3 =	vld.idx.msk [tilespmem:v3+s29+$0x0], $0xffff;
	[tilespmem:s11+$0xFFFFFFE0] =	vst v6  }
0x3c8: {  	v1 =	vld.idx.msk [tilespmem:v1+s29+$0x0], $0xffff;
	[tilespmem:s11+$0x0] =	vst v8  }
0x3c9: {  	v2 =	vld.idx.msk [tilespmem:v2+s29+$0x0], $0xffff;
	[tilespmem:s11+$0xFFFFFFC0] =	vst v7  }
0x3ca: {  	v4 =	vld.idx.msk [tilespmem:v4+s29+$0x0], $0xffff;
	[tilespmem:s11+$0x20] =	vst v5  }
0x3cb: {  	[tilespmem:s10+$0x10] =	vst v0;
	v0 =	vld.idx.msk [tilespmem:v9+s29+$0x0], $0xffff  }
0x3cc: {  	[tilespmem:s10+$0x30] =	vst v3  }
0x3cd: {  	[tilespmem:s11+$0xFFFFFFF0] =	vst v1  }
0x3ce: {  	[tilespmem:s11+$0x10] =	vst v2  }
0x3cf: {  	[tilespmem:s11+$0xFFFFFFD0] =	vst v4  }
0x3d0: {  	[tilespmem:s11+$0x30] =	vst v0  }
0x3d1: {  	[hbm4b:s21+s25] =	stream.strided.scatter [tilespmem:s0], [sflag:$0x4], $0x2000, s26, s25, $0x38;
	[tilespmem:$0x18400] =	vst v63  }
0x3d2: {  	_ =	swait.ge [sflag:s3], $0x2000  }
0x3d3: {  	s13 =	simm.s32 $0x0;
	[sflag:s3] =	ssyncset.done $0x0  }
0x3d4: {  	s6 =	sand.u32 $0xFC0, s13;
	[sflag:s3] =	ssyncadd.s32 $0xFFFFE000  }
0x3d5: {  	s12 =	simm.s32 $0x3430;
	v2 =	vld [tilespmem:s6+$0x3400]  }
0x3d6: {  	v1 =	vld [tilespmem:s12+$0xFFFFFFE0];
	_ =	sdelay $0x1  }
0x3d7: {  	v3 =	vld [tilespmem:s12+$0xFFFFFFF0]  }
0x3d8: {  	v4 =	vld [tilespmem:s12+$0x0]  }
0x3d9: {  	s7 =	simm.s32 $0x3470;
	v6 =	vand.u32 $0xFFFF, v2  }
0x3da: {  	s14 =	simm.s32 $0x40;
	v8 =	vld [tilespmem:s7+$0xFFFFFFE0];
	v5 =	vand.u32 $0xFFFF, v1  }
0x3db: {  	s5 =	sand.u32 $0xFC0, s14;
	v0 =	vld [tilespmem:s7+$0xFFFFFFF0]  }
0x3dc: {  	v10 =	vld [tilespmem:s5+$0x3400];
	s6 =	simm.s32 $0x34B0;
	v7 =	vand.u32 $0xFFFF, v3  }
0x3dd: {  	v9 =	vand.u32 $0xFFFF, v4;
	v61 =	vshrl.u32 v1, $0x10;
	v1 =	vld [tilespmem:s6+$0xFFFFFFE0]  }
0x3de: {  	v6 =	vld.idx.msk [tilespmem:v6+s29+$0x0], $0xffff  }
0x3df: {  	v63 =	vand.u32 $0xFFFF, v8;
	v5 =	vld.idx.msk [tilespmem:v5+s29+$0x0], $0xffff  }
0x3e0: {  	v11 =	vshrl.u32 v2, $0x10;
	v62 =	vshrl.u32 v3, $0x10;
	v3 =	vld [tilespmem:s7+$0x0]  }
0x3e1: {  	v7 =	vld.idx.msk [tilespmem:v7+s29+$0x0], $0xffff  }
0x3e2: {  	s5 =	simm.s32 $0x16440;
	v9 =	vld.idx.msk [tilespmem:v9+s29+$0x0], $0xffff  }
0x3e3: {  	v4 =	vshrl.u32 v4, $0x10;
	v2 =	vld [tilespmem:s6+$0xFFFFFFF0];
	[tilespmem:s5+$0xFFFFFFC0] =	vst v6  }
0x3e4: {  	[tilespmem:s5+$0xFFFFFFE0] =	vst v5;
	v5 =	vld.idx.msk [tilespmem:v63+s29+$0x0], $0xffff  }
0x3e5: {  	v6 =	vand.u32 $0xFFFF, v10;
	v11 =	vld.idx.msk [tilespmem:v11+s29+$0x0], $0xffff  }
0x3e6: {  	v15 =	vand.u32 $0xFFFF, v0;
	[tilespmem:s5+$0x0] =	vst v7;
	v12 =	vld.idx.msk [tilespmem:v61+s29+$0x0], $0xffff  }
0x3e7: {  	s7 =	simm.s32 $0x80;
	v16 =	vand.u32 $0xFFFF, v3;
	[tilespmem:s5+$0x20] =	vst v9;
	v13 =	vld.idx.msk [tilespmem:v62+s29+$0x0], $0xffff  }
0x3e8: {  	s8 =	sand.u32 $0xFC0, s7;
	v7 =	vld.idx.msk [tilespmem:v4+s29+$0x0], $0xffff  }
0x3e9: {  	v4 =	vld [tilespmem:s8+$0x3400]  }
0x3ea: {  	v9 =	vld.idx.msk [tilespmem:v6+s29+$0x0], $0xffff;
	[tilespmem:s5+$0xFFFFFFD0] =	vst v11  }
0x3eb: {  	v6 =	vld.idx.msk [tilespmem:v15+s29+$0x0], $0xffff;
	[tilespmem:s5+$0xFFFFFFF0] =	vst v12;
	v11 =	vshrl.u32 v10, $0x10  }
0x3ec: {  	s8 =	simm.s32 $0x34F0;
	v10 =	vshrl.u32 v8, $0x10;
	v8 =	vld.idx.msk [tilespmem:v16+s29+$0x0], $0xffff;
	[tilespmem:s5+$0x10] =	vst v13  }
.LBB2_32:
0x3ed: {  	v12 =	vld [tilespmem:s8+$0xFFFFFFE0];
	v13 =	vshrl.u32 v0, $0x10;
	[tilespmem:s5+$0x30] =	vst v7;
	v0 =	vmov v2  }
0x3ee: {  	v7 =	vshrl.u32 v3, $0x10;
	s5 =	sadd.s32 $0x80, s5;
	v3 =	vld [tilespmem:s6+$0x0];
	s6 =	smov.u32 s8  }
0x3ef: {  	v14 =	vand.u32 $0xFFFF, v1;
	v2 =	vld [tilespmem:s8+$0xFFFFFFF0];
	[tilespmem:s5+$0xFFFFFFC0] =	vst v9  }
0x3f0: {  	v9 =	vand.u32 $0xFFFF, v4;
	v11 =	vld.idx.msk [tilespmem:v11+s29+$0x0], $0xffff;
	[tilespmem:s5+$0xFFFFFFE0] =	vst v5  }
0x3f1: {  	v15 =	vand.u32 $0xFFFF, v0;
	v10 =	vld.idx.msk [tilespmem:v10+s29+$0x0], $0xffff;
	[tilespmem:s5+$0x0] =	vst v6  }
0x3f2: {  	s7 =	sadd.s32 $0x40, s7;
	v13 =	vld.idx.msk [tilespmem:v13+s29+$0x0], $0xffff;
	[tilespmem:s5+$0x20] =	vst v8  }
0x3f3: {  	p1 =	slt.u32 s7, $0xFC0;
	v8 =	vand.u32 $0xFFFF, v3;
	v7 =	vld.idx.msk [tilespmem:v7+s29+$0x0], $0xffff  }
.Ltmp15:
0x3f4: {  	v5 =	vld.idx.msk [tilespmem:v14+s29+$0x0], $0xffff;
	(pc) =	sbr.rel @p1 .LBB2_32-.Ltmp15, $4  }
0x3f5: {  	v9 =	vld.idx.msk [tilespmem:v9+s29+$0x0], $0xffff  }
0x3f6: {  	s9 =	sand.u32 $0xFC0, s7;
	v6 =	vld.idx.msk [tilespmem:v15+s29+$0x0], $0xffff;
	[tilespmem:s5+$0xFFFFFFD0] =	vst v11  }
0x3f7: {  	v11 =	vshrl.u32 v4, $0x10;
	v4 =	vld [tilespmem:s9+$0x3400];
	[tilespmem:s5+$0xFFFFFFF0] =	vst v10  }
0x3f8: {  	s8 =	sadd.s32 $0x40, s8;
	v10 =	vshrl.u32 v1, $0x10;
	v1 =	vmov v12;
	v8 =	vld.idx.msk [tilespmem:v8+s29+$0x0], $0xffff;
	[tilespmem:s5+$0x10] =	vst v13  }
0x3f9: {  	v12 =	vld [tilespmem:s6+$0x0];
	_ =	sdelay $0x1  }
0x3fa: {  	v14 =	vand.u32 $0xFFFF, v1  }
0x3fb: {  	s13 =	sadd.s32 $0x80, s5;
	v54 =	vand.u32 $0xFFFF, v2  }
0x3fc: {  	[tilespmem:s13+$0xFFFFFFC0] =	vst v9;
	v13 =	vand.u32 $0xFFFF, v4  }
0x3fd: {  	[tilespmem:s13+$0xFFFFFFE0] =	vst v5;
	v11 =	vld.idx.msk [tilespmem:v11+s29+$0x0], $0xffff;
	v55 =	vand.u32 $0xFFFF, v12  }
0x3fe: {  	v0 =	vshrl.u32 v0, $0x10;
	v10 =	vld.idx.msk [tilespmem:v10+s29+$0x0], $0xffff  }
0x3ff: {  	[tilespmem:s5+$0x30] =	vst v7;
	v3 =	vshrl.u32 v3, $0x10;
	v57 =	vld.idx.msk [tilespmem:v14+s29+$0x0], $0xffff  }
0x400: {  	v60 =	vshrl.u32 v1, $0x10;
	[tilespmem:s13+$0x0] =	vst v6;
	v59 =	vld.idx.msk [tilespmem:v54+s29+$0x0], $0xffff  }
0x401: {  	v61 =	vshrl.u32 v2, $0x10;
	[tilespmem:s13+$0x20] =	vst v8;
	v56 =	vld.idx.msk [tilespmem:v13+s29+$0x0], $0xffff  }
0x402: {  	v58 =	vshrl.u32 v4, $0x10;
	[tilespmem:s13+$0xFFFFFFD0] =	vst v11;
	v5 =	vld.idx.msk [tilespmem:v55+s29+$0x0], $0xffff  }
0x403: {  	s14 =	sadd.s32 $0x80, s13;
	v0 =	vld.idx.msk [tilespmem:v0+s29+$0x0], $0xffff;
	v62 =	vshrl.u32 v12, $0x10;
	[tilespmem:s13+$0xFFFFFFF0] =	vst v10  }
0x404: {  	v3 =	vld.idx.msk [tilespmem:v3+s29+$0x0], $0xffff;
	[tilespmem:s14+$0xFFFFFFE0] =	vst v57  }
0x405: {  	[tilespmem:s14+$0x0] =	vst v59;
	v1 =	vld.idx.msk [tilespmem:v60+s29+$0x0], $0xffff  }
0x406: {  	v2 =	vld.idx.msk [tilespmem:v61+s29+$0x0], $0xffff;
	[tilespmem:s14+$0xFFFFFFC0] =	vst v56  }
0x407: {  	v4 =	vld.idx.msk [tilespmem:v58+s29+$0x0], $0xffff;
	[tilespmem:s14+$0x20] =	vst v5  }
0x408: {  	[tilespmem:s13+$0x10] =	vst v0;
	v63 =	vld.idx.msk [tilespmem:v62+s29+$0x0], $0xffff  }
0x409: {  	[tilespmem:s13+$0x30] =	vst v3  }
0x40a: {  	[tilespmem:s14+$0xFFFFFFF0] =	vst v1  }
0x40b: {  	[tilespmem:s14+$0x10] =	vst v2  }
0x40c: {  	[tilespmem:s14+$0xFFFFFFD0] =	vst v4  }
0x40d: {  	s20 =	sadd.s32 $0x1, s20;
	[tilespmem:s14+$0x30] =	vst v63  }
0x40e: {  	[hbm4b:s22+s25] =	stream.strided.scatter [tilespmem:s1], [sflag:$0x5], $0x2000, s26, s25, $0x38;
	[tilespmem:$0x18400] =	vst v63  }
0x40f: {  	p1 =	sne.s32 s20, s24;
	_ =	swait.ge [sflag:s2], $0x2000  }
.Ltmp16:
0x410: {  	[sflag:s2] =	ssyncset.done $0x0;
	(pc) =	sbr.rel @p1 .LBB2_1-.Ltmp16, $4  }
0x411: {  	[sflag:s2] =	ssyncadd.s32 $0xFFFFE000  }
0x412: {  	_ =	swait.ge [sflag:s3], $0x2000  }
0x413: {  	[sflag:s3] =	ssyncset.done $0x0  }
0x414: {  	[sflag:s3] =	ssyncadd.s32 $0xFFFFE000  }
0x415: {  	_ =	sfence.sel $0x180000  }
0x416: {  	[bflag:$0x0] =	sbarrier.arrive $0xFFFF  }
0x417: {  	_ =	strace $0x90000047  }
0x418: {  	[bflag:$0x2] =	sbarrier.arrive $0xFFFF  }
0x419: {  	s0 =	rddreg [dreg:$0x4]  }
0x41a: {  	s0 =	sadd.s32 @!p0 $0x100000, s0  }
0x41b: {  	[sflag:s0] =	ssyncadd.tile.s32 @!p0 $0x1;
	_ =	shalt  }
.Lfunc_end2:
_tile_overlayer_lowered:
.L_overlay_start_2:
0x41c: {  	(tag) =	ssettag $0x2  }
0x41d: {  	s0 =	rddreg [dreg:$0x0];
	s2 =	stileid.u32  }
0x41e: {  	s1 =	rddreg [dreg:$0x1];
	p0 =	sne.s32 s2, $0x0  }
0x41f: {  	s3 =	rddreg [dreg:$0x2];
	[bflag:$0x3] =	sbarrier.arrive $0xFFFF;
	s2 =	simm.s32 @!p0 $0x1C06  }
0x420: {  	[timem:s3], [sflag:s2] =	dma.local @!p0 [hbm:s0], s1  }
0x421: {  	s0 =	simm.s32 @!p0 $0x6  }
0x422: {  	_ =	swait.ge @!p0 [sflag:s0], s1  }
0x423: {  	s1 =	ssub.s32 @!p0 $0x0, s1;
	[sflag:s0] =	ssyncset.done @!p0 $0x0  }
0x424: {  	[sflag:s0] =	ssyncadd.s32 @!p0 s1  }
0x425: {  	[bflag:$0x3] =	sbarrier.arrive $0xFFFF  }
0x426: {  	_ =	shalt  }

</sc_bundles>
